<compile_context>
chip_gen: v7x
topology: tpu7x:2x2x1
jax: 0.10.2.dev20260603
libtpu: 0.0.44.dev20260713+nightly
codegen_flags: <defaults>
</compile_context>

<pallas_src>
import functools

import jax
import jax.numpy as jnp
import numpy as np
from jax import lax
from jax.experimental import pallas as pl
from jax.experimental.pallas import tpu as pltpu
from jax.experimental.pallas import tpu_sc as plsc

D_MODEL = 64
MAX_SEQ_LEN = 256

_NC = 2
_NS = 16
_NW = _NC * _NS


def _pe_row(pos):
    j = jnp.arange(D_MODEL, dtype=jnp.float32)
    angle = pos / jnp.power(10000.0, 2.0 * j / D_MODEL)
    even = (jnp.arange(D_MODEL) % 2 == 0)
    return jnp.where(even, jnp.sin(angle), jnp.cos(angle))


@functools.lru_cache(maxsize=None)
def _make_kernel(B, V):
    assert B % _NW == 0
    per_w = B // _NW
    C = 640
    assert per_w % C == 0
    n_chunks = per_w // C

    mesh = plsc.VectorSubcoreMesh(core_axis_name="c", subcore_axis_name="s")

    @functools.partial(
        pl.kernel,
        mesh=mesh,
        compiler_params=pltpu.CompilerParams(
            use_tc_tiling_on_sc=True, needs_layout_passes=False),
        out_type=jax.ShapeDtypeStruct((B, 128), jnp.float32),
        scratch_types=[
            pltpu.VMEM((per_w,), jnp.int32),
            pltpu.VMEM((per_w,), jnp.int32),
            pltpu.VMEM((C, 128), jnp.float32),
            pltpu.VMEM((D_MODEL,), jnp.float32),
            pltpu.SemaphoreType.DMA,
        ],
    )
    def body(idx_hbm, tab2_hbm, pe_hbm, out_hbm, idx_v, idx2_v, rows_v,
             pe_v, sem):
        cid = lax.axis_index("c")
        sid = lax.axis_index("s")
        w = sid * _NC + cid
        base = w * per_w
        iota = lax.iota(jnp.int32, 16)
        zeros16 = jnp.zeros((16,), jnp.int32)

        pltpu.sync_copy(pe_hbm, pe_v)
        pltpu.sync_copy(
            idx_hbm.at[pl.ds(pl.multiple_of(base, 8), per_w)], idx_v)

        def halve(i, _):
            idx2_v[pl.ds(i * 16, 16)] = lax.shift_right_logical(
                idx_v[pl.ds(i * 16, 16)], 1)
            return 0

        lax.fori_loop(0, per_w // 16, halve, 0)

        pe_regs = [pe_v[pl.ds(k * 16, 16)] for k in range(D_MODEL // 16)]

        for g in range(n_chunks):
            pltpu.async_copy(
                tab2_hbm.at[idx2_v.at[pl.ds(g * C, C)]], rows_v, sem
            ).wait()

            def fixup(rr, _):
                tokv = plsc.load_gather(idx_v, [zeros16 + (g * C + rr)])
                odd = jnp.bitwise_and(tokv, 1) > 0
                for k in range(D_MODEL // 16):
                    lo = rows_v[rr, pl.ds(k * 16, 16)]
                    hi = rows_v[rr, pl.ds(D_MODEL + k * 16, 16)]
                    rows_v[rr, pl.ds(k * 16, 16)] = (
                        jnp.where(odd, hi, lo) + pe_regs[k])
                return 0

            lax.fori_loop(0, C, fixup, 0, unroll=2)
            pltpu.sync_copy(
                rows_v, out_hbm.at[pl.ds(base + g * C, C)])

    return body


def kernel(x, table):
    Bb, Ls = x.shape
    V, D = table.shape
    tab2 = table.reshape(V // 2, 2 * D)
    pe = _pe_row(Ls)
    out = _make_kernel(Bb * Ls, V)(x.reshape(-1), tab2, pe)
    return out[:, :D].reshape(Bb, Ls, D)

# --- scband reference (transcript-rebuilt; emitter-appended) ---
"""Pipeline reference for scband-embedding-26594437497100 (READ-ONLY COPY).

The authoritative reference and input builder live on the scoring server;
editing this copy changes nothing except your own understanding.
"""

import jax, jax.numpy as jnp
import numpy as np

D_MODEL = 64
VOCAB = 1000000
MAX_SEQ_LEN = 256


def make_pe(max_seq_len, d_model):
    i = jnp.arange(max_seq_len, dtype=jnp.float32)[:, None]
    j = jnp.arange(d_model, dtype=jnp.float32)[None, :]
    angle = i / jnp.power(10000.0, 2.0 * j / d_model)
    even = (jnp.arange(d_model) % 2 == 0)[None, :]
    pe = jnp.where(even, jnp.sin(angle), jnp.cos(angle))
    return pe  # [max_seq_len, d_model]


def setup_inputs(seed: int = 0) -> dict:
    key = jax.random.key(seed)
    k1, k2 = jax.random.split(key)
    x = jax.random.randint(k1, (1024, 200), 0, VOCAB, dtype=jnp.int32)
    table = jax.random.normal(k2, (VOCAB, D_MODEL), dtype=jnp.float32)
    return {"x": x, "table": table}


def reference(x, table):
    # embedding lookup (gather)
    embed_out = jnp.take(table, x, axis=0)  # [B, L, D]
    L = embed_out.shape[1]
    # original module indexes pe at scalar position L: pe[:, L, :] -> [1, D]
    pe = make_pe(MAX_SEQ_LEN, D_MODEL)
    pe_row = pe[L][None, :]  # [1, D], broadcasts over [B, L, D]
    out = pe_row + embed_out
    # dropout p=0.0 -> identity
    return out

if __name__ == "__main__":
    import jax
    _d = setup_inputs()
    print(jax.jit(kernel)(*tuple(_d.values())))

</pallas_src>

<mosaic_0001>
#map = affine_map<(d0, d1) -> (0)>
#map1 = affine_map<(d0, d1) -> (0, 0)>
module attributes {stable_mosaic.version = 14 : i64} {
  func.func @body(%arg0: i32, %arg1: i32, %arg2: memref<204800xi32, #tpu.memory_space<hbm>>, %arg3: memref<500000x128xf32, #tpu.memory_space<hbm>>, %arg4: memref<64xf32, #tpu.memory_space<hbm>>, %arg5: memref<204800x128xf32, #tpu.memory_space<hbm>>, %arg6: memref<6400xi32, #tpu.memory_space<vmem>>, %arg7: memref<6400xi32, #tpu.memory_space<vmem>>, %arg8: memref<640x128xf32, #tpu.memory_space<vmem>>, %arg9: memref<64xf32, #tpu.memory_space<vmem>>, %arg10: memref<!tpu.dma_semaphore, #tpu.memory_space<semaphore_mem>>) attributes {dimension_semantics = [#tpu.dimension_semantics<core_parallel>, #tpu.dimension_semantics<subcore_parallel>], iteration_bounds = array<i64: 2, 16>, scalar_prefetch = 0 : i64, scratch_operands = 5 : i64, tpu.core_type = #tpu.core_type<sc_vector_subcore>, window_params = [{transform_indices = #map}, {transform_indices = #map1}, {transform_indices = #map}, {transform_indices = #map1}]} {
    %mul3A = arith.constant 2 : i32
    %mul3A_0 = arith.muli %arg1, %mul3A : i32
    %add3A = arith.addi %mul3A_0, %arg0 : i32
    %mul3A_1 = arith.constant 6400 : i32
    %mul3A_2 = arith.muli %add3A, %mul3A_1 : i32
    %iota3A = tpu.iota {dimensions = array<i32: 0>} : vector<16xi32>
    %broadcast_in_dim3A = arith.constant 0 : i32
    %broadcast_in_dim3A_3 = vector.broadcast %broadcast_in_dim3A : i32 to vector<16xi32>
    "tpu.region"() ({
      %run_scoped3A = tpu.sem_alloc : memref<!tpu.dma_semaphore, #tpu.memory_space<semaphore_mem>>
      tpu.enqueue_dma source(%arg4 : memref<64xf32, #tpu.memory_space<hbm>>) target(%arg9 : memref<64xf32, #tpu.memory_space<vmem>>) target_semaphore(%run_scoped3A : memref<!tpu.dma_semaphore, #tpu.memory_space<semaphore_mem>>)
      tpu.wait_dma2 semaphore(%run_scoped3A : memref<!tpu.dma_semaphore, #tpu.memory_space<semaphore_mem>>) src(%arg4 : memref<64xf32, #tpu.memory_space<hbm>>) dst(%arg9 : memref<64xf32, #tpu.memory_space<vmem>>)
      tpu.yield
    }) : () -> ()
    %multiple_of3A = tpu.assume_multiple %mul3A_2, 8 : i32
    "tpu.region"() ({
      %run_scoped3A = tpu.sem_alloc : memref<!tpu.dma_semaphore, #tpu.memory_space<semaphore_mem>>
      %dma_start3A_205 = tpu.memref_slice %arg2[%multiple_of3A] : memref<204800xi32, #tpu.memory_space<hbm>> -> memref<6400xi32, #tpu.memory_space<hbm>>
      %dma_start3A_206 = tpu.memref_slice %arg2[%multiple_of3A] : memref<204800xi32, #tpu.memory_space<hbm>> -> memref<6400xi32, #tpu.memory_space<hbm>>
      tpu.enqueue_dma source(%dma_start3A_206 : memref<6400xi32, #tpu.memory_space<hbm>>) target(%arg6 : memref<6400xi32, #tpu.memory_space<vmem>>) target_semaphore(%run_scoped3A : memref<!tpu.dma_semaphore, #tpu.memory_space<semaphore_mem>>)
      %dma_wait3A_207 = tpu.memref_slice %arg2[%multiple_of3A] : memref<204800xi32, #tpu.memory_space<hbm>> -> memref<6400xi32, #tpu.memory_space<hbm>>
      %dma_wait3A_208 = tpu.memref_slice %arg2[%multiple_of3A] : memref<204800xi32, #tpu.memory_space<hbm>> -> memref<6400xi32, #tpu.memory_space<hbm>>
      tpu.wait_dma2 semaphore(%run_scoped3A : memref<!tpu.dma_semaphore, #tpu.memory_space<semaphore_mem>>) src(%dma_wait3A_208 : memref<6400xi32, #tpu.memory_space<hbm>>) dst(%arg6 : memref<6400xi32, #tpu.memory_space<vmem>>)
      tpu.yield
    }) : () -> ()
    %scan3A = arith.constant 0 : i32
    %scan3A_4 = arith.constant 0 : i32
    %scan3A_5 = arith.constant 400 : i32
    %scan3A_6 = arith.addi %scan3A_4, %scan3A_5 : i32
    %scan3A_7 = arith.constant 1 : i32
    %scan3A_8 = scf.for %scan3A_205 = %scan3A_4 to %scan3A_6 step %scan3A_7 iter_args(%scan3A_206 = %scan3A) -> (i32)  : i32 {
      %mul3A_207 = arith.constant 16 : i32
      %mul3A_208 = arith.muli %scan3A_205, %mul3A_207 : i32
      %get3A_209 = arith.index_cast %mul3A_208 : i32 to index
      %get3A_210 = tpu.vector_load %arg6[%get3A_209] {strides = array<i32>} : memref<6400xi32, #tpu.memory_space<vmem>>, vector<16xi32>,
      %shift_right_logical3A = arith.constant 1 : i32
      %shift_right_logical3A_211 = vector.broadcast %shift_right_logical3A : i32 to vector<16xi32>
      %shift_right_logical3A_212 = arith.shrui %get3A_210, %shift_right_logical3A_211 : vector<16xi32>
      %mul3A_213 = arith.constant 16 : i32
      %mul3A_214 = arith.muli %scan3A_205, %mul3A_213 : i32
      %swap3A = arith.index_cast %mul3A_214 : i32 to index
      %swap3A_215 = tpu.vector_load %arg7[%swap3A] {strides = array<i32>} : memref<6400xi32, #tpu.memory_space<vmem>>, vector<16xi32>,
      tpu.vector_store %arg7[%swap3A], %shift_right_logical3A_212 {strides = array<i32>} : memref<6400xi32, #tpu.memory_space<vmem>>, vector<16xi32>,
      %scan3A_216 = arith.constant 0 : i32
      scf.yield %scan3A_216 : i32
    }
    %scan3A_9 = arith.constant 400 : i32
    %get3A = arith.constant 0 : index
    %get3A_10 = tpu.vector_load %arg9[%get3A] {strides = array<i32>} : memref<64xf32, #tpu.memory_space<vmem>>, vector<16xf32>,
    %get3A_11 = arith.constant 16 : index
    %get3A_12 = tpu.vector_load %arg9[%get3A_11] {strides = array<i32>} : memref<64xf32, #tpu.memory_space<vmem>>, vector<16xf32>,
    %get3A_13 = arith.constant 32 : index
    %get3A_14 = tpu.vector_load %arg9[%get3A_13] {strides = array<i32>} : memref<64xf32, #tpu.memory_space<vmem>>, vector<16xf32>,
    %get3A_15 = arith.constant 48 : index
    %get3A_16 = tpu.vector_load %arg9[%get3A_15] {strides = array<i32>} : memref<64xf32, #tpu.memory_space<vmem>>, vector<16xf32>,
    %dma_start3A = arith.constant 0 : i32
    %dma_start3A_17 = tpu.memref_slice %arg7[%dma_start3A] : memref<6400xi32, #tpu.memory_space<vmem>> -> memref<640xi32, #tpu.memory_space<vmem>>
    %dma_start3A_18 = arith.constant 0 : i32
    %dma_start3A_19 = arith.constant 0 : i32
    %dma_start3A_20 = tpu.memref_slice %arg3[%dma_start3A_18, %dma_start3A_19] : memref<500000x128xf32, #tpu.memory_space<hbm>> -> memref<500000x128xf32, #tpu.memory_space<hbm>>
    tpu.enqueue_indirect_dma source(%dma_start3A_20 : memref<500000x128xf32, #tpu.memory_space<hbm>>) target(%arg8 : memref<640x128xf32, #tpu.memory_space<vmem>>) offsets(%dma_start3A_17 : memref<640xi32, #tpu.memory_space<vmem>>) semaphore(%arg10 : memref<!tpu.dma_semaphore, #tpu.memory_space<semaphore_mem>>)
    %dma_wait3A = arith.constant 0 : i32
    %dma_wait3A_21 = tpu.memref_slice %arg7[%dma_wait3A] : memref<6400xi32, #tpu.memory_space<vmem>> -> memref<640xi32, #tpu.memory_space<vmem>>
    %dma_wait3A_22 = arith.constant 0 : i32
    %dma_wait3A_23 = arith.constant 0 : i32
    %dma_wait3A_24 = tpu.memref_slice %arg3[%dma_wait3A_22, %dma_wait3A_23] : memref<500000x128xf32, #tpu.memory_space<hbm>> -> memref<500000x128xf32, #tpu.memory_space<hbm>>
    tpu.wait_indirect_dma semaphore(%arg10 : memref<!tpu.dma_semaphore, #tpu.memory_space<semaphore_mem>>) src(%dma_wait3A_24 : memref<500000x128xf32, #tpu.memory_space<hbm>>) dst(%arg8 : memref<640x128xf32, #tpu.memory_space<vmem>>)
    %scan3A_25 = arith.constant 0 : i32
    %scan3A_26 = arith.constant 0 : i32
    %scan3A_27 = arith.constant 640 : i32
    %scan3A_28 = arith.addi %scan3A_26, %scan3A_27 : i32
    %scan3A_29 = arith.constant 2 : i32
    %scan3A_30 = scf.for %scan3A_205 = %scan3A_26 to %scan3A_28 step %scan3A_29 iter_args(%scan3A_206 = %scan3A_25) -> (i32)  : i32 {
      %add3A_207 = arith.constant 0 : i32
      %add3A_208 = arith.addi %add3A_207, %scan3A_205 : i32
      %add3A_209 = vector.broadcast %add3A_208 : i32 to vector<16xi32>
      %add3A_210 = arith.addi %broadcast_in_dim3A_3, %add3A_209 : vector<16xi32>
      %gather3A = tpu.vector_load_idx %arg6[%add3A_210] : memref<6400xi32, #tpu.memory_space<vmem>>[vector<16xi32>], vector<16xi32>,
      %and3A = arith.constant 1 : i32
      %and3A_211 = vector.broadcast %and3A : i32 to vector<16xi32>
      %and3A_212 = arith.andi %gather3A, %and3A_211 : vector<16xi32>
      %gt3A = arith.constant 0 : i32
      %gt3A_213 = vector.broadcast %gt3A : i32 to vector<16xi32>
      %gt3A_214 = arith.cmpi sgt, %and3A_212, %gt3A_213 : vector<16xi32>
      %get3A_215 = arith.index_cast %scan3A_205 : i32 to index
      %get3A_216 = arith.constant 0 : index
      %get3A_217 = tpu.vector_load %arg8[%get3A_215, %get3A_216] {strides = array<i32>} : memref<640x128xf32, #tpu.memory_space<vmem>>, vector<16xf32>,
      %get3A_218 = arith.index_cast %scan3A_205 : i32 to index
      %get3A_219 = arith.constant 64 : index
      %get3A_220 = tpu.vector_load %arg8[%get3A_218, %get3A_219] {strides = array<i32>} : memref<640x128xf32, #tpu.memory_space<vmem>>, vector<16xf32>,
      %select_n3A = arith.select %gt3A_214, %get3A_220, %get3A_217 : vector<16xi1>, vector<16xf32>
      %add3A_221 = arith.addf %select_n3A, %get3A_10 : vector<16xf32>
      %swap3A = arith.index_cast %scan3A_205 : i32 to index
      %swap3A_222 = arith.constant 0 : index
      %swap3A_223 = tpu.vector_load %arg8[%swap3A, %swap3A_222] {strides = array<i32>} : memref<640x128xf32, #tpu.memory_space<vmem>>, vector<16xf32>,
      tpu.vector_store %arg8[%swap3A, %swap3A_222], %add3A_221 {strides = array<i32>} : memref<640x128xf32, #tpu.memory_space<vmem>>, vector<16xf32>,
      %get3A_224 = arith.index_cast %scan3A_205 : i32 to index
      %get3A_225 = arith.constant 16 : index
      %get3A_226 = tpu.vector_load %arg8[%get3A_224, %get3A_225] {strides = array<i32>} : memref<640x128xf32, #tpu.memory_space<vmem>>, vector<16xf32>,
      %get3A_227 = arith.index_cast %scan3A_205 : i32 to index
      %get3A_228 = arith.constant 80 : index
      %get3A_229 = tpu.vector_load %arg8[%get3A_227, %get3A_228] {strides = array<i32>} : memref<640x128xf32, #tpu.memory_space<vmem>>, vector<16xf32>,
      %select_n3A_230 = arith.select %gt3A_214, %get3A_229, %get3A_226 : vector<16xi1>, vector<16xf32>
      %add3A_231 = arith.addf %select_n3A_230, %get3A_12 : vector<16xf32>
      %swap3A_232 = arith.index_cast %scan3A_205 : i32 to index
      %swap3A_233 = arith.constant 16 : index
      %swap3A_234 = tpu.vector_load %arg8[%swap3A_232, %swap3A_233] {strides = array<i32>} : memref<640x128xf32, #tpu.memory_space<vmem>>, vector<16xf32>,
      tpu.vector_store %arg8[%swap3A_232, %swap3A_233], %add3A_231 {strides = array<i32>} : memref<640x128xf32, #tpu.memory_space<vmem>>, vector<16xf32>,
      %get3A_235 = arith.index_cast %scan3A_205 : i32 to index
      %get3A_236 = arith.constant 32 : index
      %get3A_237 = tpu.vector_load %arg8[%get3A_235, %get3A_236] {strides = array<i32>} : memref<640x128xf32, #tpu.memory_space<vmem>>, vector<16xf32>,
      %get3A_238 = arith.index_cast %scan3A_205 : i32 to index
      %get3A_239 = arith.constant 96 : index
      %get3A_240 = tpu.vector_load %arg8[%get3A_238, %get3A_239] {strides = array<i32>} : memref<640x128xf32, #tpu.memory_space<vmem>>, vector<16xf32>,
      %select_n3A_241 = arith.select %gt3A_214, %get3A_240, %get3A_237 : vector<16xi1>, vector<16xf32>
      %add3A_242 = arith.addf %select_n3A_241, %get3A_14 : vector<16xf32>
      %swap3A_243 = arith.index_cast %scan3A_205 : i32 to index
      %swap3A_244 = arith.constant 32 : index
      %swap3A_245 = tpu.vector_load %arg8[%swap3A_243, %swap3A_244] {strides = array<i32>} : memref<640x128xf32, #tpu.memory_space<vmem>>, vector<16xf32>,
      tpu.vector_store %arg8[%swap3A_243, %swap3A_244], %add3A_242 {strides = array<i32>} : memref<640x128xf32, #tpu.memory_space<vmem>>, vector<16xf32>,
      %get3A_246 = arith.index_cast %scan3A_205 : i32 to index
      %get3A_247 = arith.constant 48 : index
      %get3A_248 = tpu.vector_load %arg8[%get3A_246, %get3A_247] {strides = array<i32>} : memref<640x128xf32, #tpu.memory_space<vmem>>, vector<16xf32>,
      %get3A_249 = arith.index_cast %scan3A_205 : i32 to index
      %get3A_250 = arith.constant 112 : index
      %get3A_251 = tpu.vector_load %arg8[%get3A_249, %get3A_250] {strides = array<i32>} : memref<640x128xf32, #tpu.memory_space<vmem>>, vector<16xf32>,
      %select_n3A_252 = arith.select %gt3A_214, %get3A_251, %get3A_248 : vector<16xi1>, vector<16xf32>
      %add3A_253 = arith.addf %select_n3A_252, %get3A_16 : vector<16xf32>
      %swap3A_254 = arith.index_cast %scan3A_205 : i32 to index
      %swap3A_255 = arith.constant 48 : index
      %swap3A_256 = tpu.vector_load %arg8[%swap3A_254, %swap3A_255] {strides = array<i32>} : memref<640x128xf32, #tpu.memory_space<vmem>>, vector<16xf32>,
      tpu.vector_store %arg8[%swap3A_254, %swap3A_255], %add3A_253 {strides = array<i32>} : memref<640x128xf32, #tpu.memory_space<vmem>>, vector<16xf32>,
      %scan3A_257 = arith.constant 0 : i32
      %scan3A_258 = arith.constant 1 : i32
      %scan3A_259 = arith.addi %scan3A_205, %scan3A_258 : i32
      %add3A_260 = arith.constant 0 : i32
      %add3A_261 = arith.addi %add3A_260, %scan3A_259 : i32
      %add3A_262 = vector.broadcast %add3A_261 : i32 to vector<16xi32>
      %add3A_263 = arith.addi %broadcast_in_dim3A_3, %add3A_262 : vector<16xi32>
      %gather3A_264 = tpu.vector_load_idx %arg6[%add3A_263] : memref<6400xi32, #tpu.memory_space<vmem>>[vector<16xi32>], vector<16xi32>,
      %and3A_265 = arith.constant 1 : i32
      %and3A_266 = vector.broadcast %and3A_265 : i32 to vector<16xi32>
      %and3A_267 = arith.andi %gather3A_264, %and3A_266 : vector<16xi32>
      %gt3A_268 = arith.constant 0 : i32
      %gt3A_269 = vector.broadcast %gt3A_268 : i32 to vector<16xi32>
      %gt3A_270 = arith.cmpi sgt, %and3A_267, %gt3A_269 : vector<16xi32>
      %get3A_271 = arith.index_cast %scan3A_259 : i32 to index
      %get3A_272 = arith.constant 0 : index
      %get3A_273 = tpu.vector_load %arg8[%get3A_271, %get3A_272] {strides = array<i32>} : memref<640x128xf32, #tpu.memory_space<vmem>>, vector<16xf32>,
      %get3A_274 = arith.index_cast %scan3A_259 : i32 to index
      %get3A_275 = arith.constant 64 : index
      %get3A_276 = tpu.vector_load %arg8[%get3A_274, %get3A_275] {strides = array<i32>} : memref<640x128xf32, #tpu.memory_space<vmem>>, vector<16xf32>,
      %select_n3A_277 = arith.select %gt3A_270, %get3A_276, %get3A_273 : vector<16xi1>, vector<16xf32>
      %add3A_278 = arith.addf %select_n3A_277, %get3A_10 : vector<16xf32>
      %swap3A_279 = arith.index_cast %scan3A_259 : i32 to index
      %swap3A_280 = arith.constant 0 : index
      %swap3A_281 = tpu.vector_load %arg8[%swap3A_279, %swap3A_280] {strides = array<i32>} : memref<640x128xf32, #tpu.memory_space<vmem>>, vector<16xf32>,
      tpu.vector_store %arg8[%swap3A_279, %swap3A_280], %add3A_278 {strides = array<i32>} : memref<640x128xf32, #tpu.memory_space<vmem>>, vector<16xf32>,
      %get3A_282 = arith.index_cast %scan3A_259 : i32 to index
      %get3A_283 = arith.constant 16 : index
      %get3A_284 = tpu.vector_load %arg8[%get3A_282, %get3A_283] {strides = array<i32>} : memref<640x128xf32, #tpu.memory_space<vmem>>, vector<16xf32>,
      %get3A_285 = arith.index_cast %scan3A_259 : i32 to index
      %get3A_286 = arith.constant 80 : index
      %get3A_287 = tpu.vector_load %arg8[%get3A_285, %get3A_286] {strides = array<i32>} : memref<640x128xf32, #tpu.memory_space<vmem>>, vector<16xf32>,
      %select_n3A_288 = arith.select %gt3A_270, %get3A_287, %get3A_284 : vector<16xi1>, vector<16xf32>
      %add3A_289 = arith.addf %select_n3A_288, %get3A_12 : vector<16xf32>
      %swap3A_290 = arith.index_cast %scan3A_259 : i32 to index
      %swap3A_291 = arith.constant 16 : index
      %swap3A_292 = tpu.vector_load %arg8[%swap3A_290, %swap3A_291] {strides = array<i32>} : memref<640x128xf32, #tpu.memory_space<vmem>>, vector<16xf32>,
      tpu.vector_store %arg8[%swap3A_290, %swap3A_291], %add3A_289 {strides = array<i32>} : memref<640x128xf32, #tpu.memory_space<vmem>>, vector<16xf32>,
      %get3A_293 = arith.index_cast %scan3A_259 : i32 to index
      %get3A_294 = arith.constant 32 : index
      %get3A_295 = tpu.vector_load %arg8[%get3A_293, %get3A_294] {strides = array<i32>} : memref<640x128xf32, #tpu.memory_space<vmem>>, vector<16xf32>,
      %get3A_296 = arith.index_cast %scan3A_259 : i32 to index
      %get3A_297 = arith.constant 96 : index
      %get3A_298 = tpu.vector_load %arg8[%get3A_296, %get3A_297] {strides = array<i32>} : memref<640x128xf32, #tpu.memory_space<vmem>>, vector<16xf32>,
      %select_n3A_299 = arith.select %gt3A_270, %get3A_298, %get3A_295 : vector<16xi1>, vector<16xf32>
      %add3A_300 = arith.addf %select_n3A_299, %get3A_14 : vector<16xf32>
      %swap3A_301 = arith.index_cast %scan3A_259 : i32 to index
      %swap3A_302 = arith.constant 32 : index
      %swap3A_303 = tpu.vector_load %arg8[%swap3A_301, %swap3A_302] {strides = array<i32>} : memref<640x128xf32, #tpu.memory_space<vmem>>, vector<16xf32>,
      tpu.vector_store %arg8[%swap3A_301, %swap3A_302], %add3A_300 {strides = array<i32>} : memref<640x128xf32, #tpu.memory_space<vmem>>, vector<16xf32>,
      %get3A_304 = arith.index_cast %scan3A_259 : i32 to index
      %get3A_305 = arith.constant 48 : index
      %get3A_306 = tpu.vector_load %arg8[%get3A_304, %get3A_305] {strides = array<i32>} : memref<640x128xf32, #tpu.memory_space<vmem>>, vector<16xf32>,
      %get3A_307 = arith.index_cast %scan3A_259 : i32 to index
      %get3A_308 = arith.constant 112 : index
      %get3A_309 = tpu.vector_load %arg8[%get3A_307, %get3A_308] {strides = array<i32>} : memref<640x128xf32, #tpu.memory_space<vmem>>, vector<16xf32>,
      %select_n3A_310 = arith.select %gt3A_270, %get3A_309, %get3A_306 : vector<16xi1>, vector<16xf32>
      %add3A_311 = arith.addf %select_n3A_310, %get3A_16 : vector<16xf32>
      %swap3A_312 = arith.index_cast %scan3A_259 : i32 to index
      %swap3A_313 = arith.constant 48 : index
      %swap3A_314 = tpu.vector_load %arg8[%swap3A_312, %swap3A_313] {strides = array<i32>} : memref<640x128xf32, #tpu.memory_space<vmem>>, vector<16xf32>,
      tpu.vector_store %arg8[%swap3A_312, %swap3A_313], %add3A_311 {strides = array<i32>} : memref<640x128xf32, #tpu.memory_space<vmem>>, vector<16xf32>,
      %scan3A_315 = arith.constant 0 : i32
      scf.yield %scan3A_315 : i32
    }
    %scan3A_31 = arith.constant 640 : i32
    %add3A_32 = arith.constant 0 : i32
    %add3A_33 = arith.addi %mul3A_2, %add3A_32 : i32
    "tpu.region"() ({
      %run_scoped3A = tpu.sem_alloc : memref<!tpu.dma_semaphore, #tpu.memory_space<semaphore_mem>>
      %dma_start3A_205 = arith.constant 0 : i32
      %dma_start3A_206 = tpu.memref_slice %arg5[%add3A_33, %dma_start3A_205] : memref<204800x128xf32, #tpu.memory_space<hbm>> -> memref<640x128xf32, #tpu.memory_space<hbm>>
      %dma_start3A_207 = arith.constant 0 : i32
      %dma_start3A_208 = tpu.memref_slice %arg5[%add3A_33, %dma_start3A_207] : memref<204800x128xf32, #tpu.memory_space<hbm>> -> memref<640x128xf32, #tpu.memory_space<hbm>>
      tpu.enqueue_dma source(%arg8 : memref<640x128xf32, #tpu.memory_space<vmem>>) target(%dma_start3A_208 : memref<640x128xf32, #tpu.memory_space<hbm>>) target_semaphore(%run_scoped3A : memref<!tpu.dma_semaphore, #tpu.memory_space<semaphore_mem>>)
      %dma_wait3A_209 = arith.constant 0 : i32
      %dma_wait3A_210 = tpu.memref_slice %arg5[%add3A_33, %dma_wait3A_209] : memref<204800x128xf32, #tpu.memory_space<hbm>> -> memref<640x128xf32, #tpu.memory_space<hbm>>
      %dma_wait3A_211 = arith.constant 0 : i32
      %dma_wait3A_212 = tpu.memref_slice %arg5[%add3A_33, %dma_wait3A_211] : memref<204800x128xf32, #tpu.memory_space<hbm>> -> memref<640x128xf32, #tpu.memory_space<hbm>>
      tpu.wait_dma2 semaphore(%run_scoped3A : memref<!tpu.dma_semaphore, #tpu.memory_space<semaphore_mem>>) src(%arg8 : memref<640x128xf32, #tpu.memory_space<vmem>>) dst(%dma_wait3A_212 : memref<640x128xf32, #tpu.memory_space<hbm>>)
      tpu.yield
    }) : () -> ()
    %dma_start3A_34 = arith.constant 640 : i32
    %dma_start3A_35 = tpu.memref_slice %arg7[%dma_start3A_34] : memref<6400xi32, #tpu.memory_space<vmem>> -> memref<640xi32, #tpu.memory_space<vmem>>
    %dma_start3A_36 = arith.constant 0 : i32
    %dma_start3A_37 = arith.constant 0 : i32
    %dma_start3A_38 = tpu.memref_slice %arg3[%dma_start3A_36, %dma_start3A_37] : memref<500000x128xf32, #tpu.memory_space<hbm>> -> memref<500000x128xf32, #tpu.memory_space<hbm>>
    tpu.enqueue_indirect_dma source(%dma_start3A_38 : memref<500000x128xf32, #tpu.memory_space<hbm>>) target(%arg8 : memref<640x128xf32, #tpu.memory_space<vmem>>) offsets(%dma_start3A_35 : memref<640xi32, #tpu.memory_space<vmem>>) semaphore(%arg10 : memref<!tpu.dma_semaphore, #tpu.memory_space<semaphore_mem>>)
    %dma_wait3A_39 = arith.constant 640 : i32
    %dma_wait3A_40 = tpu.memref_slice %arg7[%dma_wait3A_39] : memref<6400xi32, #tpu.memory_space<vmem>> -> memref<640xi32, #tpu.memory_space<vmem>>
    %dma_wait3A_41 = arith.constant 0 : i32
    %dma_wait3A_42 = arith.constant 0 : i32
    %dma_wait3A_43 = tpu.memref_slice %arg3[%dma_wait3A_41, %dma_wait3A_42] : memref<500000x128xf32, #tpu.memory_space<hbm>> -> memref<500000x128xf32, #tpu.memory_space<hbm>>
    tpu.wait_indirect_dma semaphore(%arg10 : memref<!tpu.dma_semaphore, #tpu.memory_space<semaphore_mem>>) src(%dma_wait3A_43 : memref<500000x128xf32, #tpu.memory_space<hbm>>) dst(%arg8 : memref<640x128xf32, #tpu.memory_space<vmem>>)
    %scan3A_44 = arith.constant 0 : i32
    %scan3A_45 = arith.constant 0 : i32
    %scan3A_46 = arith.constant 640 : i32
    %scan3A_47 = arith.addi %scan3A_45, %scan3A_46 : i32
    %scan3A_48 = arith.constant 2 : i32
    %scan3A_49 = scf.for %scan3A_205 = %scan3A_45 to %scan3A_47 step %scan3A_48 iter_args(%scan3A_206 = %scan3A_44) -> (i32)  : i32 {
      %add3A_207 = arith.constant 640 : i32
      %add3A_208 = arith.addi %add3A_207, %scan3A_205 : i32
      %add3A_209 = vector.broadcast %add3A_208 : i32 to vector<16xi32>
      %add3A_210 = arith.addi %broadcast_in_dim3A_3, %add3A_209 : vector<16xi32>
      %gather3A = tpu.vector_load_idx %arg6[%add3A_210] : memref<6400xi32, #tpu.memory_space<vmem>>[vector<16xi32>], vector<16xi32>,
      %and3A = arith.constant 1 : i32
      %and3A_211 = vector.broadcast %and3A : i32 to vector<16xi32>
      %and3A_212 = arith.andi %gather3A, %and3A_211 : vector<16xi32>
      %gt3A = arith.constant 0 : i32
      %gt3A_213 = vector.broadcast %gt3A : i32 to vector<16xi32>
      %gt3A_214 = arith.cmpi sgt, %and3A_212, %gt3A_213 : vector<16xi32>
      %get3A_215 = arith.index_cast %scan3A_205 : i32 to index
      %get3A_216 = arith.constant 0 : index
      %get3A_217 = tpu.vector_load %arg8[%get3A_215, %get3A_216] {strides = array<i32>} : memref<640x128xf32, #tpu.memory_space<vmem>>, vector<16xf32>,
      %get3A_218 = arith.index_cast %scan3A_205 : i32 to index
      %get3A_219 = arith.constant 64 : index
      %get3A_220 = tpu.vector_load %arg8[%get3A_218, %get3A_219] {strides = array<i32>} : memref<640x128xf32, #tpu.memory_space<vmem>>, vector<16xf32>,
      %select_n3A = arith.select %gt3A_214, %get3A_220, %get3A_217 : vector<16xi1>, vector<16xf32>
      %add3A_221 = arith.addf %select_n3A, %get3A_10 : vector<16xf32>
      %swap3A = arith.index_cast %scan3A_205 : i32 to index
      %swap3A_222 = arith.constant 0 : index
      %swap3A_223 = tpu.vector_load %arg8[%swap3A, %swap3A_222] {strides = array<i32>} : memref<640x128xf32, #tpu.memory_space<vmem>>, vector<16xf32>,
      tpu.vector_store %arg8[%swap3A, %swap3A_222], %add3A_221 {strides = array<i32>} : memref<640x128xf32, #tpu.memory_space<vmem>>, vector<16xf32>,
      %get3A_224 = arith.index_cast %scan3A_205 : i32 to index
      %get3A_225 = arith.constant 16 : index
      %get3A_226 = tpu.vector_load %arg8[%get3A_224, %get3A_225] {strides = array<i32>} : memref<640x128xf32, #tpu.memory_space<vmem>>, vector<16xf32>,
      %get3A_227 = arith.index_cast %scan3A_205 : i32 to index
      %get3A_228 = arith.constant 80 : index
      %get3A_229 = tpu.vector_load %arg8[%get3A_227, %get3A_228] {strides = array<i32>} : memref<640x128xf32, #tpu.memory_space<vmem>>, vector<16xf32>,
      %select_n3A_230 = arith.select %gt3A_214, %get3A_229, %get3A_226 : vector<16xi1>, vector<16xf32>
      %add3A_231 = arith.addf %select_n3A_230, %get3A_12 : vector<16xf32>
      %swap3A_232 = arith.index_cast %scan3A_205 : i32 to index
      %swap3A_233 = arith.constant 16 : index
      %swap3A_234 = tpu.vector_load %arg8[%swap3A_232, %swap3A_233] {strides = array<i32>} : memref<640x128xf32, #tpu.memory_space<vmem>>, vector<16xf32>,
      tpu.vector_store %arg8[%swap3A_232, %swap3A_233], %add3A_231 {strides = array<i32>} : memref<640x128xf32, #tpu.memory_space<vmem>>, vector<16xf32>,
      %get3A_235 = arith.index_cast %scan3A_205 : i32 to index
      %get3A_236 = arith.constant 32 : index
      %get3A_237 = tpu.vector_load %arg8[%get3A_235, %get3A_236] {strides = array<i32>} : memref<640x128xf32, #tpu.memory_space<vmem>>, vector<16xf32>,
      %get3A_238 = arith.index_cast %scan3A_205 : i32 to index
      %get3A_239 = arith.constant 96 : index
      %get3A_240 = tpu.vector_load %arg8[%get3A_238, %get3A_239] {strides = array<i32>} : memref<640x128xf32, #tpu.memory_space<vmem>>, vector<16xf32>,
      %select_n3A_241 = arith.select %gt3A_214, %get3A_240, %get3A_237 : vector<16xi1>, vector<16xf32>
      %add3A_242 = arith.addf %select_n3A_241, %get3A_14 : vector<16xf32>
      %swap3A_243 = arith.index_cast %scan3A_205 : i32 to index
      %swap3A_244 = arith.constant 32 : index
      %swap3A_245 = tpu.vector_load %arg8[%swap3A_243, %swap3A_244] {strides = array<i32>} : memref<640x128xf32, #tpu.memory_space<vmem>>, vector<16xf32>,
      tpu.vector_store %arg8[%swap3A_243, %swap3A_244], %add3A_242 {strides = array<i32>} : memref<640x128xf32, #tpu.memory_space<vmem>>, vector<16xf32>,
      %get3A_246 = arith.index_cast %scan3A_205 : i32 to index
      %get3A_247 = arith.constant 48 : index
      %get3A_248 = tpu.vector_load %arg8[%get3A_246, %get3A_247] {strides = array<i32>} : memref<640x128xf32, #tpu.memory_space<vmem>>, vector<16xf32>,
      %get3A_249 = arith.index_cast %scan3A_205 : i32 to index
      %get3A_250 = arith.constant 112 : index
      %get3A_251 = tpu.vector_load %arg8[%get3A_249, %get3A_250] {strides = array<i32>} : memref<640x128xf32, #tpu.memory_space<vmem>>, vector<16xf32>,
      %select_n3A_252 = arith.select %gt3A_214, %get3A_251, %get3A_248 : vector<16xi1>, vector<16xf32>
      %add3A_253 = arith.addf %select_n3A_252, %get3A_16 : vector<16xf32>
      %swap3A_254 = arith.index_cast %scan3A_205 : i32 to index
      %swap3A_255 = arith.constant 48 : index
      %swap3A_256 = tpu.vector_load %arg8[%swap3A_254, %swap3A_255] {strides = array<i32>} : memref<640x128xf32, #tpu.memory_space<vmem>>, vector<16xf32>,
      tpu.vector_store %arg8[%swap3A_254, %swap3A_255], %add3A_253 {strides = array<i32>} : memref<640x128xf32, #tpu.memory_space<vmem>>, vector<16xf32>,
      %scan3A_257 = arith.constant 0 : i32
      %scan3A_258 = arith.constant 1 : i32
      %scan3A_259 = arith.addi %scan3A_205, %scan3A_258 : i32
      %add3A_260 = arith.constant 640 : i32
      %add3A_261 = arith.addi %add3A_260, %scan3A_259 : i32
      %add3A_262 = vector.broadcast %add3A_261 : i32 to vector<16xi32>
      %add3A_263 = arith.addi %broadcast_in_dim3A_3, %add3A_262 : vector<16xi32>
      %gather3A_264 = tpu.vector_load_idx %arg6[%add3A_263] : memref<6400xi32, #tpu.memory_space<vmem>>[vector<16xi32>], vector<16xi32>,
      %and3A_265 = arith.constant 1 : i32
      %and3A_266 = vector.broadcast %and3A_265 : i32 to vector<16xi32>
      %and3A_267 = arith.andi %gather3A_264, %and3A_266 : vector<16xi32>
      %gt3A_268 = arith.constant 0 : i32
      %gt3A_269 = vector.broadcast %gt3A_268 : i32 to vector<16xi32>
      %gt3A_270 = arith.cmpi sgt, %and3A_267, %gt3A_269 : vector<16xi32>
      %get3A_271 = arith.index_cast %scan3A_259 : i32 to index
      %get3A_272 = arith.constant 0 : index
      %get3A_273 = tpu.vector_load %arg8[%get3A_271, %get3A_272] {strides = array<i32>} : memref<640x128xf32, #tpu.memory_space<vmem>>, vector<16xf32>,
      %get3A_274 = arith.index_cast %scan3A_259 : i32 to index
      %get3A_275 = arith.constant 64 : index
      %get3A_276 = tpu.vector_load %arg8[%get3A_274, %get3A_275] {strides = array<i32>} : memref<640x128xf32, #tpu.memory_space<vmem>>, vector<16xf32>,
      %select_n3A_277 = arith.select %gt3A_270, %get3A_276, %get3A_273 : vector<16xi1>, vector<16xf32>
      %add3A_278 = arith.addf %select_n3A_277, %get3A_10 : vector<16xf32>
      %swap3A_279 = arith.index_cast %scan3A_259 : i32 to index
      %swap3A_280 = arith.constant 0 : index
      %swap3A_281 = tpu.vector_load %arg8[%swap3A_279, %swap3A_280] {strides = array<i32>} : memref<640x128xf32, #tpu.memory_space<vmem>>, vector<16xf32>,
      tpu.vector_store %arg8[%swap3A_279, %swap3A_280], %add3A_278 {strides = array<i32>} : memref<640x128xf32, #tpu.memory_space<vmem>>, vector<16xf32>,
      %get3A_282 = arith.index_cast %scan3A_259 : i32 to index
      %get3A_283 = arith.constant 16 : index
      %get3A_284 = tpu.vector_load %arg8[%get3A_282, %get3A_283] {strides = array<i32>} : memref<640x128xf32, #tpu.memory_space<vmem>>, vector<16xf32>,
      %get3A_285 = arith.index_cast %scan3A_259 : i32 to index
      %get3A_286 = arith.constant 80 : index
      %get3A_287 = tpu.vector_load %arg8[%get3A_285, %get3A_286] {strides = array<i32>} : memref<640x128xf32, #tpu.memory_space<vmem>>, vector<16xf32>,
      %select_n3A_288 = arith.select %gt3A_270, %get3A_287, %get3A_284 : vector<16xi1>, vector<16xf32>
      %add3A_289 = arith.addf %select_n3A_288, %get3A_12 : vector<16xf32>
      %swap3A_290 = arith.index_cast %scan3A_259 : i32 to index
      %swap3A_291 = arith.constant 16 : index
      %swap3A_292 = tpu.vector_load %arg8[%swap3A_290, %swap3A_291] {strides = array<i32>} : memref<640x128xf32, #tpu.memory_space<vmem>>, vector<16xf32>,
      tpu.vector_store %arg8[%swap3A_290, %swap3A_291], %add3A_289 {strides = array<i32>} : memref<640x128xf32, #tpu.memory_space<vmem>>, vector<16xf32>,
      %get3A_293 = arith.index_cast %scan3A_259 : i32 to index
      %get3A_294 = arith.constant 32 : index
      %get3A_295 = tpu.vector_load %arg8[%get3A_293, %get3A_294] {strides = array<i32>} : memref<640x128xf32, #tpu.memory_space<vmem>>, vector<16xf32>,
      %get3A_296 = arith.index_cast %scan3A_259 : i32 to index
      %get3A_297 = arith.constant 96 : index
      %get3A_298 = tpu.vector_load %arg8[%get3A_296, %get3A_297] {strides = array<i32>} : memref<640x128xf32, #tpu.memory_space<vmem>>, vector<16xf32>,
      %select_n3A_299 = arith.select %gt3A_270, %get3A_298, %get3A_295 : vector<16xi1>, vector<16xf32>
      %add3A_300 = arith.addf %select_n3A_299, %get3A_14 : vector<16xf32>
      %swap3A_301 = arith.index_cast %scan3A_259 : i32 to index
      %swap3A_302 = arith.constant 32 : index
      %swap3A_303 = tpu.vector_load %arg8[%swap3A_301, %swap3A_302] {strides = array<i32>} : memref<640x128xf32, #tpu.memory_space<vmem>>, vector<16xf32>,
      tpu.vector_store %arg8[%swap3A_301, %swap3A_302], %add3A_300 {strides = array<i32>} : memref<640x128xf32, #tpu.memory_space<vmem>>, vector<16xf32>,
      %get3A_304 = arith.index_cast %scan3A_259 : i32 to index
      %get3A_305 = arith.constant 48 : index
      %get3A_306 = tpu.vector_load %arg8[%get3A_304, %get3A_305] {strides = array<i32>} : memref<640x128xf32, #tpu.memory_space<vmem>>, vector<16xf32>,
      %get3A_307 = arith.index_cast %scan3A_259 : i32 to index
      %get3A_308 = arith.constant 112 : index
      %get3A_309 = tpu.vector_load %arg8[%get3A_307, %get3A_308] {strides = array<i32>} : memref<640x128xf32, #tpu.memory_space<vmem>>, vector<16xf32>,
      %select_n3A_310 = arith.select %gt3A_270, %get3A_309, %get3A_306 : vector<16xi1>, vector<16xf32>
      %add3A_311 = arith.addf %select_n3A_310, %get3A_16 : vector<16xf32>
      %swap3A_312 = arith.index_cast %scan3A_259 : i32 to index
      %swap3A_313 = arith.constant 48 : index
      %swap3A_314 = tpu.vector_load %arg8[%swap3A_312, %swap3A_313] {strides = array<i32>} : memref<640x128xf32, #tpu.memory_space<vmem>>, vector<16xf32>,
      tpu.vector_store %arg8[%swap3A_312, %swap3A_313], %add3A_311 {strides = array<i32>} : memref<640x128xf32, #tpu.memory_space<vmem>>, vector<16xf32>,
      %scan3A_315 = arith.constant 0 : i32
      scf.yield %scan3A_315 : i32
    }
    %scan3A_50 = arith.constant 640 : i32
    %add3A_51 = arith.constant 640 : i32
    %add3A_52 = arith.addi %mul3A_2, %add3A_51 : i32
    "tpu.region"() ({
      %run_scoped3A = tpu.sem_alloc : memref<!tpu.dma_semaphore, #tpu.memory_space<semaphore_mem>>
      %dma_start3A_205 = arith.constant 0 : i32
      %dma_start3A_206 = tpu.memref_slice %arg5[%add3A_52, %dma_start3A_205] : memref<204800x128xf32, #tpu.memory_space<hbm>> -> memref<640x128xf32, #tpu.memory_space<hbm>>
      %dma_start3A_207 = arith.constant 0 : i32
      %dma_start3A_208 = tpu.memref_slice %arg5[%add3A_52, %dma_start3A_207] : memref<204800x128xf32, #tpu.memory_space<hbm>> -> memref<640x128xf32, #tpu.memory_space<hbm>>
      tpu.enqueue_dma source(%arg8 : memref<640x128xf32, #tpu.memory_space<vmem>>) target(%dma_start3A_208 : memref<640x128xf32, #tpu.memory_space<hbm>>) target_semaphore(%run_scoped3A : memref<!tpu.dma_semaphore, #tpu.memory_space<semaphore_mem>>)
      %dma_wait3A_209 = arith.constant 0 : i32
      %dma_wait3A_210 = tpu.memref_slice %arg5[%add3A_52, %dma_wait3A_209] : memref<204800x128xf32, #tpu.memory_space<hbm>> -> memref<640x128xf32, #tpu.memory_space<hbm>>
      %dma_wait3A_211 = arith.constant 0 : i32
      %dma_wait3A_212 = tpu.memref_slice %arg5[%add3A_52, %dma_wait3A_211] : memref<204800x128xf32, #tpu.memory_space<hbm>> -> memref<640x128xf32, #tpu.memory_space<hbm>>
      tpu.wait_dma2 semaphore(%run_scoped3A : memref<!tpu.dma_semaphore, #tpu.memory_space<semaphore_mem>>) src(%arg8 : memref<640x128xf32, #tpu.memory_space<vmem>>) dst(%dma_wait3A_212 : memref<640x128xf32, #tpu.memory_space<hbm>>)
      tpu.yield
    }) : () -> ()
    %dma_start3A_53 = arith.constant 1280 : i32
    %dma_start3A_54 = tpu.memref_slice %arg7[%dma_start3A_53] : memref<6400xi32, #tpu.memory_space<vmem>> -> memref<640xi32, #tpu.memory_space<vmem>>
    %dma_start3A_55 = arith.constant 0 : i32
    %dma_start3A_56 = arith.constant 0 : i32
    %dma_start3A_57 = tpu.memref_slice %arg3[%dma_start3A_55, %dma_start3A_56] : memref<500000x128xf32, #tpu.memory_space<hbm>> -> memref<500000x128xf32, #tpu.memory_space<hbm>>
    tpu.enqueue_indirect_dma source(%dma_start3A_57 : memref<500000x128xf32, #tpu.memory_space<hbm>>) target(%arg8 : memref<640x128xf32, #tpu.memory_space<vmem>>) offsets(%dma_start3A_54 : memref<640xi32, #tpu.memory_space<vmem>>) semaphore(%arg10 : memref<!tpu.dma_semaphore, #tpu.memory_space<semaphore_mem>>)
    %dma_wait3A_58 = arith.constant 1280 : i32
    %dma_wait3A_59 = tpu.memref_slice %arg7[%dma_wait3A_58] : memref<6400xi32, #tpu.memory_space<vmem>> -> memref<640xi32, #tpu.memory_space<vmem>>
    %dma_wait3A_60 = arith.constant 0 : i32
    %dma_wait3A_61 = arith.constant 0 : i32
    %dma_wait3A_62 = tpu.memref_slice %arg3[%dma_wait3A_60, %dma_wait3A_61] : memref<500000x128xf32, #tpu.memory_space<hbm>> -> memref<500000x128xf32, #tpu.memory_space<hbm>>
    tpu.wait_indirect_dma semaphore(%arg10 : memref<!tpu.dma_semaphore, #tpu.memory_space<semaphore_mem>>) src(%dma_wait3A_62 : memref<500000x128xf32, #tpu.memory_space<hbm>>) dst(%arg8 : memref<640x128xf32, #tpu.memory_space<vmem>>)
    %scan3A_63 = arith.constant 0 : i32
    %scan3A_64 = arith.constant 0 : i32
    %scan3A_65 = arith.constant 640 : i32
    %scan3A_66 = arith.addi %scan3A_64, %scan3A_65 : i32
    %scan3A_67 = arith.constant 2 : i32
    %scan3A_68 = scf.for %scan3A_205 = %scan3A_64 to %scan3A_66 step %scan3A_67 iter_args(%scan3A_206 = %scan3A_63) -> (i32)  : i32 {
      %add3A_207 = arith.constant 1280 : i32
      %add3A_208 = arith.addi %add3A_207, %scan3A_205 : i32
      %add3A_209 = vector.broadcast %add3A_208 : i32 to vector<16xi32>
      %add3A_210 = arith.addi %broadcast_in_dim3A_3, %add3A_209 : vector<16xi32>
      %gather3A = tpu.vector_load_idx %arg6[%add3A_210] : memref<6400xi32, #tpu.memory_space<vmem>>[vector<16xi32>], vector<16xi32>,
      %and3A = arith.constant 1 : i32
      %and3A_211 = vector.broadcast %and3A : i32 to vector<16xi32>
      %and3A_212 = arith.andi %gather3A, %and3A_211 : vector<16xi32>
      %gt3A = arith.constant 0 : i32
      %gt3A_213 = vector.broadcast %gt3A : i32 to vector<16xi32>
      %gt3A_214 = arith.cmpi sgt, %and3A_212, %gt3A_213 : vector<16xi32>
      %get3A_215 = arith.index_cast %scan3A_205 : i32 to index
      %get3A_216 = arith.constant 0 : index
      %get3A_217 = tpu.vector_load %arg8[%get3A_215, %get3A_216] {strides = array<i32>} : memref<640x128xf32, #tpu.memory_space<vmem>>, vector<16xf32>,
      %get3A_218 = arith.index_cast %scan3A_205 : i32 to index
      %get3A_219 = arith.constant 64 : index
      %get3A_220 = tpu.vector_load %arg8[%get3A_218, %get3A_219] {strides = array<i32>} : memref<640x128xf32, #tpu.memory_space<vmem>>, vector<16xf32>,
      %select_n3A = arith.select %gt3A_214, %get3A_220, %get3A_217 : vector<16xi1>, vector<16xf32>
      %add3A_221 = arith.addf %select_n3A, %get3A_10 : vector<16xf32>
      %swap3A = arith.index_cast %scan3A_205 : i32 to index
      %swap3A_222 = arith.constant 0 : index
      %swap3A_223 = tpu.vector_load %arg8[%swap3A, %swap3A_222] {strides = array<i32>} : memref<640x128xf32, #tpu.memory_space<vmem>>, vector<16xf32>,
      tpu.vector_store %arg8[%swap3A, %swap3A_222], %add3A_221 {strides = array<i32>} : memref<640x128xf32, #tpu.memory_space<vmem>>, vector<16xf32>,
      %get3A_224 = arith.index_cast %scan3A_205 : i32 to index
      %get3A_225 = arith.constant 16 : index
      %get3A_226 = tpu.vector_load %arg8[%get3A_224, %get3A_225] {strides = array<i32>} : memref<640x128xf32, #tpu.memory_space<vmem>>, vector<16xf32>,
      %get3A_227 = arith.index_cast %scan3A_205 : i32 to index
      %get3A_228 = arith.constant 80 : index
      %get3A_229 = tpu.vector_load %arg8[%get3A_227, %get3A_228] {strides = array<i32>} : memref<640x128xf32, #tpu.memory_space<vmem>>, vector<16xf32>,
      %select_n3A_230 = arith.select %gt3A_214, %get3A_229, %get3A_226 : vector<16xi1>, vector<16xf32>
      %add3A_231 = arith.addf %select_n3A_230, %get3A_12 : vector<16xf32>
      %swap3A_232 = arith.index_cast %scan3A_205 : i32 to index
      %swap3A_233 = arith.constant 16 : index
      %swap3A_234 = tpu.vector_load %arg8[%swap3A_232, %swap3A_233] {strides = array<i32>} : memref<640x128xf32, #tpu.memory_space<vmem>>, vector<16xf32>,
      tpu.vector_store %arg8[%swap3A_232, %swap3A_233], %add3A_231 {strides = array<i32>} : memref<640x128xf32, #tpu.memory_space<vmem>>, vector<16xf32>,
      %get3A_235 = arith.index_cast %scan3A_205 : i32 to index
      %get3A_236 = arith.constant 32 : index
      %get3A_237 = tpu.vector_load %arg8[%get3A_235, %get3A_236] {strides = array<i32>} : memref<640x128xf32, #tpu.memory_space<vmem>>, vector<16xf32>,
      %get3A_238 = arith.index_cast %scan3A_205 : i32 to index
      %get3A_239 = arith.constant 96 : index
      %get3A_240 = tpu.vector_load %arg8[%get3A_238, %get3A_239] {strides = array<i32>} : memref<640x128xf32, #tpu.memory_space<vmem>>, vector<16xf32>,
      %select_n3A_241 = arith.select %gt3A_214, %get3A_240, %get3A_237 : vector<16xi1>, vector<16xf32>
      %add3A_242 = arith.addf %select_n3A_241, %get3A_14 : vector<16xf32>
      %swap3A_243 = arith.index_cast %scan3A_205 : i32 to index
      %swap3A_244 = arith.constant 32 : index
      %swap3A_245 = tpu.vector_load %arg8[%swap3A_243, %swap3A_244] {strides = array<i32>} : memref<640x128xf32, #tpu.memory_space<vmem>>, vector<16xf32>,
      tpu.vector_store %arg8[%swap3A_243, %swap3A_244], %add3A_242 {strides = array<i32>} : memref<640x128xf32, #tpu.memory_space<vmem>>, vector<16xf32>,
      %get3A_246 = arith.index_cast %scan3A_205 : i32 to index
      %get3A_247 = arith.constant 48 : index
      %get3A_248 = tpu.vector_load %arg8[%get3A_246, %get3A_247] {strides = array<i32>} : memref<640x128xf32, #tpu.memory_space<vmem>>, vector<16xf32>,
      %get3A_249 = arith.index_cast %scan3A_205 : i32 to index
      %get3A_250 = arith.constant 112 : index
      %get3A_251 = tpu.vector_load %arg8[%get3A_249, %get3A_250] {strides = array<i32>} : memref<640x128xf32, #tpu.memory_space<vmem>>, vector<16xf32>,
      %select_n3A_252 = arith.select %gt3A_214, %get3A_251, %get3A_248 : vector<16xi1>, vector<16xf32>
      %add3A_253 = arith.addf %select_n3A_252, %get3A_16 : vector<16xf32>
      %swap3A_254 = arith.index_cast %scan3A_205 : i32 to index
      %swap3A_255 = arith.constant 48 : index
      %swap3A_256 = tpu.vector_load %arg8[%swap3A_254, %swap3A_255] {strides = array<i32>} : memref<640x128xf32, #tpu.memory_space<vmem>>, vector<16xf32>,
      tpu.vector_store %arg8[%swap3A_254, %swap3A_255], %add3A_253 {strides = array<i32>} : memref<640x128xf32, #tpu.memory_space<vmem>>, vector<16xf32>,
      %scan3A_257 = arith.constant 0 : i32
      %scan3A_258 = arith.constant 1 : i32
      %scan3A_259 = arith.addi %scan3A_205, %scan3A_258 : i32
      %add3A_260 = arith.constant 1280 : i32
      %add3A_261 = arith.addi %add3A_260, %scan3A_259 : i32
      %add3A_262 = vector.broadcast %add3A_261 : i32 to vector<16xi32>
      %add3A_263 = arith.addi %broadcast_in_dim3A_3, %add3A_262 : vector<16xi32>
      %gather3A_264 = tpu.vector_load_idx %arg6[%add3A_263] : memref<6400xi32, #tpu.memory_space<vmem>>[vector<16xi32>], vector<16xi32>,
      %and3A_265 = arith.constant 1 : i32
      %and3A_266 = vector.broadcast %and3A_265 : i32 to vector<16xi32>
      %and3A_267 = arith.andi %gather3A_264, %and3A_266 : vector<16xi32>
      %gt3A_268 = arith.constant 0 : i32
      %gt3A_269 = vector.broadcast %gt3A_268 : i32 to vector<16xi32>
      %gt3A_270 = arith.cmpi sgt, %and3A_267, %gt3A_269 : vector<16xi32>
      %get3A_271 = arith.index_cast %scan3A_259 : i32 to index
      %get3A_272 = arith.constant 0 : index
      %get3A_273 = tpu.vector_load %arg8[%get3A_271, %get3A_272] {strides = array<i32>} : memref<640x128xf32, #tpu.memory_space<vmem>>, vector<16xf32>,
      %get3A_274 = arith.index_cast %scan3A_259 : i32 to index
      %get3A_275 = arith.constant 64 : index
      %get3A_276 = tpu.vector_load %arg8[%get3A_274, %get3A_275] {strides = array<i32>} : memref<640x128xf32, #tpu.memory_space<vmem>>, vector<16xf32>,
      %select_n3A_277 = arith.select %gt3A_270, %get3A_276, %get3A_273 : vector<16xi1>, vector<16xf32>
      %add3A_278 = arith.addf %select_n3A_277, %get3A_10 : vector<16xf32>
      %swap3A_279 = arith.index_cast %scan3A_259 : i32 to index
      %swap3A_280 = arith.constant 0 : index
      %swap3A_281 = tpu.vector_load %arg8[%swap3A_279, %swap3A_280] {strides = array<i32>} : memref<640x128xf32, #tpu.memory_space<vmem>>, vector<16xf32>,
      tpu.vector_store %arg8[%swap3A_279, %swap3A_280], %add3A_278 {strides = array<i32>} : memref<640x128xf32, #tpu.memory_space<vmem>>, vector<16xf32>,
      %get3A_282 = arith.index_cast %scan3A_259 : i32 to index
      %get3A_283 = arith.constant 16 : index
      %get3A_284 = tpu.vector_load %arg8[%get3A_282, %get3A_283] {strides = array<i32>} : memref<640x128xf32, #tpu.memory_space<vmem>>, vector<16xf32>,
      %get3A_285 = arith.index_cast %scan3A_259 : i32 to index
      %get3A_286 = arith.constant 80 : index
      %get3A_287 = tpu.vector_load %arg8[%get3A_285, %get3A_286] {strides = array<i32>} : memref<640x128xf32, #tpu.memory_space<vmem>>, vector<16xf32>,
      %select_n3A_288 = arith.select %gt3A_270, %get3A_287, %get3A_284 : vector<16xi1>, vector<16xf32>
      %add3A_289 = arith.addf %select_n3A_288, %get3A_12 : vector<16xf32>
      %swap3A_290 = arith.index_cast %scan3A_259 : i32 to index
      %swap3A_291 = arith.constant 16 : index
      %swap3A_292 = tpu.vector_load %arg8[%swap3A_290, %swap3A_291] {strides = array<i32>} : memref<640x128xf32, #tpu.memory_space<vmem>>, vector<16xf32>,
      tpu.vector_store %arg8[%swap3A_290, %swap3A_291], %add3A_289 {strides = array<i32>} : memref<640x128xf32, #tpu.memory_space<vmem>>, vector<16xf32>,
      %get3A_293 = arith.index_cast %scan3A_259 : i32 to index
      %get3A_294 = arith.constant 32 : index
      %get3A_295 = tpu.vector_load %arg8[%get3A_293, %get3A_294] {strides = array<i32>} : memref<640x128xf32, #tpu.memory_space<vmem>>, vector<16xf32>,
      %get3A_296 = arith.index_cast %scan3A_259 : i32 to index
      %get3A_297 = arith.constant 96 : index
      %get3A_298 = tpu.vector_load %arg8[%get3A_296, %get3A_297] {strides = array<i32>} : memref<640x128xf32, #tpu.memory_space<vmem>>, vector<16xf32>,
      %select_n3A_299 = arith.select %gt3A_270, %get3A_298, %get3A_295 : vector<16xi1>, vector<16xf32>
      %add3A_300 = arith.addf %select_n3A_299, %get3A_14 : vector<16xf32>
      %swap3A_301 = arith.index_cast %scan3A_259 : i32 to index
      %swap3A_302 = arith.constant 32 : index
      %swap3A_303 = tpu.vector_load %arg8[%swap3A_301, %swap3A_302] {strides = array<i32>} : memref<640x128xf32, #tpu.memory_space<vmem>>, vector<16xf32>,
      tpu.vector_store %arg8[%swap3A_301, %swap3A_302], %add3A_300 {strides = array<i32>} : memref<640x128xf32, #tpu.memory_space<vmem>>, vector<16xf32>,
      %get3A_304 = arith.index_cast %scan3A_259 : i32 to index
      %get3A_305 = arith.constant 48 : index
      %get3A_306 = tpu.vector_load %arg8[%get3A_304, %get3A_305] {strides = array<i32>} : memref<640x128xf32, #tpu.memory_space<vmem>>, vector<16xf32>,
      %get3A_307 = arith.index_cast %scan3A_259 : i32 to index
      %get3A_308 = arith.constant 112 : index
      %get3A_309 = tpu.vector_load %arg8[%get3A_307, %get3A_308] {strides = array<i32>} : memref<640x128xf32, #tpu.memory_space<vmem>>, vector<16xf32>,
      %select_n3A_310 = arith.select %gt3A_270, %get3A_309, %get3A_306 : vector<16xi1>, vector<16xf32>
      %add3A_311 = arith.addf %select_n3A_310, %get3A_16 : vector<16xf32>
      %swap3A_312 = arith.index_cast %scan3A_259 : i32 to index
      %swap3A_313 = arith.constant 48 : index
      %swap3A_314 = tpu.vector_load %arg8[%swap3A_312, %swap3A_313] {strides = array<i32>} : memref<640x128xf32, #tpu.memory_space<vmem>>, vector<16xf32>,
      tpu.vector_store %arg8[%swap3A_312, %swap3A_313], %add3A_311 {strides = array<i32>} : memref<640x128xf32, #tpu.memory_space<vmem>>, vector<16xf32>,
      %scan3A_315 = arith.constant 0 : i32
      scf.yield %scan3A_315 : i32
    }
    %scan3A_69 = arith.constant 640 : i32
    %add3A_70 = arith.constant 1280 : i32
    %add3A_71 = arith.addi %mul3A_2, %add3A_70 : i32
    "tpu.region"() ({
      %run_scoped3A = tpu.sem_alloc : memref<!tpu.dma_semaphore, #tpu.memory_space<semaphore_mem>>
      %dma_start3A_205 = arith.constant 0 : i32
      %dma_start3A_206 = tpu.memref_slice %arg5[%add3A_71, %dma_start3A_205] : memref<204800x128xf32, #tpu.memory_space<hbm>> -> memref<640x128xf32, #tpu.memory_space<hbm>>
      %dma_start3A_207 = arith.constant 0 : i32
      %dma_start3A_208 = tpu.memref_slice %arg5[%add3A_71, %dma_start3A_207] : memref<204800x128xf32, #tpu.memory_space<hbm>> -> memref<640x128xf32, #tpu.memory_space<hbm>>
      tpu.enqueue_dma source(%arg8 : memref<640x128xf32, #tpu.memory_space<vmem>>) target(%dma_start3A_208 : memref<640x128xf32, #tpu.memory_space<hbm>>) target_semaphore(%run_scoped3A : memref<!tpu.dma_semaphore, #tpu.memory_space<semaphore_mem>>)
      %dma_wait3A_209 = arith.constant 0 : i32
      %dma_wait3A_210 = tpu.memref_slice %arg5[%add3A_71, %dma_wait3A_209] : memref<204800x128xf32, #tpu.memory_space<hbm>> -> memref<640x128xf32, #tpu.memory_space<hbm>>
      %dma_wait3A_211 = arith.constant 0 : i32
      %dma_wait3A_212 = tpu.memref_slice %arg5[%add3A_71, %dma_wait3A_211] : memref<204800x128xf32, #tpu.memory_space<hbm>> -> memref<640x128xf32, #tpu.memory_space<hbm>>
      tpu.wait_dma2 semaphore(%run_scoped3A : memref<!tpu.dma_semaphore, #tpu.memory_space<semaphore_mem>>) src(%arg8 : memref<640x128xf32, #tpu.memory_space<vmem>>) dst(%dma_wait3A_212 : memref<640x128xf32, #tpu.memory_space<hbm>>)
      tpu.yield
    }) : () -> ()
    %dma_start3A_72 = arith.constant 1920 : i32
    %dma_start3A_73 = tpu.memref_slice %arg7[%dma_start3A_72] : memref<6400xi32, #tpu.memory_space<vmem>> -> memref<640xi32, #tpu.memory_space<vmem>>
    %dma_start3A_74 = arith.constant 0 : i32
    %dma_start3A_75 = arith.constant 0 : i32
    %dma_start3A_76 = tpu.memref_slice %arg3[%dma_start3A_74, %dma_start3A_75] : memref<500000x128xf32, #tpu.memory_space<hbm>> -> memref<500000x128xf32, #tpu.memory_space<hbm>>
    tpu.enqueue_indirect_dma source(%dma_start3A_76 : memref<500000x128xf32, #tpu.memory_space<hbm>>) target(%arg8 : memref<640x128xf32, #tpu.memory_space<vmem>>) offsets(%dma_start3A_73 : memref<640xi32, #tpu.memory_space<vmem>>) semaphore(%arg10 : memref<!tpu.dma_semaphore, #tpu.memory_space<semaphore_mem>>)
    %dma_wait3A_77 = arith.constant 1920 : i32
    %dma_wait3A_78 = tpu.memref_slice %arg7[%dma_wait3A_77] : memref<6400xi32, #tpu.memory_space<vmem>> -> memref<640xi32, #tpu.memory_space<vmem>>
    %dma_wait3A_79 = arith.constant 0 : i32
    %dma_wait3A_80 = arith.constant 0 : i32
    %dma_wait3A_81 = tpu.memref_slice %arg3[%dma_wait3A_79, %dma_wait3A_80] : memref<500000x128xf32, #tpu.memory_space<hbm>> -> memref<500000x128xf32, #tpu.memory_space<hbm>>
    tpu.wait_indirect_dma semaphore(%arg10 : memref<!tpu.dma_semaphore, #tpu.memory_space<semaphore_mem>>) src(%dma_wait3A_81 : memref<500000x128xf32, #tpu.memory_space<hbm>>) dst(%arg8 : memref<640x128xf32, #tpu.memory_space<vmem>>)
    %scan3A_82 = arith.constant 0 : i32
    %scan3A_83 = arith.constant 0 : i32
    %scan3A_84 = arith.constant 640 : i32
    %scan3A_85 = arith.addi %scan3A_83, %scan3A_84 : i32
    %scan3A_86 = arith.constant 2 : i32
    %scan3A_87 = scf.for %scan3A_205 = %scan3A_83 to %scan3A_85 step %scan3A_86 iter_args(%scan3A_206 = %scan3A_82) -> (i32)  : i32 {
      %add3A_207 = arith.constant 1920 : i32
      %add3A_208 = arith.addi %add3A_207, %scan3A_205 : i32
      %add3A_209 = vector.broadcast %add3A_208 : i32 to vector<16xi32>
      %add3A_210 = arith.addi %broadcast_in_dim3A_3, %add3A_209 : vector<16xi32>
      %gather3A = tpu.vector_load_idx %arg6[%add3A_210] : memref<6400xi32, #tpu.memory_space<vmem>>[vector<16xi32>], vector<16xi32>,
      %and3A = arith.constant 1 : i32
      %and3A_211 = vector.broadcast %and3A : i32 to vector<16xi32>
      %and3A_212 = arith.andi %gather3A, %and3A_211 : vector<16xi32>
      %gt3A = arith.constant 0 : i32
      %gt3A_213 = vector.broadcast %gt3A : i32 to vector<16xi32>
      %gt3A_214 = arith.cmpi sgt, %and3A_212, %gt3A_213 : vector<16xi32>
      %get3A_215 = arith.index_cast %scan3A_205 : i32 to index
      %get3A_216 = arith.constant 0 : index
      %get3A_217 = tpu.vector_load %arg8[%get3A_215, %get3A_216] {strides = array<i32>} : memref<640x128xf32, #tpu.memory_space<vmem>>, vector<16xf32>,
      %get3A_218 = arith.index_cast %scan3A_205 : i32 to index
      %get3A_219 = arith.constant 64 : index
      %get3A_220 = tpu.vector_load %arg8[%get3A_218, %get3A_219] {strides = array<i32>} : memref<640x128xf32, #tpu.memory_space<vmem>>, vector<16xf32>,
      %select_n3A = arith.select %gt3A_214, %get3A_220, %get3A_217 : vector<16xi1>, vector<16xf32>
      %add3A_221 = arith.addf %select_n3A, %get3A_10 : vector<16xf32>
      %swap3A = arith.index_cast %scan3A_205 : i32 to index
      %swap3A_222 = arith.constant 0 : index
      %swap3A_223 = tpu.vector_load %arg8[%swap3A, %swap3A_222] {strides = array<i32>} : memref<640x128xf32, #tpu.memory_space<vmem>>, vector<16xf32>,
      tpu.vector_store %arg8[%swap3A, %swap3A_222], %add3A_221 {strides = array<i32>} : memref<640x128xf32, #tpu.memory_space<vmem>>, vector<16xf32>,
      %get3A_224 = arith.index_cast %scan3A_205 : i32 to index
      %get3A_225 = arith.constant 16 : index
      %get3A_226 = tpu.vector_load %arg8[%get3A_224, %get3A_225] {strides = array<i32>} : memref<640x128xf32, #tpu.memory_space<vmem>>, vector<16xf32>,
      %get3A_227 = arith.index_cast %scan3A_205 : i32 to index
      %get3A_228 = arith.constant 80 : index
      %get3A_229 = tpu.vector_load %arg8[%get3A_227, %get3A_228] {strides = array<i32>} : memref<640x128xf32, #tpu.memory_space<vmem>>, vector<16xf32>,
      %select_n3A_230 = arith.select %gt3A_214, %get3A_229, %get3A_226 : vector<16xi1>, vector<16xf32>
      %add3A_231 = arith.addf %select_n3A_230, %get3A_12 : vector<16xf32>
      %swap3A_232 = arith.index_cast %scan3A_205 : i32 to index
      %swap3A_233 = arith.constant 16 : index
      %swap3A_234 = tpu.vector_load %arg8[%swap3A_232, %swap3A_233] {strides = array<i32>} : memref<640x128xf32, #tpu.memory_space<vmem>>, vector<16xf32>,
      tpu.vector_store %arg8[%swap3A_232, %swap3A_233], %add3A_231 {strides = array<i32>} : memref<640x128xf32, #tpu.memory_space<vmem>>, vector<16xf32>,
      %get3A_235 = arith.index_cast %scan3A_205 : i32 to index
      %get3A_236 = arith.constant 32 : index
      %get3A_237 = tpu.vector_load %arg8[%get3A_235, %get3A_236] {strides = array<i32>} : memref<640x128xf32, #tpu.memory_space<vmem>>, vector<16xf32>,
      %get3A_238 = arith.index_cast %scan3A_205 : i32 to index
      %get3A_239 = arith.constant 96 : index
      %get3A_240 = tpu.vector_load %arg8[%get3A_238, %get3A_239] {strides = array<i32>} : memref<640x128xf32, #tpu.memory_space<vmem>>, vector<16xf32>,
      %select_n3A_241 = arith.select %gt3A_214, %get3A_240, %get3A_237 : vector<16xi1>, vector<16xf32>
      %add3A_242 = arith.addf %select_n3A_241, %get3A_14 : vector<16xf32>
      %swap3A_243 = arith.index_cast %scan3A_205 : i32 to index
      %swap3A_244 = arith.constant 32 : index
      %swap3A_245 = tpu.vector_load %arg8[%swap3A_243, %swap3A_244] {strides = array<i32>} : memref<640x128xf32, #tpu.memory_space<vmem>>, vector<16xf32>,
      tpu.vector_store %arg8[%swap3A_243, %swap3A_244], %add3A_242 {strides = array<i32>} : memref<640x128xf32, #tpu.memory_space<vmem>>, vector<16xf32>,
      %get3A_246 = arith.index_cast %scan3A_205 : i32 to index
      %get3A_247 = arith.constant 48 : index
      %get3A_248 = tpu.vector_load %arg8[%get3A_246, %get3A_247] {strides = array<i32>} : memref<640x128xf32, #tpu.memory_space<vmem>>, vector<16xf32>,
      %get3A_249 = arith.index_cast %scan3A_205 : i32 to index
      %get3A_250 = arith.constant 112 : index
      %get3A_251 = tpu.vector_load %arg8[%get3A_249, %get3A_250] {strides = array<i32>} : memref<640x128xf32, #tpu.memory_space<vmem>>, vector<16xf32>,
      %select_n3A_252 = arith.select %gt3A_214, %get3A_251, %get3A_248 : vector<16xi1>, vector<16xf32>
      %add3A_253 = arith.addf %select_n3A_252, %get3A_16 : vector<16xf32>
      %swap3A_254 = arith.index_cast %scan3A_205 : i32 to index
      %swap3A_255 = arith.constant 48 : index
      %swap3A_256 = tpu.vector_load %arg8[%swap3A_254, %swap3A_255] {strides = array<i32>} : memref<640x128xf32, #tpu.memory_space<vmem>>, vector<16xf32>,
      tpu.vector_store %arg8[%swap3A_254, %swap3A_255], %add3A_253 {strides = array<i32>} : memref<640x128xf32, #tpu.memory_space<vmem>>, vector<16xf32>,
      %scan3A_257 = arith.constant 0 : i32
      %scan3A_258 = arith.constant 1 : i32
      %scan3A_259 = arith.addi %scan3A_205, %scan3A_258 : i32
      %add3A_260 = arith.constant 1920 : i32
      %add3A_261 = arith.addi %add3A_260, %scan3A_259 : i32
      %add3A_262 = vector.broadcast %add3A_261 : i32 to vector<16xi32>
      %add3A_263 = arith.addi %broadcast_in_dim3A_3, %add3A_262 : vector<16xi32>
      %gather3A_264 = tpu.vector_load_idx %arg6[%add3A_263] : memref<6400xi32, #tpu.memory_space<vmem>>[vector<16xi32>], vector<16xi32>,
      %and3A_265 = arith.constant 1 : i32
      %and3A_266 = vector.broadcast %and3A_265 : i32 to vector<16xi32>
      %and3A_267 = arith.andi %gather3A_264, %and3A_266 : vector<16xi32>
      %gt3A_268 = arith.constant 0 : i32
      %gt3A_269 = vector.broadcast %gt3A_268 : i32 to vector<16xi32>
      %gt3A_270 = arith.cmpi sgt, %and3A_267, %gt3A_269 : vector<16xi32>
      %get3A_271 = arith.index_cast %scan3A_259 : i32 to index
      %get3A_272 = arith.constant 0 : index
      %get3A_273 = tpu.vector_load %arg8[%get3A_271, %get3A_272] {strides = array<i32>} : memref<640x128xf32, #tpu.memory_space<vmem>>, vector<16xf32>,
      %get3A_274 = arith.index_cast %scan3A_259 : i32 to index
      %get3A_275 = arith.constant 64 : index
      %get3A_276 = tpu.vector_load %arg8[%get3A_274, %get3A_275] {strides = array<i32>} : memref<640x128xf32, #tpu.memory_space<vmem>>, vector<16xf32>,
      %select_n3A_277 = arith.select %gt3A_270, %get3A_276, %get3A_273 : vector<16xi1>, vector<16xf32>
      %add3A_278 = arith.addf %select_n3A_277, %get3A_10 : vector<16xf32>
      %swap3A_279 = arith.index_cast %scan3A_259 : i32 to index
      %swap3A_280 = arith.constant 0 : index
      %swap3A_281 = tpu.vector_load %arg8[%swap3A_279, %swap3A_280] {strides = array<i32>} : memref<640x128xf32, #tpu.memory_space<vmem>>, vector<16xf32>,
      tpu.vector_store %arg8[%swap3A_279, %swap3A_280], %add3A_278 {strides = array<i32>} : memref<640x128xf32, #tpu.memory_space<vmem>>, vector<16xf32>,
      %get3A_282 = arith.index_cast %scan3A_259 : i32 to index
      %get3A_283 = arith.constant 16 : index
      %get3A_284 = tpu.vector_load %arg8[%get3A_282, %get3A_283] {strides = array<i32>} : memref<640x128xf32, #tpu.memory_space<vmem>>, vector<16xf32>,
      %get3A_285 = arith.index_cast %scan3A_259 : i32 to index
      %get3A_286 = arith.constant 80 : index
      %get3A_287 = tpu.vector_load %arg8[%get3A_285, %get3A_286] {strides = array<i32>} : memref<640x128xf32, #tpu.memory_space<vmem>>, vector<16xf32>,
      %select_n3A_288 = arith.select %gt3A_270, %get3A_287, %get3A_284 : vector<16xi1>, vector<16xf32>
      %add3A_289 = arith.addf %select_n3A_288, %get3A_12 : vector<16xf32>
      %swap3A_290 = arith.index_cast %scan3A_259 : i32 to index
      %swap3A_291 = arith.constant 16 : index
      %swap3A_292 = tpu.vector_load %arg8[%swap3A_290, %swap3A_291] {strides = array<i32>} : memref<640x128xf32, #tpu.memory_space<vmem>>, vector<16xf32>,
      tpu.vector_store %arg8[%swap3A_290, %swap3A_291], %add3A_289 {strides = array<i32>} : memref<640x128xf32, #tpu.memory_space<vmem>>, vector<16xf32>,
      %get3A_293 = arith.index_cast %scan3A_259 : i32 to index
      %get3A_294 = arith.constant 32 : index
      %get3A_295 = tpu.vector_load %arg8[%get3A_293, %get3A_294] {strides = array<i32>} : memref<640x128xf32, #tpu.memory_space<vmem>>, vector<16xf32>,
      %get3A_296 = arith.index_cast %scan3A_259 : i32 to index
      %get3A_297 = arith.constant 96 : index
      %get3A_298 = tpu.vector_load %arg8[%get3A_296, %get3A_297] {strides = array<i32>} : memref<640x128xf32, #tpu.memory_space<vmem>>, vector<16xf32>,
      %select_n3A_299 = arith.select %gt3A_270, %get3A_298, %get3A_295 : vector<16xi1>, vector<16xf32>
      %add3A_300 = arith.addf %select_n3A_299, %get3A_14 : vector<16xf32>
      %swap3A_301 = arith.index_cast %scan3A_259 : i32 to index
      %swap3A_302 = arith.constant 32 : index
      %swap3A_303 = tpu.vector_load %arg8[%swap3A_301, %swap3A_302] {strides = array<i32>} : memref<640x128xf32, #tpu.memory_space<vmem>>, vector<16xf32>,
      tpu.vector_store %arg8[%swap3A_301, %swap3A_302], %add3A_300 {strides = array<i32>} : memref<640x128xf32, #tpu.memory_space<vmem>>, vector<16xf32>,
      %get3A_304 = arith.index_cast %scan3A_259 : i32 to index
      %get3A_305 = arith.constant 48 : index
      %get3A_306 = tpu.vector_load %arg8[%get3A_304, %get3A_305] {strides = array<i32>} : memref<640x128xf32, #tpu.memory_space<vmem>>, vector<16xf32>,
      %get3A_307 = arith.index_cast %scan3A_259 : i32 to index
      %get3A_308 = arith.constant 112 : index
      %get3A_309 = tpu.vector_load %arg8[%get3A_307, %get3A_308] {strides = array<i32>} : memref<640x128xf32, #tpu.memory_space<vmem>>, vector<16xf32>,
      %select_n3A_310 = arith.select %gt3A_270, %get3A_309, %get3A_306 : vector<16xi1>, vector<16xf32>
      %add3A_311 = arith.addf %select_n3A_310, %get3A_16 : vector<16xf32>
      %swap3A_312 = arith.index_cast %scan3A_259 : i32 to index
      %swap3A_313 = arith.constant 48 : index
      %swap3A_314 = tpu.vector_load %arg8[%swap3A_312, %swap3A_313] {strides = array<i32>} : memref<640x128xf32, #tpu.memory_space<vmem>>, vector<16xf32>,
      tpu.vector_store %arg8[%swap3A_312, %swap3A_313], %add3A_311 {strides = array<i32>} : memref<640x128xf32, #tpu.memory_space<vmem>>, vector<16xf32>,
      %scan3A_315 = arith.constant 0 : i32
      scf.yield %scan3A_315 : i32
    }
    %scan3A_88 = arith.constant 640 : i32
    %add3A_89 = arith.constant 1920 : i32
    %add3A_90 = arith.addi %mul3A_2, %add3A_89 : i32
    "tpu.region"() ({
      %run_scoped3A = tpu.sem_alloc : memref<!tpu.dma_semaphore, #tpu.memory_space<semaphore_mem>>
      %dma_start3A_205 = arith.constant 0 : i32
      %dma_start3A_206 = tpu.memref_slice %arg5[%add3A_90, %dma_start3A_205] : memref<204800x128xf32, #tpu.memory_space<hbm>> -> memref<640x128xf32, #tpu.memory_space<hbm>>
      %dma_start3A_207 = arith.constant 0 : i32
      %dma_start3A_208 = tpu.memref_slice %arg5[%add3A_90, %dma_start3A_207] : memref<204800x128xf32, #tpu.memory_space<hbm>> -> memref<640x128xf32, #tpu.memory_space<hbm>>
      tpu.enqueue_dma source(%arg8 : memref<640x128xf32, #tpu.memory_space<vmem>>) target(%dma_start3A_208 : memref<640x128xf32, #tpu.memory_space<hbm>>) target_semaphore(%run_scoped3A : memref<!tpu.dma_semaphore, #tpu.memory_space<semaphore_mem>>)
      %dma_wait3A_209 = arith.constant 0 : i32
      %dma_wait3A_210 = tpu.memref_slice %arg5[%add3A_90, %dma_wait3A_209] : memref<204800x128xf32, #tpu.memory_space<hbm>> -> memref<640x128xf32, #tpu.memory_space<hbm>>
      %dma_wait3A_211 = arith.constant 0 : i32
      %dma_wait3A_212 = tpu.memref_slice %arg5[%add3A_90, %dma_wait3A_211] : memref<204800x128xf32, #tpu.memory_space<hbm>> -> memref<640x128xf32, #tpu.memory_space<hbm>>
      tpu.wait_dma2 semaphore(%run_scoped3A : memref<!tpu.dma_semaphore, #tpu.memory_space<semaphore_mem>>) src(%arg8 : memref<640x128xf32, #tpu.memory_space<vmem>>) dst(%dma_wait3A_212 : memref<640x128xf32, #tpu.memory_space<hbm>>)
      tpu.yield
    }) : () -> ()
    %dma_start3A_91 = arith.constant 2560 : i32
    %dma_start3A_92 = tpu.memref_slice %arg7[%dma_start3A_91] : memref<6400xi32, #tpu.memory_space<vmem>> -> memref<640xi32, #tpu.memory_space<vmem>>
    %dma_start3A_93 = arith.constant 0 : i32
    %dma_start3A_94 = arith.constant 0 : i32
    %dma_start3A_95 = tpu.memref_slice %arg3[%dma_start3A_93, %dma_start3A_94] : memref<500000x128xf32, #tpu.memory_space<hbm>> -> memref<500000x128xf32, #tpu.memory_space<hbm>>
    tpu.enqueue_indirect_dma source(%dma_start3A_95 : memref<500000x128xf32, #tpu.memory_space<hbm>>) target(%arg8 : memref<640x128xf32, #tpu.memory_space<vmem>>) offsets(%dma_start3A_92 : memref<640xi32, #tpu.memory_space<vmem>>) semaphore(%arg10 : memref<!tpu.dma_semaphore, #tpu.memory_space<semaphore_mem>>)
    %dma_wait3A_96 = arith.constant 2560 : i32
    %dma_wait3A_97 = tpu.memref_slice %arg7[%dma_wait3A_96] : memref<6400xi32, #tpu.memory_space<vmem>> -> memref<640xi32, #tpu.memory_space<vmem>>
    %dma_wait3A_98 = arith.constant 0 : i32
    %dma_wait3A_99 = arith.constant 0 : i32
    %dma_wait3A_100 = tpu.memref_slice %arg3[%dma_wait3A_98, %dma_wait3A_99] : memref<500000x128xf32, #tpu.memory_space<hbm>> -> memref<500000x128xf32, #tpu.memory_space<hbm>>
    tpu.wait_indirect_dma semaphore(%arg10 : memref<!tpu.dma_semaphore, #tpu.memory_space<semaphore_mem>>) src(%dma_wait3A_100 : memref<500000x128xf32, #tpu.memory_space<hbm>>) dst(%arg8 : memref<640x128xf32, #tpu.memory_space<vmem>>)
    %scan3A_101 = arith.constant 0 : i32
    %scan3A_102 = arith.constant 0 : i32
    %scan3A_103 = arith.constant 640 : i32
    %scan3A_104 = arith.addi %scan3A_102, %scan3A_103 : i32
    %scan3A_105 = arith.constant 2 : i32
    %scan3A_106 = scf.for %scan3A_205 = %scan3A_102 to %scan3A_104 step %scan3A_105 iter_args(%scan3A_206 = %scan3A_101) -> (i32)  : i32 {
      %add3A_207 = arith.constant 2560 : i32
      %add3A_208 = arith.addi %add3A_207, %scan3A_205 : i32
      %add3A_209 = vector.broadcast %add3A_208 : i32 to vector<16xi32>
      %add3A_210 = arith.addi %broadcast_in_dim3A_3, %add3A_209 : vector<16xi32>
      %gather3A = tpu.vector_load_idx %arg6[%add3A_210] : memref<6400xi32, #tpu.memory_space<vmem>>[vector<16xi32>], vector<16xi32>,
      %and3A = arith.constant 1 : i32
      %and3A_211 = vector.broadcast %and3A : i32 to vector<16xi32>
      %and3A_212 = arith.andi %gather3A, %and3A_211 : vector<16xi32>
      %gt3A = arith.constant 0 : i32
      %gt3A_213 = vector.broadcast %gt3A : i32 to vector<16xi32>
      %gt3A_214 = arith.cmpi sgt, %and3A_212, %gt3A_213 : vector<16xi32>
      %get3A_215 = arith.index_cast %scan3A_205 : i32 to index
      %get3A_216 = arith.constant 0 : index
      %get3A_217 = tpu.vector_load %arg8[%get3A_215, %get3A_216] {strides = array<i32>} : memref<640x128xf32, #tpu.memory_space<vmem>>, vector<16xf32>,
      %get3A_218 = arith.index_cast %scan3A_205 : i32 to index
      %get3A_219 = arith.constant 64 : index
      %get3A_220 = tpu.vector_load %arg8[%get3A_218, %get3A_219] {strides = array<i32>} : memref<640x128xf32, #tpu.memory_space<vmem>>, vector<16xf32>,
      %select_n3A = arith.select %gt3A_214, %get3A_220, %get3A_217 : vector<16xi1>, vector<16xf32>
      %add3A_221 = arith.addf %select_n3A, %get3A_10 : vector<16xf32>
      %swap3A = arith.index_cast %scan3A_205 : i32 to index
      %swap3A_222 = arith.constant 0 : index
      %swap3A_223 = tpu.vector_load %arg8[%swap3A, %swap3A_222] {strides = array<i32>} : memref<640x128xf32, #tpu.memory_space<vmem>>, vector<16xf32>,
      tpu.vector_store %arg8[%swap3A, %swap3A_222], %add3A_221 {strides = array<i32>} : memref<640x128xf32, #tpu.memory_space<vmem>>, vector<16xf32>,
      %get3A_224 = arith.index_cast %scan3A_205 : i32 to index
      %get3A_225 = arith.constant 16 : index
      %get3A_226 = tpu.vector_load %arg8[%get3A_224, %get3A_225] {strides = array<i32>} : memref<640x128xf32, #tpu.memory_space<vmem>>, vector<16xf32>,
      %get3A_227 = arith.index_cast %scan3A_205 : i32 to index
      %get3A_228 = arith.constant 80 : index
      %get3A_229 = tpu.vector_load %arg8[%get3A_227, %get3A_228] {strides = array<i32>} : memref<640x128xf32, #tpu.memory_space<vmem>>, vector<16xf32>,
      %select_n3A_230 = arith.select %gt3A_214, %get3A_229, %get3A_226 : vector<16xi1>, vector<16xf32>
      %add3A_231 = arith.addf %select_n3A_230, %get3A_12 : vector<16xf32>
      %swap3A_232 = arith.index_cast %scan3A_205 : i32 to index
      %swap3A_233 = arith.constant 16 : index
      %swap3A_234 = tpu.vector_load %arg8[%swap3A_232, %swap3A_233] {strides = array<i32>} : memref<640x128xf32, #tpu.memory_space<vmem>>, vector<16xf32>,
      tpu.vector_store %arg8[%swap3A_232, %swap3A_233], %add3A_231 {strides = array<i32>} : memref<640x128xf32, #tpu.memory_space<vmem>>, vector<16xf32>,
      %get3A_235 = arith.index_cast %scan3A_205 : i32 to index
      %get3A_236 = arith.constant 32 : index
      %get3A_237 = tpu.vector_load %arg8[%get3A_235, %get3A_236] {strides = array<i32>} : memref<640x128xf32, #tpu.memory_space<vmem>>, vector<16xf32>,
      %get3A_238 = arith.index_cast %scan3A_205 : i32 to index
      %get3A_239 = arith.constant 96 : index
      %get3A_240 = tpu.vector_load %arg8[%get3A_238, %get3A_239] {strides = array<i32>} : memref<640x128xf32, #tpu.memory_space<vmem>>, vector<16xf32>,
      %select_n3A_241 = arith.select %gt3A_214, %get3A_240, %get3A_237 : vector<16xi1>, vector<16xf32>
      %add3A_242 = arith.addf %select_n3A_241, %get3A_14 : vector<16xf32>
      %swap3A_243 = arith.index_cast %scan3A_205 : i32 to index
      %swap3A_244 = arith.constant 32 : index
      %swap3A_245 = tpu.vector_load %arg8[%swap3A_243, %swap3A_244] {strides = array<i32>} : memref<640x128xf32, #tpu.memory_space<vmem>>, vector<16xf32>,
      tpu.vector_store %arg8[%swap3A_243, %swap3A_244], %add3A_242 {strides = array<i32>} : memref<640x128xf32, #tpu.memory_space<vmem>>, vector<16xf32>,
      %get3A_246 = arith.index_cast %scan3A_205 : i32 to index
      %get3A_247 = arith.constant 48 : index
      %get3A_248 = tpu.vector_load %arg8[%get3A_246, %get3A_247] {strides = array<i32>} : memref<640x128xf32, #tpu.memory_space<vmem>>, vector<16xf32>,
      %get3A_249 = arith.index_cast %scan3A_205 : i32 to index
      %get3A_250 = arith.constant 112 : index
      %get3A_251 = tpu.vector_load %arg8[%get3A_249, %get3A_250] {strides = array<i32>} : memref<640x128xf32, #tpu.memory_space<vmem>>, vector<16xf32>,
      %select_n3A_252 = arith.select %gt3A_214, %get3A_251, %get3A_248 : vector<16xi1>, vector<16xf32>
      %add3A_253 = arith.addf %select_n3A_252, %get3A_16 : vector<16xf32>
      %swap3A_254 = arith.index_cast %scan3A_205 : i32 to index
      %swap3A_255 = arith.constant 48 : index
      %swap3A_256 = tpu.vector_load %arg8[%swap3A_254, %swap3A_255] {strides = array<i32>} : memref<640x128xf32, #tpu.memory_space<vmem>>, vector<16xf32>,
      tpu.vector_store %arg8[%swap3A_254, %swap3A_255], %add3A_253 {strides = array<i32>} : memref<640x128xf32, #tpu.memory_space<vmem>>, vector<16xf32>,
      %scan3A_257 = arith.constant 0 : i32
      %scan3A_258 = arith.constant 1 : i32
      %scan3A_259 = arith.addi %scan3A_205, %scan3A_258 : i32
      %add3A_260 = arith.constant 2560 : i32
      %add3A_261 = arith.addi %add3A_260, %scan3A_259 : i32
      %add3A_262 = vector.broadcast %add3A_261 : i32 to vector<16xi32>
      %add3A_263 = arith.addi %broadcast_in_dim3A_3, %add3A_262 : vector<16xi32>
      %gather3A_264 = tpu.vector_load_idx %arg6[%add3A_263] : memref<6400xi32, #tpu.memory_space<vmem>>[vector<16xi32>], vector<16xi32>,
      %and3A_265 = arith.constant 1 : i32
      %and3A_266 = vector.broadcast %and3A_265 : i32 to vector<16xi32>
      %and3A_267 = arith.andi %gather3A_264, %and3A_266 : vector<16xi32>
      %gt3A_268 = arith.constant 0 : i32
      %gt3A_269 = vector.broadcast %gt3A_268 : i32 to vector<16xi32>
      %gt3A_270 = arith.cmpi sgt, %and3A_267, %gt3A_269 : vector<16xi32>
      %get3A_271 = arith.index_cast %scan3A_259 : i32 to index
      %get3A_272 = arith.constant 0 : index
      %get3A_273 = tpu.vector_load %arg8[%get3A_271, %get3A_272] {strides = array<i32>} : memref<640x128xf32, #tpu.memory_space<vmem>>, vector<16xf32>,
      %get3A_274 = arith.index_cast %scan3A_259 : i32 to index
      %get3A_275 = arith.constant 64 : index
      %get3A_276 = tpu.vector_load %arg8[%get3A_274, %get3A_275] {strides = array<i32>} : memref<640x128xf32, #tpu.memory_space<vmem>>, vector<16xf32>,
      %select_n3A_277 = arith.select %gt3A_270, %get3A_276, %get3A_273 : vector<16xi1>, vector<16xf32>
      %add3A_278 = arith.addf %select_n3A_277, %get3A_10 : vector<16xf32>
      %swap3A_279 = arith.index_cast %scan3A_259 : i32 to index
      %swap3A_280 = arith.constant 0 : index
      %swap3A_281 = tpu.vector_load %arg8[%swap3A_279, %swap3A_280] {strides = array<i32>} : memref<640x128xf32, #tpu.memory_space<vmem>>, vector<16xf32>,
      tpu.vector_store %arg8[%swap3A_279, %swap3A_280], %add3A_278 {strides = array<i32>} : memref<640x128xf32, #tpu.memory_space<vmem>>, vector<16xf32>,
      %get3A_282 = arith.index_cast %scan3A_259 : i32 to index
      %get3A_283 = arith.constant 16 : index
      %get3A_284 = tpu.vector_load %arg8[%get3A_282, %get3A_283] {strides = array<i32>} : memref<640x128xf32, #tpu.memory_space<vmem>>, vector<16xf32>,
      %get3A_285 = arith.index_cast %scan3A_259 : i32 to index
      %get3A_286 = arith.constant 80 : index
      %get3A_287 = tpu.vector_load %arg8[%get3A_285, %get3A_286] {strides = array<i32>} : memref<640x128xf32, #tpu.memory_space<vmem>>, vector<16xf32>,
      %select_n3A_288 = arith.select %gt3A_270, %get3A_287, %get3A_284 : vector<16xi1>, vector<16xf32>
      %add3A_289 = arith.addf %select_n3A_288, %get3A_12 : vector<16xf32>
      %swap3A_290 = arith.index_cast %scan3A_259 : i32 to index
      %swap3A_291 = arith.constant 16 : index
      %swap3A_292 = tpu.vector_load %arg8[%swap3A_290, %swap3A_291] {strides = array<i32>} : memref<640x128xf32, #tpu.memory_space<vmem>>, vector<16xf32>,
      tpu.vector_store %arg8[%swap3A_290, %swap3A_291], %add3A_289 {strides = array<i32>} : memref<640x128xf32, #tpu.memory_space<vmem>>, vector<16xf32>,
      %get3A_293 = arith.index_cast %scan3A_259 : i32 to index
      %get3A_294 = arith.constant 32 : index
      %get3A_295 = tpu.vector_load %arg8[%get3A_293, %get3A_294] {strides = array<i32>} : memref<640x128xf32, #tpu.memory_space<vmem>>, vector<16xf32>,
      %get3A_296 = arith.index_cast %scan3A_259 : i32 to index
      %get3A_297 = arith.constant 96 : index
      %get3A_298 = tpu.vector_load %arg8[%get3A_296, %get3A_297] {strides = array<i32>} : memref<640x128xf32, #tpu.memory_space<vmem>>, vector<16xf32>,
      %select_n3A_299 = arith.select %gt3A_270, %get3A_298, %get3A_295 : vector<16xi1>, vector<16xf32>
      %add3A_300 = arith.addf %select_n3A_299, %get3A_14 : vector<16xf32>
      %swap3A_301 = arith.index_cast %scan3A_259 : i32 to index
      %swap3A_302 = arith.constant 32 : index
      %swap3A_303 = tpu.vector_load %arg8[%swap3A_301, %swap3A_302] {strides = array<i32>} : memref<640x128xf32, #tpu.memory_space<vmem>>, vector<16xf32>,
      tpu.vector_store %arg8[%swap3A_301, %swap3A_302], %add3A_300 {strides = array<i32>} : memref<640x128xf32, #tpu.memory_space<vmem>>, vector<16xf32>,
      %get3A_304 = arith.index_cast %scan3A_259 : i32 to index
      %get3A_305 = arith.constant 48 : index
      %get3A_306 = tpu.vector_load %arg8[%get3A_304, %get3A_305] {strides = array<i32>} : memref<640x128xf32, #tpu.memory_space<vmem>>, vector<16xf32>,
      %get3A_307 = arith.index_cast %scan3A_259 : i32 to index
      %get3A_308 = arith.constant 112 : index
      %get3A_309 = tpu.vector_load %arg8[%get3A_307, %get3A_308] {strides = array<i32>} : memref<640x128xf32, #tpu.memory_space<vmem>>, vector<16xf32>,
      %select_n3A_310 = arith.select %gt3A_270, %get3A_309, %get3A_306 : vector<16xi1>, vector<16xf32>
      %add3A_311 = arith.addf %select_n3A_310, %get3A_16 : vector<16xf32>
      %swap3A_312 = arith.index_cast %scan3A_259 : i32 to index
      %swap3A_313 = arith.constant 48 : index
      %swap3A_314 = tpu.vector_load %arg8[%swap3A_312, %swap3A_313] {strides = array<i32>} : memref<640x128xf32, #tpu.memory_space<vmem>>, vector<16xf32>,
      tpu.vector_store %arg8[%swap3A_312, %swap3A_313], %add3A_311 {strides = array<i32>} : memref<640x128xf32, #tpu.memory_space<vmem>>, vector<16xf32>,
      %scan3A_315 = arith.constant 0 : i32
      scf.yield %scan3A_315 : i32
    }
    %scan3A_107 = arith.constant 640 : i32
    %add3A_108 = arith.constant 2560 : i32
    %add3A_109 = arith.addi %mul3A_2, %add3A_108 : i32
    "tpu.region"() ({
      %run_scoped3A = tpu.sem_alloc : memref<!tpu.dma_semaphore, #tpu.memory_space<semaphore_mem>>
      %dma_start3A_205 = arith.constant 0 : i32
      %dma_start3A_206 = tpu.memref_slice %arg5[%add3A_109, %dma_start3A_205] : memref<204800x128xf32, #tpu.memory_space<hbm>> -> memref<640x128xf32, #tpu.memory_space<hbm>>
      %dma_start3A_207 = arith.constant 0 : i32
      %dma_start3A_208 = tpu.memref_slice %arg5[%add3A_109, %dma_start3A_207] : memref<204800x128xf32, #tpu.memory_space<hbm>> -> memref<640x128xf32, #tpu.memory_space<hbm>>
      tpu.enqueue_dma source(%arg8 : memref<640x128xf32, #tpu.memory_space<vmem>>) target(%dma_start3A_208 : memref<640x128xf32, #tpu.memory_space<hbm>>) target_semaphore(%run_scoped3A : memref<!tpu.dma_semaphore, #tpu.memory_space<semaphore_mem>>)
      %dma_wait3A_209 = arith.constant 0 : i32
      %dma_wait3A_210 = tpu.memref_slice %arg5[%add3A_109, %dma_wait3A_209] : memref<204800x128xf32, #tpu.memory_space<hbm>> -> memref<640x128xf32, #tpu.memory_space<hbm>>
      %dma_wait3A_211 = arith.constant 0 : i32
      %dma_wait3A_212 = tpu.memref_slice %arg5[%add3A_109, %dma_wait3A_211] : memref<204800x128xf32, #tpu.memory_space<hbm>> -> memref<640x128xf32, #tpu.memory_space<hbm>>
      tpu.wait_dma2 semaphore(%run_scoped3A : memref<!tpu.dma_semaphore, #tpu.memory_space<semaphore_mem>>) src(%arg8 : memref<640x128xf32, #tpu.memory_space<vmem>>) dst(%dma_wait3A_212 : memref<640x128xf32, #tpu.memory_space<hbm>>)
      tpu.yield
    }) : () -> ()
    %dma_start3A_110 = arith.constant 3200 : i32
    %dma_start3A_111 = tpu.memref_slice %arg7[%dma_start3A_110] : memref<6400xi32, #tpu.memory_space<vmem>> -> memref<640xi32, #tpu.memory_space<vmem>>
    %dma_start3A_112 = arith.constant 0 : i32
    %dma_start3A_113 = arith.constant 0 : i32
    %dma_start3A_114 = tpu.memref_slice %arg3[%dma_start3A_112, %dma_start3A_113] : memref<500000x128xf32, #tpu.memory_space<hbm>> -> memref<500000x128xf32, #tpu.memory_space<hbm>>
    tpu.enqueue_indirect_dma source(%dma_start3A_114 : memref<500000x128xf32, #tpu.memory_space<hbm>>) target(%arg8 : memref<640x128xf32, #tpu.memory_space<vmem>>) offsets(%dma_start3A_111 : memref<640xi32, #tpu.memory_space<vmem>>) semaphore(%arg10 : memref<!tpu.dma_semaphore, #tpu.memory_space<semaphore_mem>>)
    %dma_wait3A_115 = arith.constant 3200 : i32
    %dma_wait3A_116 = tpu.memref_slice %arg7[%dma_wait3A_115] : memref<6400xi32, #tpu.memory_space<vmem>> -> memref<640xi32, #tpu.memory_space<vmem>>
    %dma_wait3A_117 = arith.constant 0 : i32
    %dma_wait3A_118 = arith.constant 0 : i32
    %dma_wait3A_119 = tpu.memref_slice %arg3[%dma_wait3A_117, %dma_wait3A_118] : memref<500000x128xf32, #tpu.memory_space<hbm>> -> memref<500000x128xf32, #tpu.memory_space<hbm>>
    tpu.wait_indirect_dma semaphore(%arg10 : memref<!tpu.dma_semaphore, #tpu.memory_space<semaphore_mem>>) src(%dma_wait3A_119 : memref<500000x128xf32, #tpu.memory_space<hbm>>) dst(%arg8 : memref<640x128xf32, #tpu.memory_space<vmem>>)
    %scan3A_120 = arith.constant 0 : i32
    %scan3A_121 = arith.constant 0 : i32
    %scan3A_122 = arith.constant 640 : i32
    %scan3A_123 = arith.addi %scan3A_121, %scan3A_122 : i32
    %scan3A_124 = arith.constant 2 : i32
    %scan3A_125 = scf.for %scan3A_205 = %scan3A_121 to %scan3A_123 step %scan3A_124 iter_args(%scan3A_206 = %scan3A_120) -> (i32)  : i32 {
      %add3A_207 = arith.constant 3200 : i32
      %add3A_208 = arith.addi %add3A_207, %scan3A_205 : i32
      %add3A_209 = vector.broadcast %add3A_208 : i32 to vector<16xi32>
      %add3A_210 = arith.addi %broadcast_in_dim3A_3, %add3A_209 : vector<16xi32>
      %gather3A = tpu.vector_load_idx %arg6[%add3A_210] : memref<6400xi32, #tpu.memory_space<vmem>>[vector<16xi32>], vector<16xi32>,
      %and3A = arith.constant 1 : i32
      %and3A_211 = vector.broadcast %and3A : i32 to vector<16xi32>
      %and3A_212 = arith.andi %gather3A, %and3A_211 : vector<16xi32>
      %gt3A = arith.constant 0 : i32
      %gt3A_213 = vector.broadcast %gt3A : i32 to vector<16xi32>
      %gt3A_214 = arith.cmpi sgt, %and3A_212, %gt3A_213 : vector<16xi32>
      %get3A_215 = arith.index_cast %scan3A_205 : i32 to index
      %get3A_216 = arith.constant 0 : index
      %get3A_217 = tpu.vector_load %arg8[%get3A_215, %get3A_216] {strides = array<i32>} : memref<640x128xf32, #tpu.memory_space<vmem>>, vector<16xf32>,
      %get3A_218 = arith.index_cast %scan3A_205 : i32 to index
      %get3A_219 = arith.constant 64 : index
      %get3A_220 = tpu.vector_load %arg8[%get3A_218, %get3A_219] {strides = array<i32>} : memref<640x128xf32, #tpu.memory_space<vmem>>, vector<16xf32>,
      %select_n3A = arith.select %gt3A_214, %get3A_220, %get3A_217 : vector<16xi1>, vector<16xf32>
      %add3A_221 = arith.addf %select_n3A, %get3A_10 : vector<16xf32>
      %swap3A = arith.index_cast %scan3A_205 : i32 to index
      %swap3A_222 = arith.constant 0 : index
      %swap3A_223 = tpu.vector_load %arg8[%swap3A, %swap3A_222] {strides = array<i32>} : memref<640x128xf32, #tpu.memory_space<vmem>>, vector<16xf32>,
      tpu.vector_store %arg8[%swap3A, %swap3A_222], %add3A_221 {strides = array<i32>} : memref<640x128xf32, #tpu.memory_space<vmem>>, vector<16xf32>,
      %get3A_224 = arith.index_cast %scan3A_205 : i32 to index
      %get3A_225 = arith.constant 16 : index
      %get3A_226 = tpu.vector_load %arg8[%get3A_224, %get3A_225] {strides = array<i32>} : memref<640x128xf32, #tpu.memory_space<vmem>>, vector<16xf32>,
      %get3A_227 = arith.index_cast %scan3A_205 : i32 to index
      %get3A_228 = arith.constant 80 : index
      %get3A_229 = tpu.vector_load %arg8[%get3A_227, %get3A_228] {strides = array<i32>} : memref<640x128xf32, #tpu.memory_space<vmem>>, vector<16xf32>,
      %select_n3A_230 = arith.select %gt3A_214, %get3A_229, %get3A_226 : vector<16xi1>, vector<16xf32>
      %add3A_231 = arith.addf %select_n3A_230, %get3A_12 : vector<16xf32>
      %swap3A_232 = arith.index_cast %scan3A_205 : i32 to index
      %swap3A_233 = arith.constant 16 : index
      %swap3A_234 = tpu.vector_load %arg8[%swap3A_232, %swap3A_233] {strides = array<i32>} : memref<640x128xf32, #tpu.memory_space<vmem>>, vector<16xf32>,
      tpu.vector_store %arg8[%swap3A_232, %swap3A_233], %add3A_231 {strides = array<i32>} : memref<640x128xf32, #tpu.memory_space<vmem>>, vector<16xf32>,
      %get3A_235 = arith.index_cast %scan3A_205 : i32 to index
      %get3A_236 = arith.constant 32 : index
      %get3A_237 = tpu.vector_load %arg8[%get3A_235, %get3A_236] {strides = array<i32>} : memref<640x128xf32, #tpu.memory_space<vmem>>, vector<16xf32>,
      %get3A_238 = arith.index_cast %scan3A_205 : i32 to index
      %get3A_239 = arith.constant 96 : index
      %get3A_240 = tpu.vector_load %arg8[%get3A_238, %get3A_239] {strides = array<i32>} : memref<640x128xf32, #tpu.memory_space<vmem>>, vector<16xf32>,
      %select_n3A_241 = arith.select %gt3A_214, %get3A_240, %get3A_237 : vector<16xi1>, vector<16xf32>
      %add3A_242 = arith.addf %select_n3A_241, %get3A_14 : vector<16xf32>
      %swap3A_243 = arith.index_cast %scan3A_205 : i32 to index
      %swap3A_244 = arith.constant 32 : index
      %swap3A_245 = tpu.vector_load %arg8[%swap3A_243, %swap3A_244] {strides = array<i32>} : memref<640x128xf32, #tpu.memory_space<vmem>>, vector<16xf32>,
      tpu.vector_store %arg8[%swap3A_243, %swap3A_244], %add3A_242 {strides = array<i32>} : memref<640x128xf32, #tpu.memory_space<vmem>>, vector<16xf32>,
      %get3A_246 = arith.index_cast %scan3A_205 : i32 to index
      %get3A_247 = arith.constant 48 : index
      %get3A_248 = tpu.vector_load %arg8[%get3A_246, %get3A_247] {strides = array<i32>} : memref<640x128xf32, #tpu.memory_space<vmem>>, vector<16xf32>,
      %get3A_249 = arith.index_cast %scan3A_205 : i32 to index
      %get3A_250 = arith.constant 112 : index
      %get3A_251 = tpu.vector_load %arg8[%get3A_249, %get3A_250] {strides = array<i32>} : memref<640x128xf32, #tpu.memory_space<vmem>>, vector<16xf32>,
      %select_n3A_252 = arith.select %gt3A_214, %get3A_251, %get3A_248 : vector<16xi1>, vector<16xf32>
      %add3A_253 = arith.addf %select_n3A_252, %get3A_16 : vector<16xf32>
      %swap3A_254 = arith.index_cast %scan3A_205 : i32 to index
      %swap3A_255 = arith.constant 48 : index
      %swap3A_256 = tpu.vector_load %arg8[%swap3A_254, %swap3A_255] {strides = array<i32>} : memref<640x128xf32, #tpu.memory_space<vmem>>, vector<16xf32>,
      tpu.vector_store %arg8[%swap3A_254, %swap3A_255], %add3A_253 {strides = array<i32>} : memref<640x128xf32, #tpu.memory_space<vmem>>, vector<16xf32>,
      %scan3A_257 = arith.constant 0 : i32
      %scan3A_258 = arith.constant 1 : i32
      %scan3A_259 = arith.addi %scan3A_205, %scan3A_258 : i32
      %add3A_260 = arith.constant 3200 : i32
      %add3A_261 = arith.addi %add3A_260, %scan3A_259 : i32
      %add3A_262 = vector.broadcast %add3A_261 : i32 to vector<16xi32>
      %add3A_263 = arith.addi %broadcast_in_dim3A_3, %add3A_262 : vector<16xi32>
      %gather3A_264 = tpu.vector_load_idx %arg6[%add3A_263] : memref<6400xi32, #tpu.memory_space<vmem>>[vector<16xi32>], vector<16xi32>,
      %and3A_265 = arith.constant 1 : i32
      %and3A_266 = vector.broadcast %and3A_265 : i32 to vector<16xi32>
      %and3A_267 = arith.andi %gather3A_264, %and3A_266 : vector<16xi32>
      %gt3A_268 = arith.constant 0 : i32
      %gt3A_269 = vector.broadcast %gt3A_268 : i32 to vector<16xi32>
      %gt3A_270 = arith.cmpi sgt, %and3A_267, %gt3A_269 : vector<16xi32>
      %get3A_271 = arith.index_cast %scan3A_259 : i32 to index
      %get3A_272 = arith.constant 0 : index
      %get3A_273 = tpu.vector_load %arg8[%get3A_271, %get3A_272] {strides = array<i32>} : memref<640x128xf32, #tpu.memory_space<vmem>>, vector<16xf32>,
      %get3A_274 = arith.index_cast %scan3A_259 : i32 to index
      %get3A_275 = arith.constant 64 : index
      %get3A_276 = tpu.vector_load %arg8[%get3A_274, %get3A_275] {strides = array<i32>} : memref<640x128xf32, #tpu.memory_space<vmem>>, vector<16xf32>,
      %select_n3A_277 = arith.select %gt3A_270, %get3A_276, %get3A_273 : vector<16xi1>, vector<16xf32>
      %add3A_278 = arith.addf %select_n3A_277, %get3A_10 : vector<16xf32>
      %swap3A_279 = arith.index_cast %scan3A_259 : i32 to index
      %swap3A_280 = arith.constant 0 : index
      %swap3A_281 = tpu.vector_load %arg8[%swap3A_279, %swap3A_280] {strides = array<i32>} : memref<640x128xf32, #tpu.memory_space<vmem>>, vector<16xf32>,
      tpu.vector_store %arg8[%swap3A_279, %swap3A_280], %add3A_278 {strides = array<i32>} : memref<640x128xf32, #tpu.memory_space<vmem>>, vector<16xf32>,
      %get3A_282 = arith.index_cast %scan3A_259 : i32 to index
      %get3A_283 = arith.constant 16 : index
      %get3A_284 = tpu.vector_load %arg8[%get3A_282, %get3A_283] {strides = array<i32>} : memref<640x128xf32, #tpu.memory_space<vmem>>, vector<16xf32>,
      %get3A_285 = arith.index_cast %scan3A_259 : i32 to index
      %get3A_286 = arith.constant 80 : index
      %get3A_287 = tpu.vector_load %arg8[%get3A_285, %get3A_286] {strides = array<i32>} : memref<640x128xf32, #tpu.memory_space<vmem>>, vector<16xf32>,
      %select_n3A_288 = arith.select %gt3A_270, %get3A_287, %get3A_284 : vector<16xi1>, vector<16xf32>
      %add3A_289 = arith.addf %select_n3A_288, %get3A_12 : vector<16xf32>
      %swap3A_290 = arith.index_cast %scan3A_259 : i32 to index
      %swap3A_291 = arith.constant 16 : index
      %swap3A_292 = tpu.vector_load %arg8[%swap3A_290, %swap3A_291] {strides = array<i32>} : memref<640x128xf32, #tpu.memory_space<vmem>>, vector<16xf32>,
      tpu.vector_store %arg8[%swap3A_290, %swap3A_291], %add3A_289 {strides = array<i32>} : memref<640x128xf32, #tpu.memory_space<vmem>>, vector<16xf32>,
      %get3A_293 = arith.index_cast %scan3A_259 : i32 to index
      %get3A_294 = arith.constant 32 : index
      %get3A_295 = tpu.vector_load %arg8[%get3A_293, %get3A_294] {strides = array<i32>} : memref<640x128xf32, #tpu.memory_space<vmem>>, vector<16xf32>,
      %get3A_296 = arith.index_cast %scan3A_259 : i32 to index
      %get3A_297 = arith.constant 96 : index
      %get3A_298 = tpu.vector_load %arg8[%get3A_296, %get3A_297] {strides = array<i32>} : memref<640x128xf32, #tpu.memory_space<vmem>>, vector<16xf32>,
      %select_n3A_299 = arith.select %gt3A_270, %get3A_298, %get3A_295 : vector<16xi1>, vector<16xf32>
      %add3A_300 = arith.addf %select_n3A_299, %get3A_14 : vector<16xf32>
      %swap3A_301 = arith.index_cast %scan3A_259 : i32 to index
      %swap3A_302 = arith.constant 32 : index
      %swap3A_303 = tpu.vector_load %arg8[%swap3A_301, %swap3A_302] {strides = array<i32>} : memref<640x128xf32, #tpu.memory_space<vmem>>, vector<16xf32>,
      tpu.vector_store %arg8[%swap3A_301, %swap3A_302], %add3A_300 {strides = array<i32>} : memref<640x128xf32, #tpu.memory_space<vmem>>, vector<16xf32>,
      %get3A_304 = arith.index_cast %scan3A_259 : i32 to index
      %get3A_305 = arith.constant 48 : index
      %get3A_306 = tpu.vector_load %arg8[%get3A_304, %get3A_305] {strides = array<i32>} : memref<640x128xf32, #tpu.memory_space<vmem>>, vector<16xf32>,
      %get3A_307 = arith.index_cast %scan3A_259 : i32 to index
      %get3A_308 = arith.constant 112 : index
      %get3A_309 = tpu.vector_load %arg8[%get3A_307, %get3A_308] {strides = array<i32>} : memref<640x128xf32, #tpu.memory_space<vmem>>, vector<16xf32>,
      %select_n3A_310 = arith.select %gt3A_270, %get3A_309, %get3A_306 : vector<16xi1>, vector<16xf32>
      %add3A_311 = arith.addf %select_n3A_310, %get3A_16 : vector<16xf32>
      %swap3A_312 = arith.index_cast %scan3A_259 : i32 to index
      %swap3A_313 = arith.constant 48 : index
      %swap3A_314 = tpu.vector_load %arg8[%swap3A_312, %swap3A_313] {strides = array<i32>} : memref<640x128xf32, #tpu.memory_space<vmem>>, vector<16xf32>,
      tpu.vector_store %arg8[%swap3A_312, %swap3A_313], %add3A_311 {strides = array<i32>} : memref<640x128xf32, #tpu.memory_space<vmem>>, vector<16xf32>,
      %scan3A_315 = arith.constant 0 : i32
      scf.yield %scan3A_315 : i32
    }
    %scan3A_126 = arith.constant 640 : i32
    %add3A_127 = arith.constant 3200 : i32
    %add3A_128 = arith.addi %mul3A_2, %add3A_127 : i32
    "tpu.region"() ({
      %run_scoped3A = tpu.sem_alloc : memref<!tpu.dma_semaphore, #tpu.memory_space<semaphore_mem>>
      %dma_start3A_205 = arith.constant 0 : i32
      %dma_start3A_206 = tpu.memref_slice %arg5[%add3A_128, %dma_start3A_205] : memref<204800x128xf32, #tpu.memory_space<hbm>> -> memref<640x128xf32, #tpu.memory_space<hbm>>
      %dma_start3A_207 = arith.constant 0 : i32
      %dma_start3A_208 = tpu.memref_slice %arg5[%add3A_128, %dma_start3A_207] : memref<204800x128xf32, #tpu.memory_space<hbm>> -> memref<640x128xf32, #tpu.memory_space<hbm>>
      tpu.enqueue_dma source(%arg8 : memref<640x128xf32, #tpu.memory_space<vmem>>) target(%dma_start3A_208 : memref<640x128xf32, #tpu.memory_space<hbm>>) target_semaphore(%run_scoped3A : memref<!tpu.dma_semaphore, #tpu.memory_space<semaphore_mem>>)
      %dma_wait3A_209 = arith.constant 0 : i32
      %dma_wait3A_210 = tpu.memref_slice %arg5[%add3A_128, %dma_wait3A_209] : memref<204800x128xf32, #tpu.memory_space<hbm>> -> memref<640x128xf32, #tpu.memory_space<hbm>>
      %dma_wait3A_211 = arith.constant 0 : i32
      %dma_wait3A_212 = tpu.memref_slice %arg5[%add3A_128, %dma_wait3A_211] : memref<204800x128xf32, #tpu.memory_space<hbm>> -> memref<640x128xf32, #tpu.memory_space<hbm>>
      tpu.wait_dma2 semaphore(%run_scoped3A : memref<!tpu.dma_semaphore, #tpu.memory_space<semaphore_mem>>) src(%arg8 : memref<640x128xf32, #tpu.memory_space<vmem>>) dst(%dma_wait3A_212 : memref<640x128xf32, #tpu.memory_space<hbm>>)
      tpu.yield
    }) : () -> ()
    %dma_start3A_129 = arith.constant 3840 : i32
    %dma_start3A_130 = tpu.memref_slice %arg7[%dma_start3A_129] : memref<6400xi32, #tpu.memory_space<vmem>> -> memref<640xi32, #tpu.memory_space<vmem>>
    %dma_start3A_131 = arith.constant 0 : i32
    %dma_start3A_132 = arith.constant 0 : i32
    %dma_start3A_133 = tpu.memref_slice %arg3[%dma_start3A_131, %dma_start3A_132] : memref<500000x128xf32, #tpu.memory_space<hbm>> -> memref<500000x128xf32, #tpu.memory_space<hbm>>
    tpu.enqueue_indirect_dma source(%dma_start3A_133 : memref<500000x128xf32, #tpu.memory_space<hbm>>) target(%arg8 : memref<640x128xf32, #tpu.memory_space<vmem>>) offsets(%dma_start3A_130 : memref<640xi32, #tpu.memory_space<vmem>>) semaphore(%arg10 : memref<!tpu.dma_semaphore, #tpu.memory_space<semaphore_mem>>)
    %dma_wait3A_134 = arith.constant 3840 : i32
    %dma_wait3A_135 = tpu.memref_slice %arg7[%dma_wait3A_134] : memref<6400xi32, #tpu.memory_space<vmem>> -> memref<640xi32, #tpu.memory_space<vmem>>
    %dma_wait3A_136 = arith.constant 0 : i32
    %dma_wait3A_137 = arith.constant 0 : i32
    %dma_wait3A_138 = tpu.memref_slice %arg3[%dma_wait3A_136, %dma_wait3A_137] : memref<500000x128xf32, #tpu.memory_space<hbm>> -> memref<500000x128xf32, #tpu.memory_space<hbm>>
    tpu.wait_indirect_dma semaphore(%arg10 : memref<!tpu.dma_semaphore, #tpu.memory_space<semaphore_mem>>) src(%dma_wait3A_138 : memref<500000x128xf32, #tpu.memory_space<hbm>>) dst(%arg8 : memref<640x128xf32, #tpu.memory_space<vmem>>)
    %scan3A_139 = arith.constant 0 : i32
    %scan3A_140 = arith.constant 0 : i32
    %scan3A_141 = arith.constant 640 : i32
    %scan3A_142 = arith.addi %scan3A_140, %scan3A_141 : i32
    %scan3A_143 = arith.constant 2 : i32
    %scan3A_144 = scf.for %scan3A_205 = %scan3A_140 to %scan3A_142 step %scan3A_143 iter_args(%scan3A_206 = %scan3A_139) -> (i32)  : i32 {
      %add3A_207 = arith.constant 3840 : i32
      %add3A_208 = arith.addi %add3A_207, %scan3A_205 : i32
      %add3A_209 = vector.broadcast %add3A_208 : i32 to vector<16xi32>
      %add3A_210 = arith.addi %broadcast_in_dim3A_3, %add3A_209 : vector<16xi32>
      %gather3A = tpu.vector_load_idx %arg6[%add3A_210] : memref<6400xi32, #tpu.memory_space<vmem>>[vector<16xi32>], vector<16xi32>,
      %and3A = arith.constant 1 : i32
      %and3A_211 = vector.broadcast %and3A : i32 to vector<16xi32>
      %and3A_212 = arith.andi %gather3A, %and3A_211 : vector<16xi32>
      %gt3A = arith.constant 0 : i32
      %gt3A_213 = vector.broadcast %gt3A : i32 to vector<16xi32>
      %gt3A_214 = arith.cmpi sgt, %and3A_212, %gt3A_213 : vector<16xi32>
      %get3A_215 = arith.index_cast %scan3A_205 : i32 to index
      %get3A_216 = arith.constant 0 : index
      %get3A_217 = tpu.vector_load %arg8[%get3A_215, %get3A_216] {strides = array<i32>} : memref<640x128xf32, #tpu.memory_space<vmem>>, vector<16xf32>,
      %get3A_218 = arith.index_cast %scan3A_205 : i32 to index
      %get3A_219 = arith.constant 64 : index
      %get3A_220 = tpu.vector_load %arg8[%get3A_218, %get3A_219] {strides = array<i32>} : memref<640x128xf32, #tpu.memory_space<vmem>>, vector<16xf32>,
      %select_n3A = arith.select %gt3A_214, %get3A_220, %get3A_217 : vector<16xi1>, vector<16xf32>
      %add3A_221 = arith.addf %select_n3A, %get3A_10 : vector<16xf32>
      %swap3A = arith.index_cast %scan3A_205 : i32 to index
      %swap3A_222 = arith.constant 0 : index
      %swap3A_223 = tpu.vector_load %arg8[%swap3A, %swap3A_222] {strides = array<i32>} : memref<640x128xf32, #tpu.memory_space<vmem>>, vector<16xf32>,
      tpu.vector_store %arg8[%swap3A, %swap3A_222], %add3A_221 {strides = array<i32>} : memref<640x128xf32, #tpu.memory_space<vmem>>, vector<16xf32>,
      %get3A_224 = arith.index_cast %scan3A_205 : i32 to index
      %get3A_225 = arith.constant 16 : index
      %get3A_226 = tpu.vector_load %arg8[%get3A_224, %get3A_225] {strides = array<i32>} : memref<640x128xf32, #tpu.memory_space<vmem>>, vector<16xf32>,
      %get3A_227 = arith.index_cast %scan3A_205 : i32 to index
      %get3A_228 = arith.constant 80 : index
      %get3A_229 = tpu.vector_load %arg8[%get3A_227, %get3A_228] {strides = array<i32>} : memref<640x128xf32, #tpu.memory_space<vmem>>, vector<16xf32>,
      %select_n3A_230 = arith.select %gt3A_214, %get3A_229, %get3A_226 : vector<16xi1>, vector<16xf32>
      %add3A_231 = arith.addf %select_n3A_230, %get3A_12 : vector<16xf32>
      %swap3A_232 = arith.index_cast %scan3A_205 : i32 to index
      %swap3A_233 = arith.constant 16 : index
      %swap3A_234 = tpu.vector_load %arg8[%swap3A_232, %swap3A_233] {strides = array<i32>} : memref<640x128xf32, #tpu.memory_space<vmem>>, vector<16xf32>,
      tpu.vector_store %arg8[%swap3A_232, %swap3A_233], %add3A_231 {strides = array<i32>} : memref<640x128xf32, #tpu.memory_space<vmem>>, vector<16xf32>,
      %get3A_235 = arith.index_cast %scan3A_205 : i32 to index
      %get3A_236 = arith.constant 32 : index
      %get3A_237 = tpu.vector_load %arg8[%get3A_235, %get3A_236] {strides = array<i32>} : memref<640x128xf32, #tpu.memory_space<vmem>>, vector<16xf32>,
      %get3A_238 = arith.index_cast %scan3A_205 : i32 to index
      %get3A_239 = arith.constant 96 : index
      %get3A_240 = tpu.vector_load %arg8[%get3A_238, %get3A_239] {strides = array<i32>} : memref<640x128xf32, #tpu.memory_space<vmem>>, vector<16xf32>,
      %select_n3A_241 = arith.select %gt3A_214, %get3A_240, %get3A_237 : vector<16xi1>, vector<16xf32>
      %add3A_242 = arith.addf %select_n3A_241, %get3A_14 : vector<16xf32>
      %swap3A_243 = arith.index_cast %scan3A_205 : i32 to index
      %swap3A_244 = arith.constant 32 : index
      %swap3A_245 = tpu.vector_load %arg8[%swap3A_243, %swap3A_244] {strides = array<i32>} : memref<640x128xf32, #tpu.memory_space<vmem>>, vector<16xf32>,
      tpu.vector_store %arg8[%swap3A_243, %swap3A_244], %add3A_242 {strides = array<i32>} : memref<640x128xf32, #tpu.memory_space<vmem>>, vector<16xf32>,
      %get3A_246 = arith.index_cast %scan3A_205 : i32 to index
      %get3A_247 = arith.constant 48 : index
      %get3A_248 = tpu.vector_load %arg8[%get3A_246, %get3A_247] {strides = array<i32>} : memref<640x128xf32, #tpu.memory_space<vmem>>, vector<16xf32>,
      %get3A_249 = arith.index_cast %scan3A_205 : i32 to index
      %get3A_250 = arith.constant 112 : index
      %get3A_251 = tpu.vector_load %arg8[%get3A_249, %get3A_250] {strides = array<i32>} : memref<640x128xf32, #tpu.memory_space<vmem>>, vector<16xf32>,
      %select_n3A_252 = arith.select %gt3A_214, %get3A_251, %get3A_248 : vector<16xi1>, vector<16xf32>
      %add3A_253 = arith.addf %select_n3A_252, %get3A_16 : vector<16xf32>
      %swap3A_254 = arith.index_cast %scan3A_205 : i32 to index
      %swap3A_255 = arith.constant 48 : index
      %swap3A_256 = tpu.vector_load %arg8[%swap3A_254, %swap3A_255] {strides = array<i32>} : memref<640x128xf32, #tpu.memory_space<vmem>>, vector<16xf32>,
      tpu.vector_store %arg8[%swap3A_254, %swap3A_255], %add3A_253 {strides = array<i32>} : memref<640x128xf32, #tpu.memory_space<vmem>>, vector<16xf32>,
      %scan3A_257 = arith.constant 0 : i32
      %scan3A_258 = arith.constant 1 : i32
      %scan3A_259 = arith.addi %scan3A_205, %scan3A_258 : i32
      %add3A_260 = arith.constant 3840 : i32
      %add3A_261 = arith.addi %add3A_260, %scan3A_259 : i32
      %add3A_262 = vector.broadcast %add3A_261 : i32 to vector<16xi32>
      %add3A_263 = arith.addi %broadcast_in_dim3A_3, %add3A_262 : vector<16xi32>
      %gather3A_264 = tpu.vector_load_idx %arg6[%add3A_263] : memref<6400xi32, #tpu.memory_space<vmem>>[vector<16xi32>], vector<16xi32>,
      %and3A_265 = arith.constant 1 : i32
      %and3A_266 = vector.broadcast %and3A_265 : i32 to vector<16xi32>
      %and3A_267 = arith.andi %gather3A_264, %and3A_266 : vector<16xi32>
      %gt3A_268 = arith.constant 0 : i32
      %gt3A_269 = vector.broadcast %gt3A_268 : i32 to vector<16xi32>
      %gt3A_270 = arith.cmpi sgt, %and3A_267, %gt3A_269 : vector<16xi32>
      %get3A_271 = arith.index_cast %scan3A_259 : i32 to index
      %get3A_272 = arith.constant 0 : index
      %get3A_273 = tpu.vector_load %arg8[%get3A_271, %get3A_272] {strides = array<i32>} : memref<640x128xf32, #tpu.memory_space<vmem>>, vector<16xf32>,
      %get3A_274 = arith.index_cast %scan3A_259 : i32 to index
      %get3A_275 = arith.constant 64 : index
      %get3A_276 = tpu.vector_load %arg8[%get3A_274, %get3A_275] {strides = array<i32>} : memref<640x128xf32, #tpu.memory_space<vmem>>, vector<16xf32>,
      %select_n3A_277 = arith.select %gt3A_270, %get3A_276, %get3A_273 : vector<16xi1>, vector<16xf32>
      %add3A_278 = arith.addf %select_n3A_277, %get3A_10 : vector<16xf32>
      %swap3A_279 = arith.index_cast %scan3A_259 : i32 to index
      %swap3A_280 = arith.constant 0 : index
      %swap3A_281 = tpu.vector_load %arg8[%swap3A_279, %swap3A_280] {strides = array<i32>} : memref<640x128xf32, #tpu.memory_space<vmem>>, vector<16xf32>,
      tpu.vector_store %arg8[%swap3A_279, %swap3A_280], %add3A_278 {strides = array<i32>} : memref<640x128xf32, #tpu.memory_space<vmem>>, vector<16xf32>,
      %get3A_282 = arith.index_cast %scan3A_259 : i32 to index
      %get3A_283 = arith.constant 16 : index
      %get3A_284 = tpu.vector_load %arg8[%get3A_282, %get3A_283] {strides = array<i32>} : memref<640x128xf32, #tpu.memory_space<vmem>>, vector<16xf32>,
      %get3A_285 = arith.index_cast %scan3A_259 : i32 to index
      %get3A_286 = arith.constant 80 : index
      %get3A_287 = tpu.vector_load %arg8[%get3A_285, %get3A_286] {strides = array<i32>} : memref<640x128xf32, #tpu.memory_space<vmem>>, vector<16xf32>,
      %select_n3A_288 = arith.select %gt3A_270, %get3A_287, %get3A_284 : vector<16xi1>, vector<16xf32>
      %add3A_289 = arith.addf %select_n3A_288, %get3A_12 : vector<16xf32>
      %swap3A_290 = arith.index_cast %scan3A_259 : i32 to index
      %swap3A_291 = arith.constant 16 : index
      %swap3A_292 = tpu.vector_load %arg8[%swap3A_290, %swap3A_291] {strides = array<i32>} : memref<640x128xf32, #tpu.memory_space<vmem>>, vector<16xf32>,
      tpu.vector_store %arg8[%swap3A_290, %swap3A_291], %add3A_289 {strides = array<i32>} : memref<640x128xf32, #tpu.memory_space<vmem>>, vector<16xf32>,
      %get3A_293 = arith.index_cast %scan3A_259 : i32 to index
      %get3A_294 = arith.constant 32 : index
      %get3A_295 = tpu.vector_load %arg8[%get3A_293, %get3A_294] {strides = array<i32>} : memref<640x128xf32, #tpu.memory_space<vmem>>, vector<16xf32>,
      %get3A_296 = arith.index_cast %scan3A_259 : i32 to index
      %get3A_297 = arith.constant 96 : index
      %get3A_298 = tpu.vector_load %arg8[%get3A_296, %get3A_297] {strides = array<i32>} : memref<640x128xf32, #tpu.memory_space<vmem>>, vector<16xf32>,
      %select_n3A_299 = arith.select %gt3A_270, %get3A_298, %get3A_295 : vector<16xi1>, vector<16xf32>
      %add3A_300 = arith.addf %select_n3A_299, %get3A_14 : vector<16xf32>
      %swap3A_301 = arith.index_cast %scan3A_259 : i32 to index
      %swap3A_302 = arith.constant 32 : index
      %swap3A_303 = tpu.vector_load %arg8[%swap3A_301, %swap3A_302] {strides = array<i32>} : memref<640x128xf32, #tpu.memory_space<vmem>>, vector<16xf32>,
      tpu.vector_store %arg8[%swap3A_301, %swap3A_302], %add3A_300 {strides = array<i32>} : memref<640x128xf32, #tpu.memory_space<vmem>>, vector<16xf32>,
      %get3A_304 = arith.index_cast %scan3A_259 : i32 to index
      %get3A_305 = arith.constant 48 : index
      %get3A_306 = tpu.vector_load %arg8[%get3A_304, %get3A_305] {strides = array<i32>} : memref<640x128xf32, #tpu.memory_space<vmem>>, vector<16xf32>,
      %get3A_307 = arith.index_cast %scan3A_259 : i32 to index
      %get3A_308 = arith.constant 112 : index
      %get3A_309 = tpu.vector_load %arg8[%get3A_307, %get3A_308] {strides = array<i32>} : memref<640x128xf32, #tpu.memory_space<vmem>>, vector<16xf32>,
      %select_n3A_310 = arith.select %gt3A_270, %get3A_309, %get3A_306 : vector<16xi1>, vector<16xf32>
      %add3A_311 = arith.addf %select_n3A_310, %get3A_16 : vector<16xf32>
      %swap3A_312 = arith.index_cast %scan3A_259 : i32 to index
      %swap3A_313 = arith.constant 48 : index
      %swap3A_314 = tpu.vector_load %arg8[%swap3A_312, %swap3A_313] {strides = array<i32>} : memref<640x128xf32, #tpu.memory_space<vmem>>, vector<16xf32>,
      tpu.vector_store %arg8[%swap3A_312, %swap3A_313], %add3A_311 {strides = array<i32>} : memref<640x128xf32, #tpu.memory_space<vmem>>, vector<16xf32>,
      %scan3A_315 = arith.constant 0 : i32
      scf.yield %scan3A_315 : i32
    }
    %scan3A_145 = arith.constant 640 : i32
    %add3A_146 = arith.constant 3840 : i32
    %add3A_147 = arith.addi %mul3A_2, %add3A_146 : i32
    "tpu.region"() ({
      %run_scoped3A = tpu.sem_alloc : memref<!tpu.dma_semaphore, #tpu.memory_space<semaphore_mem>>
      %dma_start3A_205 = arith.constant 0 : i32
      %dma_start3A_206 = tpu.memref_slice %arg5[%add3A_147, %dma_start3A_205] : memref<204800x128xf32, #tpu.memory_space<hbm>> -> memref<640x128xf32, #tpu.memory_space<hbm>>
      %dma_start3A_207 = arith.constant 0 : i32
      %dma_start3A_208 = tpu.memref_slice %arg5[%add3A_147, %dma_start3A_207] : memref<204800x128xf32, #tpu.memory_space<hbm>> -> memref<640x128xf32, #tpu.memory_space<hbm>>
      tpu.enqueue_dma source(%arg8 : memref<640x128xf32, #tpu.memory_space<vmem>>) target(%dma_start3A_208 : memref<640x128xf32, #tpu.memory_space<hbm>>) target_semaphore(%run_scoped3A : memref<!tpu.dma_semaphore, #tpu.memory_space<semaphore_mem>>)
      %dma_wait3A_209 = arith.constant 0 : i32
      %dma_wait3A_210 = tpu.memref_slice %arg5[%add3A_147, %dma_wait3A_209] : memref<204800x128xf32, #tpu.memory_space<hbm>> -> memref<640x128xf32, #tpu.memory_space<hbm>>
      %dma_wait3A_211 = arith.constant 0 : i32
      %dma_wait3A_212 = tpu.memref_slice %arg5[%add3A_147, %dma_wait3A_211] : memref<204800x128xf32, #tpu.memory_space<hbm>> -> memref<640x128xf32, #tpu.memory_space<hbm>>
      tpu.wait_dma2 semaphore(%run_scoped3A : memref<!tpu.dma_semaphore, #tpu.memory_space<semaphore_mem>>) src(%arg8 : memref<640x128xf32, #tpu.memory_space<vmem>>) dst(%dma_wait3A_212 : memref<640x128xf32, #tpu.memory_space<hbm>>)
      tpu.yield
    }) : () -> ()
    %dma_start3A_148 = arith.constant 4480 : i32
    %dma_start3A_149 = tpu.memref_slice %arg7[%dma_start3A_148] : memref<6400xi32, #tpu.memory_space<vmem>> -> memref<640xi32, #tpu.memory_space<vmem>>
    %dma_start3A_150 = arith.constant 0 : i32
    %dma_start3A_151 = arith.constant 0 : i32
    %dma_start3A_152 = tpu.memref_slice %arg3[%dma_start3A_150, %dma_start3A_151] : memref<500000x128xf32, #tpu.memory_space<hbm>> -> memref<500000x128xf32, #tpu.memory_space<hbm>>
    tpu.enqueue_indirect_dma source(%dma_start3A_152 : memref<500000x128xf32, #tpu.memory_space<hbm>>) target(%arg8 : memref<640x128xf32, #tpu.memory_space<vmem>>) offsets(%dma_start3A_149 : memref<640xi32, #tpu.memory_space<vmem>>) semaphore(%arg10 : memref<!tpu.dma_semaphore, #tpu.memory_space<semaphore_mem>>)
    %dma_wait3A_153 = arith.constant 4480 : i32
    %dma_wait3A_154 = tpu.memref_slice %arg7[%dma_wait3A_153] : memref<6400xi32, #tpu.memory_space<vmem>> -> memref<640xi32, #tpu.memory_space<vmem>>
    %dma_wait3A_155 = arith.constant 0 : i32
    %dma_wait3A_156 = arith.constant 0 : i32
    %dma_wait3A_157 = tpu.memref_slice %arg3[%dma_wait3A_155, %dma_wait3A_156] : memref<500000x128xf32, #tpu.memory_space<hbm>> -> memref<500000x128xf32, #tpu.memory_space<hbm>>
    tpu.wait_indirect_dma semaphore(%arg10 : memref<!tpu.dma_semaphore, #tpu.memory_space<semaphore_mem>>) src(%dma_wait3A_157 : memref<500000x128xf32, #tpu.memory_space<hbm>>) dst(%arg8 : memref<640x128xf32, #tpu.memory_space<vmem>>)
    %scan3A_158 = arith.constant 0 : i32
    %scan3A_159 = arith.constant 0 : i32
    %scan3A_160 = arith.constant 640 : i32
    %scan3A_161 = arith.addi %scan3A_159, %scan3A_160 : i32
    %scan3A_162 = arith.constant 2 : i32
    %scan3A_163 = scf.for %scan3A_205 = %scan3A_159 to %scan3A_161 step %scan3A_162 iter_args(%scan3A_206 = %scan3A_158) -> (i32)  : i32 {
      %add3A_207 = arith.constant 4480 : i32
      %add3A_208 = arith.addi %add3A_207, %scan3A_205 : i32
      %add3A_209 = vector.broadcast %add3A_208 : i32 to vector<16xi32>
      %add3A_210 = arith.addi %broadcast_in_dim3A_3, %add3A_209 : vector<16xi32>
      %gather3A = tpu.vector_load_idx %arg6[%add3A_210] : memref<6400xi32, #tpu.memory_space<vmem>>[vector<16xi32>], vector<16xi32>,
      %and3A = arith.constant 1 : i32
      %and3A_211 = vector.broadcast %and3A : i32 to vector<16xi32>
      %and3A_212 = arith.andi %gather3A, %and3A_211 : vector<16xi32>
      %gt3A = arith.constant 0 : i32
      %gt3A_213 = vector.broadcast %gt3A : i32 to vector<16xi32>
      %gt3A_214 = arith.cmpi sgt, %and3A_212, %gt3A_213 : vector<16xi32>
      %get3A_215 = arith.index_cast %scan3A_205 : i32 to index
      %get3A_216 = arith.constant 0 : index
      %get3A_217 = tpu.vector_load %arg8[%get3A_215, %get3A_216] {strides = array<i32>} : memref<640x128xf32, #tpu.memory_space<vmem>>, vector<16xf32>,
      %get3A_218 = arith.index_cast %scan3A_205 : i32 to index
      %get3A_219 = arith.constant 64 : index
      %get3A_220 = tpu.vector_load %arg8[%get3A_218, %get3A_219] {strides = array<i32>} : memref<640x128xf32, #tpu.memory_space<vmem>>, vector<16xf32>,
      %select_n3A = arith.select %gt3A_214, %get3A_220, %get3A_217 : vector<16xi1>, vector<16xf32>
      %add3A_221 = arith.addf %select_n3A, %get3A_10 : vector<16xf32>
      %swap3A = arith.index_cast %scan3A_205 : i32 to index
      %swap3A_222 = arith.constant 0 : index
      %swap3A_223 = tpu.vector_load %arg8[%swap3A, %swap3A_222] {strides = array<i32>} : memref<640x128xf32, #tpu.memory_space<vmem>>, vector<16xf32>,
      tpu.vector_store %arg8[%swap3A, %swap3A_222], %add3A_221 {strides = array<i32>} : memref<640x128xf32, #tpu.memory_space<vmem>>, vector<16xf32>,
      %get3A_224 = arith.index_cast %scan3A_205 : i32 to index
      %get3A_225 = arith.constant 16 : index
      %get3A_226 = tpu.vector_load %arg8[%get3A_224, %get3A_225] {strides = array<i32>} : memref<640x128xf32, #tpu.memory_space<vmem>>, vector<16xf32>,
      %get3A_227 = arith.index_cast %scan3A_205 : i32 to index
      %get3A_228 = arith.constant 80 : index
      %get3A_229 = tpu.vector_load %arg8[%get3A_227, %get3A_228] {strides = array<i32>} : memref<640x128xf32, #tpu.memory_space<vmem>>, vector<16xf32>,
      %select_n3A_230 = arith.select %gt3A_214, %get3A_229, %get3A_226 : vector<16xi1>, vector<16xf32>
      %add3A_231 = arith.addf %select_n3A_230, %get3A_12 : vector<16xf32>
      %swap3A_232 = arith.index_cast %scan3A_205 : i32 to index
      %swap3A_233 = arith.constant 16 : index
      %swap3A_234 = tpu.vector_load %arg8[%swap3A_232, %swap3A_233] {strides = array<i32>} : memref<640x128xf32, #tpu.memory_space<vmem>>, vector<16xf32>,
      tpu.vector_store %arg8[%swap3A_232, %swap3A_233], %add3A_231 {strides = array<i32>} : memref<640x128xf32, #tpu.memory_space<vmem>>, vector<16xf32>,
      %get3A_235 = arith.index_cast %scan3A_205 : i32 to index
      %get3A_236 = arith.constant 32 : index
      %get3A_237 = tpu.vector_load %arg8[%get3A_235, %get3A_236] {strides = array<i32>} : memref<640x128xf32, #tpu.memory_space<vmem>>, vector<16xf32>,
      %get3A_238 = arith.index_cast %scan3A_205 : i32 to index
      %get3A_239 = arith.constant 96 : index
      %get3A_240 = tpu.vector_load %arg8[%get3A_238, %get3A_239] {strides = array<i32>} : memref<640x128xf32, #tpu.memory_space<vmem>>, vector<16xf32>,
      %select_n3A_241 = arith.select %gt3A_214, %get3A_240, %get3A_237 : vector<16xi1>, vector<16xf32>
      %add3A_242 = arith.addf %select_n3A_241, %get3A_14 : vector<16xf32>
      %swap3A_243 = arith.index_cast %scan3A_205 : i32 to index
      %swap3A_244 = arith.constant 32 : index
      %swap3A_245 = tpu.vector_load %arg8[%swap3A_243, %swap3A_244] {strides = array<i32>} : memref<640x128xf32, #tpu.memory_space<vmem>>, vector<16xf32>,
      tpu.vector_store %arg8[%swap3A_243, %swap3A_244], %add3A_242 {strides = array<i32>} : memref<640x128xf32, #tpu.memory_space<vmem>>, vector<16xf32>,
      %get3A_246 = arith.index_cast %scan3A_205 : i32 to index
      %get3A_247 = arith.constant 48 : index
      %get3A_248 = tpu.vector_load %arg8[%get3A_246, %get3A_247] {strides = array<i32>} : memref<640x128xf32, #tpu.memory_space<vmem>>, vector<16xf32>,
      %get3A_249 = arith.index_cast %scan3A_205 : i32 to index
      %get3A_250 = arith.constant 112 : index
      %get3A_251 = tpu.vector_load %arg8[%get3A_249, %get3A_250] {strides = array<i32>} : memref<640x128xf32, #tpu.memory_space<vmem>>, vector<16xf32>,
      %select_n3A_252 = arith.select %gt3A_214, %get3A_251, %get3A_248 : vector<16xi1>, vector<16xf32>
      %add3A_253 = arith.addf %select_n3A_252, %get3A_16 : vector<16xf32>
      %swap3A_254 = arith.index_cast %scan3A_205 : i32 to index
      %swap3A_255 = arith.constant 48 : index
      %swap3A_256 = tpu.vector_load %arg8[%swap3A_254, %swap3A_255] {strides = array<i32>} : memref<640x128xf32, #tpu.memory_space<vmem>>, vector<16xf32>,
      tpu.vector_store %arg8[%swap3A_254, %swap3A_255], %add3A_253 {strides = array<i32>} : memref<640x128xf32, #tpu.memory_space<vmem>>, vector<16xf32>,
      %scan3A_257 = arith.constant 0 : i32
      %scan3A_258 = arith.constant 1 : i32
      %scan3A_259 = arith.addi %scan3A_205, %scan3A_258 : i32
      %add3A_260 = arith.constant 4480 : i32
      %add3A_261 = arith.addi %add3A_260, %scan3A_259 : i32
      %add3A_262 = vector.broadcast %add3A_261 : i32 to vector<16xi32>
      %add3A_263 = arith.addi %broadcast_in_dim3A_3, %add3A_262 : vector<16xi32>
      %gather3A_264 = tpu.vector_load_idx %arg6[%add3A_263] : memref<6400xi32, #tpu.memory_space<vmem>>[vector<16xi32>], vector<16xi32>,
      %and3A_265 = arith.constant 1 : i32
      %and3A_266 = vector.broadcast %and3A_265 : i32 to vector<16xi32>
      %and3A_267 = arith.andi %gather3A_264, %and3A_266 : vector<16xi32>
      %gt3A_268 = arith.constant 0 : i32
      %gt3A_269 = vector.broadcast %gt3A_268 : i32 to vector<16xi32>
      %gt3A_270 = arith.cmpi sgt, %and3A_267, %gt3A_269 : vector<16xi32>
      %get3A_271 = arith.index_cast %scan3A_259 : i32 to index
      %get3A_272 = arith.constant 0 : index
      %get3A_273 = tpu.vector_load %arg8[%get3A_271, %get3A_272] {strides = array<i32>} : memref<640x128xf32, #tpu.memory_space<vmem>>, vector<16xf32>,
      %get3A_274 = arith.index_cast %scan3A_259 : i32 to index
      %get3A_275 = arith.constant 64 : index
      %get3A_276 = tpu.vector_load %arg8[%get3A_274, %get3A_275] {strides = array<i32>} : memref<640x128xf32, #tpu.memory_space<vmem>>, vector<16xf32>,
      %select_n3A_277 = arith.select %gt3A_270, %get3A_276, %get3A_273 : vector<16xi1>, vector<16xf32>
      %add3A_278 = arith.addf %select_n3A_277, %get3A_10 : vector<16xf32>
      %swap3A_279 = arith.index_cast %scan3A_259 : i32 to index
      %swap3A_280 = arith.constant 0 : index
      %swap3A_281 = tpu.vector_load %arg8[%swap3A_279, %swap3A_280] {strides = array<i32>} : memref<640x128xf32, #tpu.memory_space<vmem>>, vector<16xf32>,
      tpu.vector_store %arg8[%swap3A_279, %swap3A_280], %add3A_278 {strides = array<i32>} : memref<640x128xf32, #tpu.memory_space<vmem>>, vector<16xf32>,
      %get3A_282 = arith.index_cast %scan3A_259 : i32 to index
      %get3A_283 = arith.constant 16 : index
      %get3A_284 = tpu.vector_load %arg8[%get3A_282, %get3A_283] {strides = array<i32>} : memref<640x128xf32, #tpu.memory_space<vmem>>, vector<16xf32>,
      %get3A_285 = arith.index_cast %scan3A_259 : i32 to index
      %get3A_286 = arith.constant 80 : index
      %get3A_287 = tpu.vector_load %arg8[%get3A_285, %get3A_286] {strides = array<i32>} : memref<640x128xf32, #tpu.memory_space<vmem>>, vector<16xf32>,
      %select_n3A_288 = arith.select %gt3A_270, %get3A_287, %get3A_284 : vector<16xi1>, vector<16xf32>
      %add3A_289 = arith.addf %select_n3A_288, %get3A_12 : vector<16xf32>
      %swap3A_290 = arith.index_cast %scan3A_259 : i32 to index
      %swap3A_291 = arith.constant 16 : index
      %swap3A_292 = tpu.vector_load %arg8[%swap3A_290, %swap3A_291] {strides = array<i32>} : memref<640x128xf32, #tpu.memory_space<vmem>>, vector<16xf32>,
      tpu.vector_store %arg8[%swap3A_290, %swap3A_291], %add3A_289 {strides = array<i32>} : memref<640x128xf32, #tpu.memory_space<vmem>>, vector<16xf32>,
      %get3A_293 = arith.index_cast %scan3A_259 : i32 to index
      %get3A_294 = arith.constant 32 : index
      %get3A_295 = tpu.vector_load %arg8[%get3A_293, %get3A_294] {strides = array<i32>} : memref<640x128xf32, #tpu.memory_space<vmem>>, vector<16xf32>,
      %get3A_296 = arith.index_cast %scan3A_259 : i32 to index
      %get3A_297 = arith.constant 96 : index
      %get3A_298 = tpu.vector_load %arg8[%get3A_296, %get3A_297] {strides = array<i32>} : memref<640x128xf32, #tpu.memory_space<vmem>>, vector<16xf32>,
      %select_n3A_299 = arith.select %gt3A_270, %get3A_298, %get3A_295 : vector<16xi1>, vector<16xf32>
      %add3A_300 = arith.addf %select_n3A_299, %get3A_14 : vector<16xf32>
      %swap3A_301 = arith.index_cast %scan3A_259 : i32 to index
      %swap3A_302 = arith.constant 32 : index
      %swap3A_303 = tpu.vector_load %arg8[%swap3A_301, %swap3A_302] {strides = array<i32>} : memref<640x128xf32, #tpu.memory_space<vmem>>, vector<16xf32>,
      tpu.vector_store %arg8[%swap3A_301, %swap3A_302], %add3A_300 {strides = array<i32>} : memref<640x128xf32, #tpu.memory_space<vmem>>, vector<16xf32>,
      %get3A_304 = arith.index_cast %scan3A_259 : i32 to index
      %get3A_305 = arith.constant 48 : index
      %get3A_306 = tpu.vector_load %arg8[%get3A_304, %get3A_305] {strides = array<i32>} : memref<640x128xf32, #tpu.memory_space<vmem>>, vector<16xf32>,
      %get3A_307 = arith.index_cast %scan3A_259 : i32 to index
      %get3A_308 = arith.constant 112 : index
      %get3A_309 = tpu.vector_load %arg8[%get3A_307, %get3A_308] {strides = array<i32>} : memref<640x128xf32, #tpu.memory_space<vmem>>, vector<16xf32>,
      %select_n3A_310 = arith.select %gt3A_270, %get3A_309, %get3A_306 : vector<16xi1>, vector<16xf32>
      %add3A_311 = arith.addf %select_n3A_310, %get3A_16 : vector<16xf32>
      %swap3A_312 = arith.index_cast %scan3A_259 : i32 to index
      %swap3A_313 = arith.constant 48 : index
      %swap3A_314 = tpu.vector_load %arg8[%swap3A_312, %swap3A_313] {strides = array<i32>} : memref<640x128xf32, #tpu.memory_space<vmem>>, vector<16xf32>,
      tpu.vector_store %arg8[%swap3A_312, %swap3A_313], %add3A_311 {strides = array<i32>} : memref<640x128xf32, #tpu.memory_space<vmem>>, vector<16xf32>,
      %scan3A_315 = arith.constant 0 : i32
      scf.yield %scan3A_315 : i32
    }
    %scan3A_164 = arith.constant 640 : i32
    %add3A_165 = arith.constant 4480 : i32
    %add3A_166 = arith.addi %mul3A_2, %add3A_165 : i32
    "tpu.region"() ({
      %run_scoped3A = tpu.sem_alloc : memref<!tpu.dma_semaphore, #tpu.memory_space<semaphore_mem>>
      %dma_start3A_205 = arith.constant 0 : i32
      %dma_start3A_206 = tpu.memref_slice %arg5[%add3A_166, %dma_start3A_205] : memref<204800x128xf32, #tpu.memory_space<hbm>> -> memref<640x128xf32, #tpu.memory_space<hbm>>
      %dma_start3A_207 = arith.constant 0 : i32
      %dma_start3A_208 = tpu.memref_slice %arg5[%add3A_166, %dma_start3A_207] : memref<204800x128xf32, #tpu.memory_space<hbm>> -> memref<640x128xf32, #tpu.memory_space<hbm>>
      tpu.enqueue_dma source(%arg8 : memref<640x128xf32, #tpu.memory_space<vmem>>) target(%dma_start3A_208 : memref<640x128xf32, #tpu.memory_space<hbm>>) target_semaphore(%run_scoped3A : memref<!tpu.dma_semaphore, #tpu.memory_space<semaphore_mem>>)
      %dma_wait3A_209 = arith.constant 0 : i32
      %dma_wait3A_210 = tpu.memref_slice %arg5[%add3A_166, %dma_wait3A_209] : memref<204800x128xf32, #tpu.memory_space<hbm>> -> memref<640x128xf32, #tpu.memory_space<hbm>>
      %dma_wait3A_211 = arith.constant 0 : i32
      %dma_wait3A_212 = tpu.memref_slice %arg5[%add3A_166, %dma_wait3A_211] : memref<204800x128xf32, #tpu.memory_space<hbm>> -> memref<640x128xf32, #tpu.memory_space<hbm>>
      tpu.wait_dma2 semaphore(%run_scoped3A : memref<!tpu.dma_semaphore, #tpu.memory_space<semaphore_mem>>) src(%arg8 : memref<640x128xf32, #tpu.memory_space<vmem>>) dst(%dma_wait3A_212 : memref<640x128xf32, #tpu.memory_space<hbm>>)
      tpu.yield
    }) : () -> ()
    %dma_start3A_167 = arith.constant 5120 : i32
    %dma_start3A_168 = tpu.memref_slice %arg7[%dma_start3A_167] : memref<6400xi32, #tpu.memory_space<vmem>> -> memref<640xi32, #tpu.memory_space<vmem>>
    %dma_start3A_169 = arith.constant 0 : i32
    %dma_start3A_170 = arith.constant 0 : i32
    %dma_start3A_171 = tpu.memref_slice %arg3[%dma_start3A_169, %dma_start3A_170] : memref<500000x128xf32, #tpu.memory_space<hbm>> -> memref<500000x128xf32, #tpu.memory_space<hbm>>
    tpu.enqueue_indirect_dma source(%dma_start3A_171 : memref<500000x128xf32, #tpu.memory_space<hbm>>) target(%arg8 : memref<640x128xf32, #tpu.memory_space<vmem>>) offsets(%dma_start3A_168 : memref<640xi32, #tpu.memory_space<vmem>>) semaphore(%arg10 : memref<!tpu.dma_semaphore, #tpu.memory_space<semaphore_mem>>)
    %dma_wait3A_172 = arith.constant 5120 : i32
    %dma_wait3A_173 = tpu.memref_slice %arg7[%dma_wait3A_172] : memref<6400xi32, #tpu.memory_space<vmem>> -> memref<640xi32, #tpu.memory_space<vmem>>
    %dma_wait3A_174 = arith.constant 0 : i32
    %dma_wait3A_175 = arith.constant 0 : i32
    %dma_wait3A_176 = tpu.memref_slice %arg3[%dma_wait3A_174, %dma_wait3A_175] : memref<500000x128xf32, #tpu.memory_space<hbm>> -> memref<500000x128xf32, #tpu.memory_space<hbm>>
    tpu.wait_indirect_dma semaphore(%arg10 : memref<!tpu.dma_semaphore, #tpu.memory_space<semaphore_mem>>) src(%dma_wait3A_176 : memref<500000x128xf32, #tpu.memory_space<hbm>>) dst(%arg8 : memref<640x128xf32, #tpu.memory_space<vmem>>)
    %scan3A_177 = arith.constant 0 : i32
    %scan3A_178 = arith.constant 0 : i32
    %scan3A_179 = arith.constant 640 : i32
    %scan3A_180 = arith.addi %scan3A_178, %scan3A_179 : i32
    %scan3A_181 = arith.constant 2 : i32
    %scan3A_182 = scf.for %scan3A_205 = %scan3A_178 to %scan3A_180 step %scan3A_181 iter_args(%scan3A_206 = %scan3A_177) -> (i32)  : i32 {
      %add3A_207 = arith.constant 5120 : i32
      %add3A_208 = arith.addi %add3A_207, %scan3A_205 : i32
      %add3A_209 = vector.broadcast %add3A_208 : i32 to vector<16xi32>
      %add3A_210 = arith.addi %broadcast_in_dim3A_3, %add3A_209 : vector<16xi32>
      %gather3A = tpu.vector_load_idx %arg6[%add3A_210] : memref<6400xi32, #tpu.memory_space<vmem>>[vector<16xi32>], vector<16xi32>,
      %and3A = arith.constant 1 : i32
      %and3A_211 = vector.broadcast %and3A : i32 to vector<16xi32>
      %and3A_212 = arith.andi %gather3A, %and3A_211 : vector<16xi32>
      %gt3A = arith.constant 0 : i32
      %gt3A_213 = vector.broadcast %gt3A : i32 to vector<16xi32>
      %gt3A_214 = arith.cmpi sgt, %and3A_212, %gt3A_213 : vector<16xi32>
      %get3A_215 = arith.index_cast %scan3A_205 : i32 to index
      %get3A_216 = arith.constant 0 : index
      %get3A_217 = tpu.vector_load %arg8[%get3A_215, %get3A_216] {strides = array<i32>} : memref<640x128xf32, #tpu.memory_space<vmem>>, vector<16xf32>,
      %get3A_218 = arith.index_cast %scan3A_205 : i32 to index
      %get3A_219 = arith.constant 64 : index
      %get3A_220 = tpu.vector_load %arg8[%get3A_218, %get3A_219] {strides = array<i32>} : memref<640x128xf32, #tpu.memory_space<vmem>>, vector<16xf32>,
      %select_n3A = arith.select %gt3A_214, %get3A_220, %get3A_217 : vector<16xi1>, vector<16xf32>
      %add3A_221 = arith.addf %select_n3A, %get3A_10 : vector<16xf32>
      %swap3A = arith.index_cast %scan3A_205 : i32 to index
      %swap3A_222 = arith.constant 0 : index
      %swap3A_223 = tpu.vector_load %arg8[%swap3A, %swap3A_222] {strides = array<i32>} : memref<640x128xf32, #tpu.memory_space<vmem>>, vector<16xf32>,
      tpu.vector_store %arg8[%swap3A, %swap3A_222], %add3A_221 {strides = array<i32>} : memref<640x128xf32, #tpu.memory_space<vmem>>, vector<16xf32>,
      %get3A_224 = arith.index_cast %scan3A_205 : i32 to index
      %get3A_225 = arith.constant 16 : index
      %get3A_226 = tpu.vector_load %arg8[%get3A_224, %get3A_225] {strides = array<i32>} : memref<640x128xf32, #tpu.memory_space<vmem>>, vector<16xf32>,
      %get3A_227 = arith.index_cast %scan3A_205 : i32 to index
      %get3A_228 = arith.constant 80 : index
      %get3A_229 = tpu.vector_load %arg8[%get3A_227, %get3A_228] {strides = array<i32>} : memref<640x128xf32, #tpu.memory_space<vmem>>, vector<16xf32>,
      %select_n3A_230 = arith.select %gt3A_214, %get3A_229, %get3A_226 : vector<16xi1>, vector<16xf32>
      %add3A_231 = arith.addf %select_n3A_230, %get3A_12 : vector<16xf32>
      %swap3A_232 = arith.index_cast %scan3A_205 : i32 to index
      %swap3A_233 = arith.constant 16 : index
      %swap3A_234 = tpu.vector_load %arg8[%swap3A_232, %swap3A_233] {strides = array<i32>} : memref<640x128xf32, #tpu.memory_space<vmem>>, vector<16xf32>,
      tpu.vector_store %arg8[%swap3A_232, %swap3A_233], %add3A_231 {strides = array<i32>} : memref<640x128xf32, #tpu.memory_space<vmem>>, vector<16xf32>,
      %get3A_235 = arith.index_cast %scan3A_205 : i32 to index
      %get3A_236 = arith.constant 32 : index
      %get3A_237 = tpu.vector_load %arg8[%get3A_235, %get3A_236] {strides = array<i32>} : memref<640x128xf32, #tpu.memory_space<vmem>>, vector<16xf32>,
      %get3A_238 = arith.index_cast %scan3A_205 : i32 to index
      %get3A_239 = arith.constant 96 : index
      %get3A_240 = tpu.vector_load %arg8[%get3A_238, %get3A_239] {strides = array<i32>} : memref<640x128xf32, #tpu.memory_space<vmem>>, vector<16xf32>,
      %select_n3A_241 = arith.select %gt3A_214, %get3A_240, %get3A_237 : vector<16xi1>, vector<16xf32>
      %add3A_242 = arith.addf %select_n3A_241, %get3A_14 : vector<16xf32>
      %swap3A_243 = arith.index_cast %scan3A_205 : i32 to index
      %swap3A_244 = arith.constant 32 : index
      %swap3A_245 = tpu.vector_load %arg8[%swap3A_243, %swap3A_244] {strides = array<i32>} : memref<640x128xf32, #tpu.memory_space<vmem>>, vector<16xf32>,
      tpu.vector_store %arg8[%swap3A_243, %swap3A_244], %add3A_242 {strides = array<i32>} : memref<640x128xf32, #tpu.memory_space<vmem>>, vector<16xf32>,
      %get3A_246 = arith.index_cast %scan3A_205 : i32 to index
      %get3A_247 = arith.constant 48 : index
      %get3A_248 = tpu.vector_load %arg8[%get3A_246, %get3A_247] {strides = array<i32>} : memref<640x128xf32, #tpu.memory_space<vmem>>, vector<16xf32>,
      %get3A_249 = arith.index_cast %scan3A_205 : i32 to index
      %get3A_250 = arith.constant 112 : index
      %get3A_251 = tpu.vector_load %arg8[%get3A_249, %get3A_250] {strides = array<i32>} : memref<640x128xf32, #tpu.memory_space<vmem>>, vector<16xf32>,
      %select_n3A_252 = arith.select %gt3A_214, %get3A_251, %get3A_248 : vector<16xi1>, vector<16xf32>
      %add3A_253 = arith.addf %select_n3A_252, %get3A_16 : vector<16xf32>
      %swap3A_254 = arith.index_cast %scan3A_205 : i32 to index
      %swap3A_255 = arith.constant 48 : index
      %swap3A_256 = tpu.vector_load %arg8[%swap3A_254, %swap3A_255] {strides = array<i32>} : memref<640x128xf32, #tpu.memory_space<vmem>>, vector<16xf32>,
      tpu.vector_store %arg8[%swap3A_254, %swap3A_255], %add3A_253 {strides = array<i32>} : memref<640x128xf32, #tpu.memory_space<vmem>>, vector<16xf32>,
      %scan3A_257 = arith.constant 0 : i32
      %scan3A_258 = arith.constant 1 : i32
      %scan3A_259 = arith.addi %scan3A_205, %scan3A_258 : i32
      %add3A_260 = arith.constant 5120 : i32
      %add3A_261 = arith.addi %add3A_260, %scan3A_259 : i32
      %add3A_262 = vector.broadcast %add3A_261 : i32 to vector<16xi32>
      %add3A_263 = arith.addi %broadcast_in_dim3A_3, %add3A_262 : vector<16xi32>
      %gather3A_264 = tpu.vector_load_idx %arg6[%add3A_263] : memref<6400xi32, #tpu.memory_space<vmem>>[vector<16xi32>], vector<16xi32>,
      %and3A_265 = arith.constant 1 : i32
      %and3A_266 = vector.broadcast %and3A_265 : i32 to vector<16xi32>
      %and3A_267 = arith.andi %gather3A_264, %and3A_266 : vector<16xi32>
      %gt3A_268 = arith.constant 0 : i32
      %gt3A_269 = vector.broadcast %gt3A_268 : i32 to vector<16xi32>
      %gt3A_270 = arith.cmpi sgt, %and3A_267, %gt3A_269 : vector<16xi32>
      %get3A_271 = arith.index_cast %scan3A_259 : i32 to index
      %get3A_272 = arith.constant 0 : index
      %get3A_273 = tpu.vector_load %arg8[%get3A_271, %get3A_272] {strides = array<i32>} : memref<640x128xf32, #tpu.memory_space<vmem>>, vector<16xf32>,
      %get3A_274 = arith.index_cast %scan3A_259 : i32 to index
      %get3A_275 = arith.constant 64 : index
      %get3A_276 = tpu.vector_load %arg8[%get3A_274, %get3A_275] {strides = array<i32>} : memref<640x128xf32, #tpu.memory_space<vmem>>, vector<16xf32>,
      %select_n3A_277 = arith.select %gt3A_270, %get3A_276, %get3A_273 : vector<16xi1>, vector<16xf32>
      %add3A_278 = arith.addf %select_n3A_277, %get3A_10 : vector<16xf32>
      %swap3A_279 = arith.index_cast %scan3A_259 : i32 to index
      %swap3A_280 = arith.constant 0 : index
      %swap3A_281 = tpu.vector_load %arg8[%swap3A_279, %swap3A_280] {strides = array<i32>} : memref<640x128xf32, #tpu.memory_space<vmem>>, vector<16xf32>,
      tpu.vector_store %arg8[%swap3A_279, %swap3A_280], %add3A_278 {strides = array<i32>} : memref<640x128xf32, #tpu.memory_space<vmem>>, vector<16xf32>,
      %get3A_282 = arith.index_cast %scan3A_259 : i32 to index
      %get3A_283 = arith.constant 16 : index
      %get3A_284 = tpu.vector_load %arg8[%get3A_282, %get3A_283] {strides = array<i32>} : memref<640x128xf32, #tpu.memory_space<vmem>>, vector<16xf32>,
      %get3A_285 = arith.index_cast %scan3A_259 : i32 to index
      %get3A_286 = arith.constant 80 : index
      %get3A_287 = tpu.vector_load %arg8[%get3A_285, %get3A_286] {strides = array<i32>} : memref<640x128xf32, #tpu.memory_space<vmem>>, vector<16xf32>,
      %select_n3A_288 = arith.select %gt3A_270, %get3A_287, %get3A_284 : vector<16xi1>, vector<16xf32>
      %add3A_289 = arith.addf %select_n3A_288, %get3A_12 : vector<16xf32>
      %swap3A_290 = arith.index_cast %scan3A_259 : i32 to index
      %swap3A_291 = arith.constant 16 : index
      %swap3A_292 = tpu.vector_load %arg8[%swap3A_290, %swap3A_291] {strides = array<i32>} : memref<640x128xf32, #tpu.memory_space<vmem>>, vector<16xf32>,
      tpu.vector_store %arg8[%swap3A_290, %swap3A_291], %add3A_289 {strides = array<i32>} : memref<640x128xf32, #tpu.memory_space<vmem>>, vector<16xf32>,
      %get3A_293 = arith.index_cast %scan3A_259 : i32 to index
      %get3A_294 = arith.constant 32 : index
      %get3A_295 = tpu.vector_load %arg8[%get3A_293, %get3A_294] {strides = array<i32>} : memref<640x128xf32, #tpu.memory_space<vmem>>, vector<16xf32>,
      %get3A_296 = arith.index_cast %scan3A_259 : i32 to index
      %get3A_297 = arith.constant 96 : index
      %get3A_298 = tpu.vector_load %arg8[%get3A_296, %get3A_297] {strides = array<i32>} : memref<640x128xf32, #tpu.memory_space<vmem>>, vector<16xf32>,
      %select_n3A_299 = arith.select %gt3A_270, %get3A_298, %get3A_295 : vector<16xi1>, vector<16xf32>
      %add3A_300 = arith.addf %select_n3A_299, %get3A_14 : vector<16xf32>
      %swap3A_301 = arith.index_cast %scan3A_259 : i32 to index
      %swap3A_302 = arith.constant 32 : index
      %swap3A_303 = tpu.vector_load %arg8[%swap3A_301, %swap3A_302] {strides = array<i32>} : memref<640x128xf32, #tpu.memory_space<vmem>>, vector<16xf32>,
      tpu.vector_store %arg8[%swap3A_301, %swap3A_302], %add3A_300 {strides = array<i32>} : memref<640x128xf32, #tpu.memory_space<vmem>>, vector<16xf32>,
      %get3A_304 = arith.index_cast %scan3A_259 : i32 to index
      %get3A_305 = arith.constant 48 : index
      %get3A_306 = tpu.vector_load %arg8[%get3A_304, %get3A_305] {strides = array<i32>} : memref<640x128xf32, #tpu.memory_space<vmem>>, vector<16xf32>,
      %get3A_307 = arith.index_cast %scan3A_259 : i32 to index
      %get3A_308 = arith.constant 112 : index
      %get3A_309 = tpu.vector_load %arg8[%get3A_307, %get3A_308] {strides = array<i32>} : memref<640x128xf32, #tpu.memory_space<vmem>>, vector<16xf32>,
      %select_n3A_310 = arith.select %gt3A_270, %get3A_309, %get3A_306 : vector<16xi1>, vector<16xf32>
      %add3A_311 = arith.addf %select_n3A_310, %get3A_16 : vector<16xf32>
      %swap3A_312 = arith.index_cast %scan3A_259 : i32 to index
      %swap3A_313 = arith.constant 48 : index
      %swap3A_314 = tpu.vector_load %arg8[%swap3A_312, %swap3A_313] {strides = array<i32>} : memref<640x128xf32, #tpu.memory_space<vmem>>, vector<16xf32>,
      tpu.vector_store %arg8[%swap3A_312, %swap3A_313], %add3A_311 {strides = array<i32>} : memref<640x128xf32, #tpu.memory_space<vmem>>, vector<16xf32>,
      %scan3A_315 = arith.constant 0 : i32
      scf.yield %scan3A_315 : i32
    }
    %scan3A_183 = arith.constant 640 : i32
    %add3A_184 = arith.constant 5120 : i32
    %add3A_185 = arith.addi %mul3A_2, %add3A_184 : i32
    "tpu.region"() ({
      %run_scoped3A = tpu.sem_alloc : memref<!tpu.dma_semaphore, #tpu.memory_space<semaphore_mem>>
      %dma_start3A_205 = arith.constant 0 : i32
      %dma_start3A_206 = tpu.memref_slice %arg5[%add3A_185, %dma_start3A_205] : memref<204800x128xf32, #tpu.memory_space<hbm>> -> memref<640x128xf32, #tpu.memory_space<hbm>>
      %dma_start3A_207 = arith.constant 0 : i32
      %dma_start3A_208 = tpu.memref_slice %arg5[%add3A_185, %dma_start3A_207] : memref<204800x128xf32, #tpu.memory_space<hbm>> -> memref<640x128xf32, #tpu.memory_space<hbm>>
      tpu.enqueue_dma source(%arg8 : memref<640x128xf32, #tpu.memory_space<vmem>>) target(%dma_start3A_208 : memref<640x128xf32, #tpu.memory_space<hbm>>) target_semaphore(%run_scoped3A : memref<!tpu.dma_semaphore, #tpu.memory_space<semaphore_mem>>)
      %dma_wait3A_209 = arith.constant 0 : i32
      %dma_wait3A_210 = tpu.memref_slice %arg5[%add3A_185, %dma_wait3A_209] : memref<204800x128xf32, #tpu.memory_space<hbm>> -> memref<640x128xf32, #tpu.memory_space<hbm>>
      %dma_wait3A_211 = arith.constant 0 : i32
      %dma_wait3A_212 = tpu.memref_slice %arg5[%add3A_185, %dma_wait3A_211] : memref<204800x128xf32, #tpu.memory_space<hbm>> -> memref<640x128xf32, #tpu.memory_space<hbm>>
      tpu.wait_dma2 semaphore(%run_scoped3A : memref<!tpu.dma_semaphore, #tpu.memory_space<semaphore_mem>>) src(%arg8 : memref<640x128xf32, #tpu.memory_space<vmem>>) dst(%dma_wait3A_212 : memref<640x128xf32, #tpu.memory_space<hbm>>)
      tpu.yield
    }) : () -> ()
    %dma_start3A_186 = arith.constant 5760 : i32
    %dma_start3A_187 = tpu.memref_slice %arg7[%dma_start3A_186] : memref<6400xi32, #tpu.memory_space<vmem>> -> memref<640xi32, #tpu.memory_space<vmem>>
    %dma_start3A_188 = arith.constant 0 : i32
    %dma_start3A_189 = arith.constant 0 : i32
    %dma_start3A_190 = tpu.memref_slice %arg3[%dma_start3A_188, %dma_start3A_189] : memref<500000x128xf32, #tpu.memory_space<hbm>> -> memref<500000x128xf32, #tpu.memory_space<hbm>>
    tpu.enqueue_indirect_dma source(%dma_start3A_190 : memref<500000x128xf32, #tpu.memory_space<hbm>>) target(%arg8 : memref<640x128xf32, #tpu.memory_space<vmem>>) offsets(%dma_start3A_187 : memref<640xi32, #tpu.memory_space<vmem>>) semaphore(%arg10 : memref<!tpu.dma_semaphore, #tpu.memory_space<semaphore_mem>>)
    %dma_wait3A_191 = arith.constant 5760 : i32
    %dma_wait3A_192 = tpu.memref_slice %arg7[%dma_wait3A_191] : memref<6400xi32, #tpu.memory_space<vmem>> -> memref<640xi32, #tpu.memory_space<vmem>>
    %dma_wait3A_193 = arith.constant 0 : i32
    %dma_wait3A_194 = arith.constant 0 : i32
    %dma_wait3A_195 = tpu.memref_slice %arg3[%dma_wait3A_193, %dma_wait3A_194] : memref<500000x128xf32, #tpu.memory_space<hbm>> -> memref<500000x128xf32, #tpu.memory_space<hbm>>
    tpu.wait_indirect_dma semaphore(%arg10 : memref<!tpu.dma_semaphore, #tpu.memory_space<semaphore_mem>>) src(%dma_wait3A_195 : memref<500000x128xf32, #tpu.memory_space<hbm>>) dst(%arg8 : memref<640x128xf32, #tpu.memory_space<vmem>>)
    %scan3A_196 = arith.constant 0 : i32
    %scan3A_197 = arith.constant 0 : i32
    %scan3A_198 = arith.constant 640 : i32
    %scan3A_199 = arith.addi %scan3A_197, %scan3A_198 : i32
    %scan3A_200 = arith.constant 2 : i32
    %scan3A_201 = scf.for %scan3A_205 = %scan3A_197 to %scan3A_199 step %scan3A_200 iter_args(%scan3A_206 = %scan3A_196) -> (i32)  : i32 {
      %add3A_207 = arith.constant 5760 : i32
      %add3A_208 = arith.addi %add3A_207, %scan3A_205 : i32
      %add3A_209 = vector.broadcast %add3A_208 : i32 to vector<16xi32>
      %add3A_210 = arith.addi %broadcast_in_dim3A_3, %add3A_209 : vector<16xi32>
      %gather3A = tpu.vector_load_idx %arg6[%add3A_210] : memref<6400xi32, #tpu.memory_space<vmem>>[vector<16xi32>], vector<16xi32>,
      %and3A = arith.constant 1 : i32
      %and3A_211 = vector.broadcast %and3A : i32 to vector<16xi32>
      %and3A_212 = arith.andi %gather3A, %and3A_211 : vector<16xi32>
      %gt3A = arith.constant 0 : i32
      %gt3A_213 = vector.broadcast %gt3A : i32 to vector<16xi32>
      %gt3A_214 = arith.cmpi sgt, %and3A_212, %gt3A_213 : vector<16xi32>
      %get3A_215 = arith.index_cast %scan3A_205 : i32 to index
      %get3A_216 = arith.constant 0 : index
      %get3A_217 = tpu.vector_load %arg8[%get3A_215, %get3A_216] {strides = array<i32>} : memref<640x128xf32, #tpu.memory_space<vmem>>, vector<16xf32>,
      %get3A_218 = arith.index_cast %scan3A_205 : i32 to index
      %get3A_219 = arith.constant 64 : index
      %get3A_220 = tpu.vector_load %arg8[%get3A_218, %get3A_219] {strides = array<i32>} : memref<640x128xf32, #tpu.memory_space<vmem>>, vector<16xf32>,
      %select_n3A = arith.select %gt3A_214, %get3A_220, %get3A_217 : vector<16xi1>, vector<16xf32>
      %add3A_221 = arith.addf %select_n3A, %get3A_10 : vector<16xf32>
      %swap3A = arith.index_cast %scan3A_205 : i32 to index
      %swap3A_222 = arith.constant 0 : index
      %swap3A_223 = tpu.vector_load %arg8[%swap3A, %swap3A_222] {strides = array<i32>} : memref<640x128xf32, #tpu.memory_space<vmem>>, vector<16xf32>,
      tpu.vector_store %arg8[%swap3A, %swap3A_222], %add3A_221 {strides = array<i32>} : memref<640x128xf32, #tpu.memory_space<vmem>>, vector<16xf32>,
      %get3A_224 = arith.index_cast %scan3A_205 : i32 to index
      %get3A_225 = arith.constant 16 : index
      %get3A_226 = tpu.vector_load %arg8[%get3A_224, %get3A_225] {strides = array<i32>} : memref<640x128xf32, #tpu.memory_space<vmem>>, vector<16xf32>,
      %get3A_227 = arith.index_cast %scan3A_205 : i32 to index
      %get3A_228 = arith.constant 80 : index
      %get3A_229 = tpu.vector_load %arg8[%get3A_227, %get3A_228] {strides = array<i32>} : memref<640x128xf32, #tpu.memory_space<vmem>>, vector<16xf32>,
      %select_n3A_230 = arith.select %gt3A_214, %get3A_229, %get3A_226 : vector<16xi1>, vector<16xf32>
      %add3A_231 = arith.addf %select_n3A_230, %get3A_12 : vector<16xf32>
      %swap3A_232 = arith.index_cast %scan3A_205 : i32 to index
      %swap3A_233 = arith.constant 16 : index
      %swap3A_234 = tpu.vector_load %arg8[%swap3A_232, %swap3A_233] {strides = array<i32>} : memref<640x128xf32, #tpu.memory_space<vmem>>, vector<16xf32>,
      tpu.vector_store %arg8[%swap3A_232, %swap3A_233], %add3A_231 {strides = array<i32>} : memref<640x128xf32, #tpu.memory_space<vmem>>, vector<16xf32>,
      %get3A_235 = arith.index_cast %scan3A_205 : i32 to index
      %get3A_236 = arith.constant 32 : index
      %get3A_237 = tpu.vector_load %arg8[%get3A_235, %get3A_236] {strides = array<i32>} : memref<640x128xf32, #tpu.memory_space<vmem>>, vector<16xf32>,
      %get3A_238 = arith.index_cast %scan3A_205 : i32 to index
      %get3A_239 = arith.constant 96 : index
      %get3A_240 = tpu.vector_load %arg8[%get3A_238, %get3A_239] {strides = array<i32>} : memref<640x128xf32, #tpu.memory_space<vmem>>, vector<16xf32>,
      %select_n3A_241 = arith.select %gt3A_214, %get3A_240, %get3A_237 : vector<16xi1>, vector<16xf32>
      %add3A_242 = arith.addf %select_n3A_241, %get3A_14 : vector<16xf32>
      %swap3A_243 = arith.index_cast %scan3A_205 : i32 to index
      %swap3A_244 = arith.constant 32 : index
      %swap3A_245 = tpu.vector_load %arg8[%swap3A_243, %swap3A_244] {strides = array<i32>} : memref<640x128xf32, #tpu.memory_space<vmem>>, vector<16xf32>,
      tpu.vector_store %arg8[%swap3A_243, %swap3A_244], %add3A_242 {strides = array<i32>} : memref<640x128xf32, #tpu.memory_space<vmem>>, vector<16xf32>,
      %get3A_246 = arith.index_cast %scan3A_205 : i32 to index
      %get3A_247 = arith.constant 48 : index
      %get3A_248 = tpu.vector_load %arg8[%get3A_246, %get3A_247] {strides = array<i32>} : memref<640x128xf32, #tpu.memory_space<vmem>>, vector<16xf32>,
      %get3A_249 = arith.index_cast %scan3A_205 : i32 to index
      %get3A_250 = arith.constant 112 : index
      %get3A_251 = tpu.vector_load %arg8[%get3A_249, %get3A_250] {strides = array<i32>} : memref<640x128xf32, #tpu.memory_space<vmem>>, vector<16xf32>,
      %select_n3A_252 = arith.select %gt3A_214, %get3A_251, %get3A_248 : vector<16xi1>, vector<16xf32>
      %add3A_253 = arith.addf %select_n3A_252, %get3A_16 : vector<16xf32>
      %swap3A_254 = arith.index_cast %scan3A_205 : i32 to index
      %swap3A_255 = arith.constant 48 : index
      %swap3A_256 = tpu.vector_load %arg8[%swap3A_254, %swap3A_255] {strides = array<i32>} : memref<640x128xf32, #tpu.memory_space<vmem>>, vector<16xf32>,
      tpu.vector_store %arg8[%swap3A_254, %swap3A_255], %add3A_253 {strides = array<i32>} : memref<640x128xf32, #tpu.memory_space<vmem>>, vector<16xf32>,
      %scan3A_257 = arith.constant 0 : i32
      %scan3A_258 = arith.constant 1 : i32
      %scan3A_259 = arith.addi %scan3A_205, %scan3A_258 : i32
      %add3A_260 = arith.constant 5760 : i32
      %add3A_261 = arith.addi %add3A_260, %scan3A_259 : i32
      %add3A_262 = vector.broadcast %add3A_261 : i32 to vector<16xi32>
      %add3A_263 = arith.addi %broadcast_in_dim3A_3, %add3A_262 : vector<16xi32>
      %gather3A_264 = tpu.vector_load_idx %arg6[%add3A_263] : memref<6400xi32, #tpu.memory_space<vmem>>[vector<16xi32>], vector<16xi32>,
      %and3A_265 = arith.constant 1 : i32
      %and3A_266 = vector.broadcast %and3A_265 : i32 to vector<16xi32>
      %and3A_267 = arith.andi %gather3A_264, %and3A_266 : vector<16xi32>
      %gt3A_268 = arith.constant 0 : i32
      %gt3A_269 = vector.broadcast %gt3A_268 : i32 to vector<16xi32>
      %gt3A_270 = arith.cmpi sgt, %and3A_267, %gt3A_269 : vector<16xi32>
      %get3A_271 = arith.index_cast %scan3A_259 : i32 to index
      %get3A_272 = arith.constant 0 : index
      %get3A_273 = tpu.vector_load %arg8[%get3A_271, %get3A_272] {strides = array<i32>} : memref<640x128xf32, #tpu.memory_space<vmem>>, vector<16xf32>,
      %get3A_274 = arith.index_cast %scan3A_259 : i32 to index
      %get3A_275 = arith.constant 64 : index
      %get3A_276 = tpu.vector_load %arg8[%get3A_274, %get3A_275] {strides = array<i32>} : memref<640x128xf32, #tpu.memory_space<vmem>>, vector<16xf32>,
      %select_n3A_277 = arith.select %gt3A_270, %get3A_276, %get3A_273 : vector<16xi1>, vector<16xf32>
      %add3A_278 = arith.addf %select_n3A_277, %get3A_10 : vector<16xf32>
      %swap3A_279 = arith.index_cast %scan3A_259 : i32 to index
      %swap3A_280 = arith.constant 0 : index
      %swap3A_281 = tpu.vector_load %arg8[%swap3A_279, %swap3A_280] {strides = array<i32>} : memref<640x128xf32, #tpu.memory_space<vmem>>, vector<16xf32>,
      tpu.vector_store %arg8[%swap3A_279, %swap3A_280], %add3A_278 {strides = array<i32>} : memref<640x128xf32, #tpu.memory_space<vmem>>, vector<16xf32>,
      %get3A_282 = arith.index_cast %scan3A_259 : i32 to index
      %get3A_283 = arith.constant 16 : index
      %get3A_284 = tpu.vector_load %arg8[%get3A_282, %get3A_283] {strides = array<i32>} : memref<640x128xf32, #tpu.memory_space<vmem>>, vector<16xf32>,
      %get3A_285 = arith.index_cast %scan3A_259 : i32 to index
      %get3A_286 = arith.constant 80 : index
      %get3A_287 = tpu.vector_load %arg8[%get3A_285, %get3A_286] {strides = array<i32>} : memref<640x128xf32, #tpu.memory_space<vmem>>, vector<16xf32>,
      %select_n3A_288 = arith.select %gt3A_270, %get3A_287, %get3A_284 : vector<16xi1>, vector<16xf32>
      %add3A_289 = arith.addf %select_n3A_288, %get3A_12 : vector<16xf32>
      %swap3A_290 = arith.index_cast %scan3A_259 : i32 to index
      %swap3A_291 = arith.constant 16 : index
      %swap3A_292 = tpu.vector_load %arg8[%swap3A_290, %swap3A_291] {strides = array<i32>} : memref<640x128xf32, #tpu.memory_space<vmem>>, vector<16xf32>,
      tpu.vector_store %arg8[%swap3A_290, %swap3A_291], %add3A_289 {strides = array<i32>} : memref<640x128xf32, #tpu.memory_space<vmem>>, vector<16xf32>,
      %get3A_293 = arith.index_cast %scan3A_259 : i32 to index
      %get3A_294 = arith.constant 32 : index
      %get3A_295 = tpu.vector_load %arg8[%get3A_293, %get3A_294] {strides = array<i32>} : memref<640x128xf32, #tpu.memory_space<vmem>>, vector<16xf32>,
      %get3A_296 = arith.index_cast %scan3A_259 : i32 to index
      %get3A_297 = arith.constant 96 : index
      %get3A_298 = tpu.vector_load %arg8[%get3A_296, %get3A_297] {strides = array<i32>} : memref<640x128xf32, #tpu.memory_space<vmem>>, vector<16xf32>,
      %select_n3A_299 = arith.select %gt3A_270, %get3A_298, %get3A_295 : vector<16xi1>, vector<16xf32>
      %add3A_300 = arith.addf %select_n3A_299, %get3A_14 : vector<16xf32>
      %swap3A_301 = arith.index_cast %scan3A_259 : i32 to index
      %swap3A_302 = arith.constant 32 : index
      %swap3A_303 = tpu.vector_load %arg8[%swap3A_301, %swap3A_302] {strides = array<i32>} : memref<640x128xf32, #tpu.memory_space<vmem>>, vector<16xf32>,
      tpu.vector_store %arg8[%swap3A_301, %swap3A_302], %add3A_300 {strides = array<i32>} : memref<640x128xf32, #tpu.memory_space<vmem>>, vector<16xf32>,
      %get3A_304 = arith.index_cast %scan3A_259 : i32 to index
      %get3A_305 = arith.constant 48 : index
      %get3A_306 = tpu.vector_load %arg8[%get3A_304, %get3A_305] {strides = array<i32>} : memref<640x128xf32, #tpu.memory_space<vmem>>, vector<16xf32>,
      %get3A_307 = arith.index_cast %scan3A_259 : i32 to index
      %get3A_308 = arith.constant 112 : index
      %get3A_309 = tpu.vector_load %arg8[%get3A_307, %get3A_308] {strides = array<i32>} : memref<640x128xf32, #tpu.memory_space<vmem>>, vector<16xf32>,
      %select_n3A_310 = arith.select %gt3A_270, %get3A_309, %get3A_306 : vector<16xi1>, vector<16xf32>
      %add3A_311 = arith.addf %select_n3A_310, %get3A_16 : vector<16xf32>
      %swap3A_312 = arith.index_cast %scan3A_259 : i32 to index
      %swap3A_313 = arith.constant 48 : index
      %swap3A_314 = tpu.vector_load %arg8[%swap3A_312, %swap3A_313] {strides = array<i32>} : memref<640x128xf32, #tpu.memory_space<vmem>>, vector<16xf32>,
      tpu.vector_store %arg8[%swap3A_312, %swap3A_313], %add3A_311 {strides = array<i32>} : memref<640x128xf32, #tpu.memory_space<vmem>>, vector<16xf32>,
      %scan3A_315 = arith.constant 0 : i32
      scf.yield %scan3A_315 : i32
    }
    %scan3A_202 = arith.constant 640 : i32
    %add3A_203 = arith.constant 5760 : i32
    %add3A_204 = arith.addi %mul3A_2, %add3A_203 : i32
    "tpu.region"() ({
      %run_scoped3A = tpu.sem_alloc : memref<!tpu.dma_semaphore, #tpu.memory_space<semaphore_mem>>
      %dma_start3A_205 = arith.constant 0 : i32
      %dma_start3A_206 = tpu.memref_slice %arg5[%add3A_204, %dma_start3A_205] : memref<204800x128xf32, #tpu.memory_space<hbm>> -> memref<640x128xf32, #tpu.memory_space<hbm>>
      %dma_start3A_207 = arith.constant 0 : i32
      %dma_start3A_208 = tpu.memref_slice %arg5[%add3A_204, %dma_start3A_207] : memref<204800x128xf32, #tpu.memory_space<hbm>> -> memref<640x128xf32, #tpu.memory_space<hbm>>
      tpu.enqueue_dma source(%arg8 : memref<640x128xf32, #tpu.memory_space<vmem>>) target(%dma_start3A_208 : memref<640x128xf32, #tpu.memory_space<hbm>>) target_semaphore(%run_scoped3A : memref<!tpu.dma_semaphore, #tpu.memory_space<semaphore_mem>>)
      %dma_wait3A_209 = arith.constant 0 : i32
      %dma_wait3A_210 = tpu.memref_slice %arg5[%add3A_204, %dma_wait3A_209] : memref<204800x128xf32, #tpu.memory_space<hbm>> -> memref<640x128xf32, #tpu.memory_space<hbm>>
      %dma_wait3A_211 = arith.constant 0 : i32
      %dma_wait3A_212 = tpu.memref_slice %arg5[%add3A_204, %dma_wait3A_211] : memref<204800x128xf32, #tpu.memory_space<hbm>> -> memref<640x128xf32, #tpu.memory_space<hbm>>
      tpu.wait_dma2 semaphore(%run_scoped3A : memref<!tpu.dma_semaphore, #tpu.memory_space<semaphore_mem>>) src(%arg8 : memref<640x128xf32, #tpu.memory_space<vmem>>) dst(%dma_wait3A_212 : memref<640x128xf32, #tpu.memory_space<hbm>>)
      tpu.yield
    }) : () -> ()
    return
  }
}

</mosaic_0001>

<sc_bundles>
// kernel: kernel.3.cloned.1.call-start
scs
__scs_entry_jumppad:
0x0: {  	(pc) =	sbr.rel $0x88, $3  }
0x1: {  	(tag) =	ssettag $0x0;
	lr =	simm.s32 $0x1  }
0x2: {  	[smem:$0x3F9F] =	sst lr;
	_ =	strace $0xD0000000  }
0x3: {  	_ = 	snop  }
0x4: {  	_ = 	snop  }
0x5: {  	_ = 	snop  }
0x6: {  	_ = 	snop  }
0x7: {  	_ = 	snop  }
__scs_overlays_trampoline_lowered:
0x8: {  	[smem:$0x3FAE] =	sst s0  }
0x9: {  	[smem:$0x3FAF] =	sst s1  }
0xa: {  	[smem:$0x3FB0] =	sst s2  }
0xb: {  	[smem:$0x3FB1] =	sst s3  }
0xc: {  	[smem:$0x3FB2] =	sst s4  }
0xd: {  	[smem:$0x3FB3] =	sst s5  }
0xe: {  	[smem:$0x3FB4] =	sst s6  }
0xf: {  	[smem:$0x3FB5] =	sst s7  }
0x10: {  	[smem:$0x3FB6] =	sst s8  }
0x11: {  	[smem:$0x3FB7] =	sst s9;
	s0 =	simm.s32 @!p0 $0x0  }
0x12: {  	s1 =	sld [smem:$0x3F9D];
	s0 =	simm.s32 @p0 $0x1  }
0x13: {  	[smem:$0x3FB8] =	sst s0;
	s0 =	simm.s32 @!p1 $0x0  }
0x14: {  	s2 =	sld [smem:$0x3F9C];
	s0 =	simm.s32 @p1 $0x1  }
0x15: {  	[smem:$0x3FB9] =	sst s0;
	s0 =	simm.s32 @!p2 $0x0  }
0x16: {  	s3 =	sld [smem:$0x3FDB];
	s0 =	simm.s32 @p2 $0x1  }
0x17: {  	s4 =	simm.s32 $0x1BF5;
	[smem:$0x3FBB] =	sst s0  }
0x18: {  	s0 =	sld [smem:$0x3F9E];
	_ =	swait.ge [sflag:s4], $0x0  }
0x19: {  	s7 =	sld [smem:$0x3F9F]  }
0x1a: {  	s8 =	sadd.s32 $0xFFFFE003, lr  }
0x1b: {  	s9 =	sadd.s32 $0xFFFFFEF7, lr;
	s5 =	simm.s32 $0xFFFFFFFF;
	p2 =	slt.u32 s8, $0xFFFFF086  }
0x1c: {  	p1 =	slt.u32 s9, $0xF7A;
	s5 =	simm.s32 @!p2 $0x0  }
0x1d: {  	s5 =	simm.s32 @p1 $0x1;
	p0 =	seq.s32 s7, s2  }
0x1e: {  	s7 =	smul.u32 @!p0 $0xF7A, s2;
	p2 =	seq.s32 @!p0 s5, $0x0  }
0x1f: {  	s9 =	smul.u32 $0xF7A, s1;
	s8 =	simm.s32 @!p0 $0x1BF5;
	p2 =	por !p2, p0  }
0x20: {  	[sflag:s8] =	ssyncset.s32 @!p0 $0xFFFFF086;
	s6 =	sadd.s32 @!p0 s3, s7;
	s7 =	simm.s32 @!p0 $0x108  }
0x21: {  	s3 =	sadd.s32 s3, s9;
	s6 =	sadd.s32 @!p0 $0x88, s6;
	s7 =	simm.s32 @p2 $0x1082  }
0x22: {  	[simem:s7], [sflag:s8] =	dma.local @!p0 [hbm:s6], $0xF7A  }
0x23: {  	s9 =	sor.u32 $0xD0000000, s2;
	s6 =	simm.s32 $0x108;
	_ =	swait.ge @!p0 [sflag:s8], $0x0  }
0x24: {  	s3 =	sadd.s32 $0x88, s3;
	s6 =	simm.s32 @!p1 $0x1082;
	[sflag:s4] =	ssyncset.s32 $0xFFFFF086  }
0x25: {  	[simem:s6], [sflag:s4] =	dma.local [hbm:s3], $0xF7A  }
0x26: {  	[smem:$0x3F9F] =	sst s1;
	(tag) =	ssettag s2;
	_ =	strace s9  }
0x27: {  	s1 =	sld [smem:$0x3FAF]  }
0x28: {  	s2 =	sld [smem:$0x3FB0]  }
0x29: {  	s4 =	sld [smem:$0x3FB2]  }
0x2a: {  	p0 =	seq.s32 s5, $0x0;
	s5 =	sld [smem:$0x3FB3]  }
0x2b: {  	s6 =	sld [smem:$0x3FB4]  }
0x2c: {  	s7 =	sld [smem:$0x3FB5]  }
0x2d: {  	s3 =	simm.s32 $0x108;
	s8 =	sld [smem:$0x3FB6]  }
0x2e: {  	s3 =	simm.s32 @!p0 $0x1082;
	s9 =	sld [smem:$0x3FB7]  }
0x2f: {  	lr =	sadd.s32 s0, s3;
	s0 =	sld [smem:$0x3FAE]  }
0x30: {  	s3 =	sld [smem:$0x3FB1]  }
0x31: {  	[smem:$0x3FBA] =	sst s10  }
0x32: {  	s10 =	sld [smem:$0x3FB8];
	_ =	sdelay $0x3  }
0x33: {  	p0 =	seq.s32 s10, $0x1;
	s10 =	sld [smem:$0x3FBA];
	_ =	sdelay $0x3  }
0x34: {  	[smem:$0x3FBA] =	sst s10  }
0x35: {  	s10 =	sld [smem:$0x3FB9];
	_ =	sdelay $0x3  }
0x36: {  	p1 =	seq.s32 s10, $0x1;
	s10 =	sld [smem:$0x3FBA];
	_ =	sdelay $0x3  }
0x37: {  	[smem:$0x3FBA] =	sst s10  }
0x38: {  	s10 =	sld [smem:$0x3FBB]  }
0x39: {  	_ = 	snop;
	(pc) =	sbr.ind lr, $3  }
0x3a: {  	_ = 	snop  }
0x3b: {  	_ = 	snop  }
0x3c: {  	p2 =	seq.s32 s10, $0x1;
	s10 =	sld [smem:$0x3FBA]  }
0x3d: {  	_ =	shalt  }
0x3e: {  	_ =	shalt  }
0x3f: {  	_ =	shalt  }
0x40: {  	_ =	shalt  }
0x41: {  	_ =	shalt  }
0x42: {  	_ =	shalt  }
0x43: {  	_ =	shalt  }
0x44: {  	_ =	shalt  }
0x45: {  	_ =	shalt  }
0x46: {  	_ =	shalt  }
0x47: {  	_ =	shalt  }
0x48: {  	_ =	shalt  }
0x49: {  	_ =	shalt  }
0x4a: {  	_ =	shalt  }
0x4b: {  	_ =	shalt  }
0x4c: {  	_ =	shalt  }
0x4d: {  	_ =	shalt  }
0x4e: {  	_ =	shalt  }
0x4f: {  	_ =	shalt  }
0x50: {  	_ =	shalt  }
0x51: {  	_ =	shalt  }
0x52: {  	_ =	shalt  }
0x53: {  	_ =	shalt  }
0x54: {  	_ =	shalt  }
0x55: {  	_ =	shalt  }
0x56: {  	_ =	shalt  }
0x57: {  	_ =	shalt  }
0x58: {  	_ =	shalt  }
0x59: {  	_ =	shalt  }
0x5a: {  	_ =	shalt  }
0x5b: {  	_ =	shalt  }
0x5c: {  	_ =	shalt  }
0x5d: {  	_ =	shalt  }
0x5e: {  	_ =	shalt  }
0x5f: {  	_ =	shalt  }
0x60: {  	_ =	shalt  }
0x61: {  	_ =	shalt  }
0x62: {  	_ =	shalt  }
0x63: {  	_ =	shalt  }
0x64: {  	_ =	shalt  }
0x65: {  	_ =	shalt  }
0x66: {  	_ =	shalt  }
0x67: {  	_ =	shalt  }
0x68: {  	_ =	shalt  }
0x69: {  	_ =	shalt  }
0x6a: {  	_ =	shalt  }
0x6b: {  	_ =	shalt  }
0x6c: {  	_ =	shalt  }
0x6d: {  	_ =	shalt  }
0x6e: {  	_ =	shalt  }
0x6f: {  	_ =	shalt  }
0x70: {  	_ =	shalt  }
0x71: {  	_ =	shalt  }
0x72: {  	_ =	shalt  }
0x73: {  	_ =	shalt  }
0x74: {  	_ =	shalt  }
0x75: {  	_ =	shalt  }
0x76: {  	_ =	shalt  }
0x77: {  	_ =	shalt  }
0x78: {  	_ =	shalt  }
0x79: {  	_ =	shalt  }
0x7a: {  	_ =	shalt  }
0x7b: {  	_ =	shalt  }
0x7c: {  	_ =	shalt  }
0x7d: {  	_ =	shalt  }
0x7e: {  	_ =	shalt  }
0x7f: {  	_ =	shalt  }
0x80: {  	_ =	shalt  }
0x81: {  	_ =	shalt  }
0x82: {  	_ =	shalt  }
0x83: {  	_ =	shalt  }
0x84: {  	_ =	shalt  }
0x85: {  	_ =	shalt  }
0x86: {  	_ =	shalt  }
0x87: {  	_ =	shalt  }
.Lfunc_end0:
.L_simem_size_0:
called_computation.1_lowered:
.L_overlay_start_0:
0x88: {  	s2 =	sld [smem:$0x3FD9]  }
0x89: {  	s3 =	sld [smem:$0x3FFE];
	_ =	sdelay $0x1  }
0x8a: {  	s1 =	srdreg.scid  }
0x8b: {  	s0 =	sand.u32 $0x1, s1  }
0x8c: {  	s17 =	sshll.u32 s0, $0xA;
	s2 =	sadd.s32 s3, s2  }
0x8d: {  	s2 =	sadd.s32 s2, s17  }
0x8e: {  	[smem:$0x3FC6] =	sst s2  }
0x8f: {  	_ = 	snop  }
0x90: {  	s2 =	sld [smem:$0x3FD0];
	(tm) =	ssettm $0x1  }
0x91: {  	s18 =	sld [smem:$0x3FFB];
	_ =	sdelay $0x3  }
0x92: {  	_ =	strace s18  }
0x93: {  	s3 =	sld [smem:$0x3FFC];
	_ =	sdelay $0x3  }
0x94: {  	_ =	strace s3  }
0x95: {  	s3 =	sld [smem:$0x3FFD];
	_ =	sdelay $0x3  }
0x96: {  	_ =	strace s3  }
0x97: {  	_ =	strace $0x8FFFFFFF  }
0x98: {  	s19 =	sld [smem:$0x3FDB];
	_ =	sdelay $0x1  }
0x99: {  	s4 =	simm.s32 $_scs_section_size  }
0x9a: {  	s5 =	simm.s32 $_size__tile_overlayer_lowered;
	s6 =	simm.s32 $_tile_overlayer_lowered  }
0x9b: {  	s22 =	simm.s32 $0x1BFF;
	s21 =	sshll.u32 s6, $0x1;
	s3 =	sadd.s32 s4, s19  }
0x9c: {  	s7 =	simm.s32 $0x0;
	s20 =	sshll.u32 s5, $0x1;
	s5 =	sadd.s32 s21, s3  }
0x9d: {  	[timem:s7], [sflag:s22] =	dma.local [hbm:s5], s20  }
0x9e: {  	_ =	swait.ge [sflag:s22], s20  }
0x9f: {  	s4 =	ssub.s32 $0x0, s20;
	[sflag:s22] =	ssyncset.done $0x0  }
0xa0: {  	[sflag:s22] =	ssyncadd.s32 s4;
	_ =	sdelay $0x1  }
0xa1: {  	s23 =	simm.s32 $0x1B8B  }
0xa2: {  	_ =	swait.ge [sflag:s23], $0x1  }
0xa3: {  	[sflag:s23] =	ssyncset.done $0x0  }
0xa4: {  	s25 =	simm.s32 $0x1B8E;
	s24 =	sld [smem:$0x3FFE];
	[sflag:s23] =	ssyncadd.s32 $0xFFFFFFFF  }
0xa5: {  	s26 =	simm.s32 $execute0_lowered;
	[smem:$0x3FD2] =	sst s25  }
0xa6: {  	s5 =	sshll.u32 s26, $0x1;
	_ =	strace $0x80000046;
	[dreg:$0x1] =	wrdreg $0xFFFFFFFF  }
0xa7: {  	s28 =	simm.s32 $_size_execute0_lowered;
	s3 =	sadd.s32 s3, s5;
	[dreg:$0x0] =	wrdreg $0x0  }
0xa8: {  	s5 =	sshll.u32 s28, $0x1;
	[dreg:$0x2] =	wrdreg s3  }
0xa9: {  	[dreg:$0x3] =	wrdreg s5  }
0xaa: {  	[dreg:$0x4] =	wrdreg $0xC0  }
0xab: {  	_ =	task [dreg:s7], $0x5FFFF  }
0xac: {  	[dreg:$0x1] =	wrdreg $0xFFFFFFFF  }
0xad: {  	[dreg:$0x0] =	wrdreg $0x60  }
0xae: {  	[dreg:$0x2] =	wrdreg s2  }
0xaf: {  	[dreg:$0x3] =	wrdreg s24  }
0xb0: {  	[dreg:$0x4] =	wrdreg $0x9  }
0xb1: {  	_ =	task.clear_ibuf [dreg:s7], $0x5FFFF;
	_ =	strace $0x90000046  }
0xb2: {  	s29 =	simm.s32 $0x9;
	_ =	strace $0x80000048  }
0xb3: {  	_ =	swait.ge [sflag:s29], $0x1  }
0xb4: {  	[sflag:s29] =	ssyncadd.s32 $0xFFFFFFFF  }
0xb5: {  	_ =	strace $0x90000048  }
0xb6: {  	_ =	sfence  }
0xb7: {  	s30 =	sld [smem:$0x0];
	_ =	sdelay $0x2  }
0xb8: {  	s31 =	sshll.u32 s1, $0xD;
	s1 =	sshrl.u32 s1, $0x2  }
0xb9: {  	s3 =	sand.u32 $0x4000, s31;
	s1 =	sadd.s32 s1, s30  }
0xba: {  	s0 =	sor.u32 s3, s0;
	s1 =	sshll.u32 s1, $0x11  }
0xbb: {  	s0 =	sor.u32 s1, s0  }
0xbc: {  	s0 =	sadd.s32 $0x8F2B, s0  }
0xbd: {  	[sflag:s0] =	ssyncadd.remote.s32 $0x1  }
0xbe: {  	_ =	sfence.sel $0xFFFF  }
0xbf: {  	[dreg:$0x0] =	wrdreg $0xFFFFFFFF;
	(pc) =	sbr.abs _section_cstart, $3  }
0xc0: {  	[dreg:$0x1] =	wrdreg $0xFFFFFFFF  }
0xc1: {  	_ =	task.clear_ibuf [dreg:s7], $0x2FFFF;
	_ =	strace $0x9FFFFFFF  }
0xc2: {  	(tm) =	ssettm $0x7FFFFFFF  }
0xc3: {  	_ =	shalt  }
tec
execute0_lowered:
.L_overlay_start_1:
0x0: {  	(tag) =	ssettag $0x1  }
0x1: {  	s0 =	rddreg [dreg:$0x0]  }
0x2: {  	s1 =	rddreg [dreg:$0x1];
	s2 =	simm.s32 $0x0;
	s3 =	srdreg.scid  }
0x3: {  	s4 =	stileid.u32;
	s18 =	simm.s32 $0x2;
	s19 =	simm.s32 $0x280  }
0x4: {  	s21 =	simm.s32 $0x3200;
	s22 =	simm.s32 $0x1;
	s28 =	simm.s32 $0x2580  }
0x5: {  	s29 =	simm.s32 $0x2800;
	s5 =	sand.u32 $0x1, s3;
	s25 =	sshll.u32 s4, $0x1  }
0x6: {  	s30 =	simm.s32 $0x2A80;
	s31 =	simm.s32 $0x2D00;
	s6 =	sor.u32 s5, s25  }
0x7: {  	[smem:$0x7FF] =	sst s2;
	s3 =	sadd.s32 $0xF43000, s1;
	s7 =	smul.u32 $0xC8000, s6  }
0x8: {  	s4 =	sadd.s32 $0xA00, s1;
	s5 =	ssub.s32 $0x2, s5;
	s8 =	smul.u32 $0x320, s6  }
0x9: {  	s1 =	sadd.s32 $0xC00, s1;
	s9 =	sshrl.u32 s5, $0x1;
	s6 =	smul.u32 $0x19000, s6  }
0xa: {  	_ =	strace $0x80000047;
	s16 =	ssub.s32 s5, s9;
	s7 =	sshrl.u32 s7, $0x3  }
0xb: {  	s5 =	sadd.s32 s0, s8;
	s6 =	sadd.s32 s1, s6;
	s16 =	smax.u32 s16, $0x1  }
0xc: {  	s0 =	simm.s32 $0x2F80;
	s26 =	sadd.s32 s1, s7;
	s1 =	simm.s32 $0x0  }
0xd: {  	s7 =	sadd.s32 $0x2800, s26;
	s8 =	sadd.s32 $0x5000, s26;
	s9 =	sadd.s32 $0x7800, s26  }
0xe: {  	s10 =	sadd.s32 $0xA000, s26;
	s11 =	sadd.s32 $0xC800, s26;
	s12 =	sadd.s32 $0xF000, s26  }
0xf: {  	s13 =	sadd.s32 $0x11800, s26;
	s14 =	sadd.s32 $0x14000, s26;
	s15 =	sadd.s32 $0x16800, s26  }
.LBB2_1:
0x10: {  	s17 =	simm.s32 $0x17200  }
0x11: {  	[tilespmem:s17], [sflag:$0x2] =	stream.linear.gather [hbm4b:s4+s2], $0x80, $0x38;
	[tilespmem:$0x17280] =	vst v63  }
0x12: {  	_ =	swait.ge [sflag:s18], $0x80  }
0x13: {  	[sflag:s18] =	ssyncset.done $0x0  }
0x14: {  	[sflag:s18] =	ssyncadd.s32 $0xFFFFFF80  }
0x15: {  	[tilespmem:s2], [sflag:$0x2] =	stream.linear.gather [hbm4b:s5+s2], $0x1900, $0x38;
	[tilespmem:$0x17280] =	vst v63  }
0x16: {  	_ =	swait.ge [sflag:s18], $0x1900  }
0x17: {  	[sflag:s18] =	ssyncset.done $0x0  }
0x18: {  	s17 =	simm.s32 $0x0;
	[sflag:s18] =	ssyncadd.s32 $0xFFFFE700  }
0x19: {  	s20 =	simm.s32 $0x40;
	v0 =	vld [tilespmem:s17+$0x0]  }
.LBB2_2:
0x1a: {  	p0 =	sne.s32 s20, $0x63C0  }
.Ltmp0:
0x1b: {  	_ = 	snop;
	(pc) =	sbr.rel @p0 .LBB2_2-.Ltmp0, $3  }
0x1c: {  	_ =	sdelay $0x1  }
0x1d: {  	s23 =	sshra.s32 s20, $0x2;
	s20 =	sadd.s32 $0x40, s20;
	v1 =	vshrl.u32 v0, $0x1  }
0x1e: {  	v0 =	vld [tilespmem:s23+$0x0];
	[tilespmem:s17+$0x1900] =	vst v1;
	s17 =	smov.u32 s23  }
0x1f: {  	_ =	sdelay $0x3  }
0x20: {  	v0 =	vshrl.u32 v0, $0x1  }
0x21: {  	[tilespmem:s17+$0x1900] =	vst v0  }
0x22: {  	v0 =	vld [tilespmem:$0x17200]  }
0x23: {  	s25 =	simm.s32 $0x0;
	v1 =	vld [tilespmem:$0x17210]  }
0x24: {  	s26 =	simm.s32 $0x1900;
	v4 =	vmov s25;
	v2 =	vld [tilespmem:$0x17220]  }
0x25: {  	v4 =	vand.u32 $0xFFFFFFFE, v4;
	v3 =	vld [tilespmem:$0x17230];
	[tilespmem:s21], [sflag:$0x1] =	stream.indirect.gather [hbm4b:s3+s19], $0x80, s26, s19, $0xb8  }
0x26: {  	v4 =	vbroadcast v4, $0x0;
	_ =	swait.ge [sflag:s22], $0x14000  }
0x27: {  	[sflag:s22] =	ssyncset.done $0x0  }
0x28: {  	s17 =	simm.s32 $0x3280;
	[sflag:s22] =	ssyncadd.s32 $0xFFFEC000  }
0x29: {  	v5 =	vld [tilespmem:s17+$0xFFFFFFF0]  }
0x2a: {  	v6 =	vld [tilespmem:s17+$0xFFFFFFE0]  }
0x2b: {  	v7 =	vld [tilespmem:s17+$0xFFFFFFD0]  }
0x2c: {  	v4 =	vld.idx.msk [tilespmem:v4+s2+$0x0], $0xffff  }
0x2d: {  	v8 =	vld [tilespmem:s17+$0xFFFFFFC0]  }
0x2e: {  	v9 =	vld [tilespmem:s17+$0xFFFFFF80]  }
0x2f: {  	v10 =	vld [tilespmem:s17+$0xFFFFFF90]  }
0x30: {  	v11 =	vld [tilespmem:s17+$0xFFFFFFA0]  }
0x31: {  	v12 =	vld [tilespmem:s17+$0xFFFFFFB0];
	v4 =	vand.u32 $0x1, v4  }
0x32: {  	vm0 =	veq.s32 v4, $0x0  }
0x33: {  	v4 =	vsel vm0, v9, v8  }
0x34: {  	s20 =	simm.s32 $0x1;
	v7 =	vsel vm0, v10, v7;
	v4 =	vadd.f32 v4, v0  }
0x35: {  	v6 =	vsel vm0, v11, v6;
	v8 =	vmov s20;
	v7 =	vadd.f32 v7, v1  }
0x36: {  	v5 =	vsel vm0, v12, v5;
	v6 =	vadd.f32 v6, v2;
	[tilespmem:s17+$0xFFFFFF80] =	vst v4  }
0x37: {  	v11 =	vld [tilespmem:s17+$0x30];
	v5 =	vadd.f32 v5, v3;
	[tilespmem:s17+$0xFFFFFF90] =	vst v7  }
0x38: {  	v10 =	vld [tilespmem:s17+$0x20];
	[tilespmem:s17+$0xFFFFFFA0] =	vst v6  }
0x39: {  	v4 =	vld [tilespmem:s17+$0x50];
	[tilespmem:s17+$0xFFFFFFB0] =	vst v5  }
0x3a: {  	v9 =	vld.idx.msk [tilespmem:v8+s2+$0x0], $0xffff  }
0x3b: {  	v6 =	vld [tilespmem:s17+$0x70]  }
0x3c: {  	v7 =	vld [tilespmem:s17+$0x40]  }
0x3d: {  	v8 =	vld [tilespmem:s17+$0x0]  }
0x3e: {  	v5 =	vld [tilespmem:s17+$0x60]  }
0x3f: {  	s20 =	simm.s32 $0x2;
	v13 =	vand.u32 $0x1, v9;
	v9 =	vld [tilespmem:s17+$0x10]  }
0x40: {  	s24 =	simm.s32 $0x4;
	s23 =	simm.s32 $0x3280;
	v12 =	vmov s20;
	vm0 =	veq.s32 v13, $0x0  }
.LBB2_4:
0x41: {  	p0 =	slt.u32 s24, $0x27E  }
0x42: {  	v12 =	vand.u32 $0xFFFFFFFE, v12;
	v7 =	vsel vm0, v8, v7;
	v6 =	vsel vm0, v11, v6;
	s17 =	sadd.s32 $0x100, s17;
	s25 =	smov.u32 s24;
	s24 =	sadd.s32 $0x2, s24  }
0x43: {  	v8 =	vbroadcast v12, $0x0;
	v5 =	vsel vm0, v10, v5;
	v6 =	vadd.f32 v6, v3  }
0x44: {  	v7 =	vadd.f32 v7, v0;
	v4 =	vsel vm0, v9, v4;
	v5 =	vadd.f32 v5, v2  }
0x45: {  	v9 =	vld [tilespmem:s17+$0xFFFFFFF0];
	v4 =	vadd.f32 v4, v1;
	[tilespmem:s23+$0x30] =	vst v6  }
0x46: {  	v6 =	vld [tilespmem:s17+$0xFFFFFFE0];
	[tilespmem:s23+$0x20] =	vst v5  }
0x47: {  	v5 =	vld [tilespmem:s17+$0xFFFFFFD0];
	[tilespmem:s23+$0x10] =	vst v4  }
0x48: {  	v4 =	vld [tilespmem:s17+$0xFFFFFFC0];
	[tilespmem:s23+$0x0] =	vst v7;
	s23 =	smov.u32 s17  }
0x49: {  	v7 =	vld.idx.msk [tilespmem:v8+s2+$0x0], $0xffff  }
0x4a: {  	v8 =	vld [tilespmem:s17+$0xFFFFFF80]  }
0x4b: {  	v10 =	vld [tilespmem:s17+$0xFFFFFF90]  }
0x4c: {  	v11 =	vld [tilespmem:s17+$0xFFFFFFA0]  }
0x4d: {  	v12 =	vld [tilespmem:s17+$0xFFFFFFB0];
	_ =	sdelay $0x1  }
0x4e: {  	v7 =	vand.u32 $0x1, v7  }
0x4f: {  	vm0 =	veq.s32 v7, $0x0  }
0x50: {  	v4 =	vsel vm0, v8, v4;
	v5 =	vsel vm0, v10, v5;
	v6 =	vsel vm0, v11, v6  }
0x51: {  	s26 =	sadd.s32 $0x1, s20;
	s20 =	smov.u32 s25;
	v4 =	vadd.f32 v4, v0;
	v5 =	vadd.f32 v5, v1;
	v7 =	vsel vm0, v12, v9  }
0x52: {  	v8 =	vmov s26;
	v6 =	vadd.f32 v6, v2;
	v7 =	vadd.f32 v7, v3  }
0x53: {  	[tilespmem:s17+$0xFFFFFF80] =	vst v4  }
0x54: {  	[tilespmem:s17+$0xFFFFFF90] =	vst v5;
	v4 =	vld [tilespmem:s17+$0x50]  }
0x55: {  	[tilespmem:s17+$0xFFFFFFA0] =	vst v6;
	v6 =	vld [tilespmem:s17+$0x70]  }
0x56: {  	[tilespmem:s17+$0xFFFFFFB0] =	vst v7;
	v5 =	vld [tilespmem:s17+$0x60]  }
0x57: {  	v12 =	vld.idx.msk [tilespmem:v8+s2+$0x0], $0xffff  }
0x58: {  	v7 =	vld [tilespmem:s17+$0x40]  }
0x59: {  	v11 =	vld [tilespmem:s17+$0x30]  }
.Ltmp1:
0x5a: {  	v8 =	vld [tilespmem:s17+$0x0];
	(pc) =	sbr.rel @p0 .LBB2_4-.Ltmp1, $4  }
0x5b: {  	v10 =	vld [tilespmem:s17+$0x20]  }
0x5c: {  	v9 =	vld [tilespmem:s17+$0x10]  }
0x5d: {  	v13 =	vand.u32 $0x1, v12  }
0x5e: {  	v12 =	vmov s20;
	vm0 =	veq.s32 v13, $0x0  }
0x5f: {  	v12 =	vand.u32 $0xFFFFFFFE, v12;
	v6 =	vsel vm0, v11, v6  }
0x60: {  	v11 =	vbroadcast v12, $0x0;
	v5 =	vsel vm0, v10, v5;
	v6 =	vadd.f32 v6, v3  }
0x61: {  	v4 =	vsel vm0, v9, v4;
	v5 =	vadd.f32 v5, v2  }
0x62: {  	s17 =	sadd.s32 $0x100, s17;
	v7 =	vsel vm0, v8, v7;
	v4 =	vadd.f32 v4, v1;
	[tilespmem:s23+$0x30] =	vst v6  }
0x63: {  	v8 =	vld [tilespmem:s17+$0xFFFFFFF0];
	v6 =	vadd.f32 v7, v0;
	[tilespmem:s23+$0x20] =	vst v5  }
0x64: {  	v7 =	vld [tilespmem:s17+$0xFFFFFFE0];
	[tilespmem:s23+$0x10] =	vst v4  }
0x65: {  	v5 =	vld [tilespmem:s17+$0xFFFFFFD0];
	[tilespmem:s23+$0x0] =	vst v6  }
0x66: {  	v4 =	vld.idx.msk [tilespmem:v11+s2+$0x0], $0xffff  }
0x67: {  	v9 =	vld [tilespmem:s17+$0xFFFFFF80]  }
0x68: {  	v6 =	vld [tilespmem:s17+$0xFFFFFFC0]  }
0x69: {  	v10 =	vld [tilespmem:s17+$0xFFFFFF90]  }
0x6a: {  	v11 =	vld [tilespmem:s17+$0xFFFFFFA0]  }
0x6b: {  	v12 =	vld [tilespmem:s17+$0xFFFFFFB0];
	v4 =	vand.u32 $0x1, v4  }
0x6c: {  	vm0 =	veq.s32 v4, $0x0  }
0x6d: {  	v4 =	vsel vm0, v9, v6  }
0x6e: {  	s20 =	sadd.s32 $0x1, s20;
	v5 =	vsel vm0, v10, v5;
	v4 =	vadd.f32 v4, v0  }
0x6f: {  	v6 =	vsel vm0, v11, v7;
	v7 =	vmov s20;
	v5 =	vadd.f32 v5, v1  }
0x70: {  	v8 =	vsel vm0, v12, v8;
	v6 =	vadd.f32 v6, v2;
	[tilespmem:s17+$0xFFFFFF80] =	vst v4  }
0x71: {  	v9 =	vld [tilespmem:s17+$0x30];
	v4 =	vadd.f32 v8, v3;
	[tilespmem:s17+$0xFFFFFF90] =	vst v5  }
0x72: {  	v10 =	vld [tilespmem:s17+$0x20];
	[tilespmem:s17+$0xFFFFFFA0] =	vst v6  }
0x73: {  	v11 =	vld [tilespmem:s17+$0x10];
	[tilespmem:s17+$0xFFFFFFB0] =	vst v4  }
0x74: {  	v7 =	vld.idx.msk [tilespmem:v7+s2+$0x0], $0xffff  }
0x75: {  	v12 =	vld [tilespmem:s17+$0x0]  }
0x76: {  	v6 =	vld [tilespmem:s17+$0x70]  }
0x77: {  	v4 =	vld [tilespmem:s17+$0x60]  }
0x78: {  	v5 =	vld [tilespmem:s17+$0x50]  }
0x79: {  	v8 =	vld [tilespmem:s17+$0x40];
	v7 =	vand.u32 $0x1, v7  }
0x7a: {  	vm0 =	veq.s32 v7, $0x0  }
0x7b: {  	v6 =	vsel vm0, v9, v6  }
0x7c: {  	v4 =	vsel vm0, v10, v4;
	v6 =	vadd.f32 v6, v3  }
0x7d: {  	v5 =	vsel vm0, v11, v5;
	v4 =	vadd.f32 v4, v2  }
0x7e: {  	v7 =	vsel vm0, v12, v8;
	v5 =	vadd.f32 v5, v1;
	[tilespmem:s17+$0x30] =	vst v6  }
0x7f: {  	v6 =	vadd.f32 v7, v0;
	[tilespmem:s17+$0x20] =	vst v4  }
0x80: {  	[tilespmem:s17+$0x10] =	vst v5  }
0x81: {  	[tilespmem:s17+$0x0] =	vst v6  }
0x82: {  	[hbm4b:s6+s2] =	stream.linear.scatter [tilespmem:s21], [sflag:$0x2], $0x14000, $0x38;
	[tilespmem:$0x17280] =	vst v63  }
0x83: {  	_ =	swait.ge [sflag:s18], $0x14000  }
0x84: {  	s23 =	simm.s32 $0x280;
	[sflag:s18] =	ssyncset.done $0x0  }
0x85: {  	s24 =	simm.s32 $0x1B80;
	v4 =	vmov s23;
	[sflag:s18] =	ssyncadd.s32 $0xFFFEC000  }
0x86: {  	v4 =	vand.u32 $0xFFFFFFFE, v4;
	[tilespmem:s21], [sflag:$0x1] =	stream.indirect.gather [hbm4b:s3+s19], $0x80, s24, s19, $0xb8;
	[tilespmem:$0x17280] =	vst v63  }
0x87: {  	v4 =	vbroadcast v4, $0x0;
	_ =	swait.ge [sflag:s22], $0x14000  }
0x88: {  	[sflag:s22] =	ssyncset.done $0x0  }
0x89: {  	s17 =	simm.s32 $0x3280;
	[sflag:s22] =	ssyncadd.s32 $0xFFFEC000  }
0x8a: {  	v5 =	vld [tilespmem:s17+$0xFFFFFFF0]  }
0x8b: {  	v6 =	vld [tilespmem:s17+$0xFFFFFFE0]  }
0x8c: {  	v7 =	vld [tilespmem:s17+$0xFFFFFFD0]  }
0x8d: {  	v4 =	vld.idx.msk [tilespmem:v4+s2+$0x0], $0xffff  }
0x8e: {  	v8 =	vld [tilespmem:s17+$0xFFFFFFC0]  }
0x8f: {  	v9 =	vld [tilespmem:s17+$0xFFFFFF80]  }
0x90: {  	v10 =	vld [tilespmem:s17+$0xFFFFFF90]  }
0x91: {  	v11 =	vld [tilespmem:s17+$0xFFFFFFA0]  }
0x92: {  	v12 =	vld [tilespmem:s17+$0xFFFFFFB0];
	v4 =	vand.u32 $0x1, v4  }
0x93: {  	vm0 =	veq.s32 v4, $0x0  }
0x94: {  	v4 =	vsel vm0, v9, v8  }
0x95: {  	s25 =	simm.s32 $0x281;
	v7 =	vsel vm0, v10, v7;
	v4 =	vadd.f32 v4, v0  }
0x96: {  	v6 =	vsel vm0, v11, v6;
	v8 =	vmov s25;
	v7 =	vadd.f32 v7, v1  }
0x97: {  	v5 =	vsel vm0, v12, v5;
	v6 =	vadd.f32 v6, v2;
	[tilespmem:s17+$0xFFFFFF80] =	vst v4  }
0x98: {  	v11 =	vld [tilespmem:s17+$0x30];
	v5 =	vadd.f32 v5, v3;
	[tilespmem:s17+$0xFFFFFF90] =	vst v7  }
0x99: {  	v9 =	vld [tilespmem:s17+$0x20];
	[tilespmem:s17+$0xFFFFFFA0] =	vst v6  }
0x9a: {  	v4 =	vld [tilespmem:s17+$0x50];
	[tilespmem:s17+$0xFFFFFFB0] =	vst v5  }
0x9b: {  	v10 =	vld.idx.msk [tilespmem:v8+s2+$0x0], $0xffff  }
0x9c: {  	v6 =	vld [tilespmem:s17+$0x70]  }
0x9d: {  	v7 =	vld [tilespmem:s17+$0x40]  }
0x9e: {  	v8 =	vld [tilespmem:s17+$0x0]  }
0x9f: {  	v5 =	vld [tilespmem:s17+$0x60]  }
0xa0: {  	v13 =	vand.u32 $0x1, v10;
	v10 =	vld [tilespmem:s17+$0x10]  }
0xa1: {  	s26 =	simm.s32 $0x282  }
0xa2: {  	s20 =	simm.s32 $0x0;
	s23 =	simm.s32 $0x3280;
	s24 =	simm.s32 $0x2;
	v12 =	vmov s26;
	vm0 =	veq.s32 v13, $0x0  }
.LBB2_6:
0xa3: {  	v12 =	vand.u32 $0xFFFFFFFE, v12;
	v7 =	vsel vm0, v8, v7;
	v6 =	vsel vm0, v11, v6;
	s17 =	sadd.s32 $0x100, s17;
	s25 =	smov.u32 s24;
	s24 =	sadd.s32 $0x2, s24  }
0xa4: {  	p0 =	slt.u32 s24, $0x27E;
	v8 =	vbroadcast v12, $0x0;
	v5 =	vsel vm0, v9, v5;
	v6 =	vadd.f32 v6, v3  }
0xa5: {  	v7 =	vadd.f32 v7, v0;
	v4 =	vsel vm0, v10, v4;
	v5 =	vadd.f32 v5, v2  }
0xa6: {  	v9 =	vld [tilespmem:s17+$0xFFFFFFF0];
	v4 =	vadd.f32 v4, v1;
	[tilespmem:s23+$0x30] =	vst v6  }
0xa7: {  	v6 =	vld [tilespmem:s17+$0xFFFFFFE0];
	[tilespmem:s23+$0x20] =	vst v5  }
0xa8: {  	v5 =	vld [tilespmem:s17+$0xFFFFFFD0];
	[tilespmem:s23+$0x10] =	vst v4  }
0xa9: {  	v4 =	vld [tilespmem:s17+$0xFFFFFFC0];
	[tilespmem:s23+$0x0] =	vst v7;
	s23 =	smov.u32 s17  }
0xaa: {  	v7 =	vld.idx.msk [tilespmem:v8+s2+$0x0], $0xffff  }
0xab: {  	v8 =	vld [tilespmem:s17+$0xFFFFFF80]  }
0xac: {  	v10 =	vld [tilespmem:s17+$0xFFFFFF90]  }
0xad: {  	v11 =	vld [tilespmem:s17+$0xFFFFFFA0]  }
0xae: {  	v12 =	vld [tilespmem:s17+$0xFFFFFFB0];
	_ =	sdelay $0x1  }
0xaf: {  	v7 =	vand.u32 $0x1, v7  }
0xb0: {  	vm0 =	veq.s32 v7, $0x0  }
0xb1: {  	v4 =	vsel vm0, v8, v4;
	v5 =	vsel vm0, v10, v5;
	v6 =	vsel vm0, v11, v6  }
0xb2: {  	s26 =	sadd.s32 $0x283, s20;
	s20 =	smov.u32 s25;
	v4 =	vadd.f32 v4, v0;
	v5 =	vadd.f32 v5, v1;
	v7 =	vsel vm0, v12, v9  }
0xb3: {  	v8 =	vmov s26;
	v6 =	vadd.f32 v6, v2;
	v7 =	vadd.f32 v7, v3  }
0xb4: {  	[tilespmem:s17+$0xFFFFFF80] =	vst v4  }
0xb5: {  	[tilespmem:s17+$0xFFFFFF90] =	vst v5;
	v4 =	vld [tilespmem:s17+$0x50]  }
0xb6: {  	[tilespmem:s17+$0xFFFFFFA0] =	vst v6;
	v6 =	vld [tilespmem:s17+$0x70]  }
0xb7: {  	[tilespmem:s17+$0xFFFFFFB0] =	vst v7;
	v5 =	vld [tilespmem:s17+$0x60]  }
0xb8: {  	v12 =	vld.idx.msk [tilespmem:v8+s2+$0x0], $0xffff  }
0xb9: {  	v7 =	vld [tilespmem:s17+$0x40]  }
0xba: {  	v11 =	vld [tilespmem:s17+$0x30]  }
.Ltmp2:
0xbb: {  	v8 =	vld [tilespmem:s17+$0x0];
	(pc) =	sbr.rel @p0 .LBB2_6-.Ltmp2, $4  }
0xbc: {  	v9 =	vld [tilespmem:s17+$0x20]  }
0xbd: {  	v10 =	vld [tilespmem:s17+$0x10]  }
0xbe: {  	s25 =	sadd.s32 $0x282, s20;
	v13 =	vand.u32 $0x1, v12  }
0xbf: {  	v12 =	vmov s25;
	vm0 =	veq.s32 v13, $0x0  }
0xc0: {  	v12 =	vand.u32 $0xFFFFFFFE, v12;
	v6 =	vsel vm0, v11, v6  }
0xc1: {  	v11 =	vbroadcast v12, $0x0;
	v5 =	vsel vm0, v9, v5;
	v6 =	vadd.f32 v6, v3  }
0xc2: {  	v4 =	vsel vm0, v10, v4;
	v5 =	vadd.f32 v5, v2  }
0xc3: {  	s17 =	sadd.s32 $0x100, s17;
	v7 =	vsel vm0, v8, v7;
	v4 =	vadd.f32 v4, v1;
	[tilespmem:s23+$0x30] =	vst v6  }
0xc4: {  	v8 =	vld [tilespmem:s17+$0xFFFFFFF0];
	v6 =	vadd.f32 v7, v0;
	[tilespmem:s23+$0x20] =	vst v5  }
0xc5: {  	v7 =	vld [tilespmem:s17+$0xFFFFFFE0];
	[tilespmem:s23+$0x10] =	vst v4  }
0xc6: {  	v5 =	vld [tilespmem:s17+$0xFFFFFFD0];
	[tilespmem:s23+$0x0] =	vst v6  }
0xc7: {  	v4 =	vld.idx.msk [tilespmem:v11+s2+$0x0], $0xffff  }
0xc8: {  	v9 =	vld [tilespmem:s17+$0xFFFFFF80]  }
0xc9: {  	v6 =	vld [tilespmem:s17+$0xFFFFFFC0]  }
0xca: {  	v10 =	vld [tilespmem:s17+$0xFFFFFF90]  }
0xcb: {  	v11 =	vld [tilespmem:s17+$0xFFFFFFA0]  }
0xcc: {  	v12 =	vld [tilespmem:s17+$0xFFFFFFB0];
	v4 =	vand.u32 $0x1, v4  }
0xcd: {  	vm0 =	veq.s32 v4, $0x0  }
0xce: {  	v4 =	vsel vm0, v9, v6  }
0xcf: {  	s20 =	sadd.s32 $0x283, s20;
	v5 =	vsel vm0, v10, v5;
	v4 =	vadd.f32 v4, v0  }
0xd0: {  	v6 =	vsel vm0, v11, v7;
	v7 =	vmov s20;
	v5 =	vadd.f32 v5, v1  }
0xd1: {  	v8 =	vsel vm0, v12, v8;
	v6 =	vadd.f32 v6, v2;
	[tilespmem:s17+$0xFFFFFF80] =	vst v4  }
0xd2: {  	v9 =	vld [tilespmem:s17+$0x30];
	v4 =	vadd.f32 v8, v3;
	[tilespmem:s17+$0xFFFFFF90] =	vst v5  }
0xd3: {  	v10 =	vld [tilespmem:s17+$0x20];
	[tilespmem:s17+$0xFFFFFFA0] =	vst v6  }
0xd4: {  	v11 =	vld [tilespmem:s17+$0x10];
	[tilespmem:s17+$0xFFFFFFB0] =	vst v4  }
0xd5: {  	v7 =	vld.idx.msk [tilespmem:v7+s2+$0x0], $0xffff  }
0xd6: {  	v12 =	vld [tilespmem:s17+$0x0]  }
0xd7: {  	v6 =	vld [tilespmem:s17+$0x70]  }
0xd8: {  	v4 =	vld [tilespmem:s17+$0x60]  }
0xd9: {  	v5 =	vld [tilespmem:s17+$0x50]  }
0xda: {  	v8 =	vld [tilespmem:s17+$0x40];
	v7 =	vand.u32 $0x1, v7  }
0xdb: {  	vm0 =	veq.s32 v7, $0x0  }
0xdc: {  	v6 =	vsel vm0, v9, v6  }
0xdd: {  	v4 =	vsel vm0, v10, v4;
	v6 =	vadd.f32 v6, v3  }
0xde: {  	v5 =	vsel vm0, v11, v5;
	v4 =	vadd.f32 v4, v2  }
0xdf: {  	v7 =	vsel vm0, v12, v8;
	v5 =	vadd.f32 v5, v1;
	[tilespmem:s17+$0x30] =	vst v6  }
0xe0: {  	v6 =	vadd.f32 v7, v0;
	[tilespmem:s17+$0x20] =	vst v4  }
0xe1: {  	[tilespmem:s17+$0x10] =	vst v5  }
0xe2: {  	[tilespmem:s17+$0x0] =	vst v6  }
0xe3: {  	[hbm4b:s7+s2] =	stream.linear.scatter [tilespmem:s21], [sflag:$0x2], $0x14000, $0x38;
	[tilespmem:$0x17280] =	vst v63  }
0xe4: {  	_ =	swait.ge [sflag:s18], $0x14000  }
0xe5: {  	s23 =	simm.s32 $0x500;
	[sflag:s18] =	ssyncset.done $0x0  }
0xe6: {  	s24 =	simm.s32 $0x1E00;
	v4 =	vmov s23;
	[sflag:s18] =	ssyncadd.s32 $0xFFFEC000  }
0xe7: {  	v4 =	vand.u32 $0xFFFFFFFE, v4;
	[tilespmem:s21], [sflag:$0x1] =	stream.indirect.gather [hbm4b:s3+s19], $0x80, s24, s19, $0xb8;
	[tilespmem:$0x17280] =	vst v63  }
0xe8: {  	v4 =	vbroadcast v4, $0x0;
	_ =	swait.ge [sflag:s22], $0x14000  }
0xe9: {  	[sflag:s22] =	ssyncset.done $0x0  }
0xea: {  	s17 =	simm.s32 $0x3280;
	[sflag:s22] =	ssyncadd.s32 $0xFFFEC000  }
0xeb: {  	v5 =	vld [tilespmem:s17+$0xFFFFFFF0]  }
0xec: {  	v6 =	vld [tilespmem:s17+$0xFFFFFFE0]  }
0xed: {  	v7 =	vld [tilespmem:s17+$0xFFFFFFD0]  }
0xee: {  	v4 =	vld.idx.msk [tilespmem:v4+s2+$0x0], $0xffff  }
0xef: {  	v8 =	vld [tilespmem:s17+$0xFFFFFFC0]  }
0xf0: {  	v9 =	vld [tilespmem:s17+$0xFFFFFF80]  }
0xf1: {  	v10 =	vld [tilespmem:s17+$0xFFFFFF90]  }
0xf2: {  	v11 =	vld [tilespmem:s17+$0xFFFFFFA0]  }
0xf3: {  	v12 =	vld [tilespmem:s17+$0xFFFFFFB0];
	v4 =	vand.u32 $0x1, v4  }
0xf4: {  	vm0 =	veq.s32 v4, $0x0  }
0xf5: {  	v4 =	vsel vm0, v9, v8  }
0xf6: {  	s25 =	simm.s32 $0x501;
	v7 =	vsel vm0, v10, v7;
	v4 =	vadd.f32 v4, v0  }
0xf7: {  	v6 =	vsel vm0, v11, v6;
	v8 =	vmov s25;
	v7 =	vadd.f32 v7, v1  }
0xf8: {  	v5 =	vsel vm0, v12, v5;
	v6 =	vadd.f32 v6, v2;
	[tilespmem:s17+$0xFFFFFF80] =	vst v4  }
0xf9: {  	v11 =	vld [tilespmem:s17+$0x30];
	v5 =	vadd.f32 v5, v3;
	[tilespmem:s17+$0xFFFFFF90] =	vst v7  }
0xfa: {  	v9 =	vld [tilespmem:s17+$0x20];
	[tilespmem:s17+$0xFFFFFFA0] =	vst v6  }
0xfb: {  	v4 =	vld [tilespmem:s17+$0x50];
	[tilespmem:s17+$0xFFFFFFB0] =	vst v5  }
0xfc: {  	v10 =	vld.idx.msk [tilespmem:v8+s2+$0x0], $0xffff  }
0xfd: {  	v6 =	vld [tilespmem:s17+$0x70]  }
0xfe: {  	v7 =	vld [tilespmem:s17+$0x40]  }
0xff: {  	v8 =	vld [tilespmem:s17+$0x0]  }
0x100: {  	v5 =	vld [tilespmem:s17+$0x60]  }
0x101: {  	v13 =	vand.u32 $0x1, v10;
	v10 =	vld [tilespmem:s17+$0x10]  }
0x102: {  	s26 =	simm.s32 $0x502  }
0x103: {  	s20 =	simm.s32 $0x0;
	s23 =	simm.s32 $0x3280;
	s24 =	simm.s32 $0x2;
	v12 =	vmov s26;
	vm0 =	veq.s32 v13, $0x0  }
.LBB2_8:
0x104: {  	v12 =	vand.u32 $0xFFFFFFFE, v12;
	v7 =	vsel vm0, v8, v7;
	v6 =	vsel vm0, v11, v6;
	s17 =	sadd.s32 $0x100, s17;
	s25 =	smov.u32 s24;
	s24 =	sadd.s32 $0x2, s24  }
0x105: {  	p0 =	slt.u32 s24, $0x27E;
	v8 =	vbroadcast v12, $0x0;
	v5 =	vsel vm0, v9, v5;
	v6 =	vadd.f32 v6, v3  }
0x106: {  	v7 =	vadd.f32 v7, v0;
	v4 =	vsel vm0, v10, v4;
	v5 =	vadd.f32 v5, v2  }
0x107: {  	v9 =	vld [tilespmem:s17+$0xFFFFFFF0];
	v4 =	vadd.f32 v4, v1;
	[tilespmem:s23+$0x30] =	vst v6  }
0x108: {  	v6 =	vld [tilespmem:s17+$0xFFFFFFE0];
	[tilespmem:s23+$0x20] =	vst v5  }
0x109: {  	v5 =	vld [tilespmem:s17+$0xFFFFFFD0];
	[tilespmem:s23+$0x10] =	vst v4  }
0x10a: {  	v4 =	vld [tilespmem:s17+$0xFFFFFFC0];
	[tilespmem:s23+$0x0] =	vst v7;
	s23 =	smov.u32 s17  }
0x10b: {  	v7 =	vld.idx.msk [tilespmem:v8+s2+$0x0], $0xffff  }
0x10c: {  	v8 =	vld [tilespmem:s17+$0xFFFFFF80]  }
0x10d: {  	v10 =	vld [tilespmem:s17+$0xFFFFFF90]  }
0x10e: {  	v11 =	vld [tilespmem:s17+$0xFFFFFFA0]  }
0x10f: {  	v12 =	vld [tilespmem:s17+$0xFFFFFFB0];
	_ =	sdelay $0x1  }
0x110: {  	v7 =	vand.u32 $0x1, v7  }
0x111: {  	vm0 =	veq.s32 v7, $0x0  }
0x112: {  	v4 =	vsel vm0, v8, v4;
	v5 =	vsel vm0, v10, v5;
	v6 =	vsel vm0, v11, v6  }
0x113: {  	s26 =	sadd.s32 $0x503, s20;
	s20 =	smov.u32 s25;
	v4 =	vadd.f32 v4, v0;
	v5 =	vadd.f32 v5, v1;
	v7 =	vsel vm0, v12, v9  }
0x114: {  	v8 =	vmov s26;
	v6 =	vadd.f32 v6, v2;
	v7 =	vadd.f32 v7, v3  }
0x115: {  	[tilespmem:s17+$0xFFFFFF80] =	vst v4  }
0x116: {  	[tilespmem:s17+$0xFFFFFF90] =	vst v5;
	v4 =	vld [tilespmem:s17+$0x50]  }
0x117: {  	[tilespmem:s17+$0xFFFFFFA0] =	vst v6;
	v6 =	vld [tilespmem:s17+$0x70]  }
0x118: {  	[tilespmem:s17+$0xFFFFFFB0] =	vst v7;
	v5 =	vld [tilespmem:s17+$0x60]  }
0x119: {  	v12 =	vld.idx.msk [tilespmem:v8+s2+$0x0], $0xffff  }
0x11a: {  	v7 =	vld [tilespmem:s17+$0x40]  }
0x11b: {  	v11 =	vld [tilespmem:s17+$0x30]  }
.Ltmp3:
0x11c: {  	v8 =	vld [tilespmem:s17+$0x0];
	(pc) =	sbr.rel @p0 .LBB2_8-.Ltmp3, $4  }
0x11d: {  	v9 =	vld [tilespmem:s17+$0x20]  }
0x11e: {  	v10 =	vld [tilespmem:s17+$0x10]  }
0x11f: {  	s25 =	sadd.s32 $0x502, s20;
	v13 =	vand.u32 $0x1, v12  }
0x120: {  	v12 =	vmov s25;
	vm0 =	veq.s32 v13, $0x0  }
0x121: {  	v12 =	vand.u32 $0xFFFFFFFE, v12;
	v6 =	vsel vm0, v11, v6  }
0x122: {  	v11 =	vbroadcast v12, $0x0;
	v5 =	vsel vm0, v9, v5;
	v6 =	vadd.f32 v6, v3  }
0x123: {  	v4 =	vsel vm0, v10, v4;
	v5 =	vadd.f32 v5, v2  }
0x124: {  	s17 =	sadd.s32 $0x100, s17;
	v7 =	vsel vm0, v8, v7;
	v4 =	vadd.f32 v4, v1;
	[tilespmem:s23+$0x30] =	vst v6  }
0x125: {  	v8 =	vld [tilespmem:s17+$0xFFFFFFF0];
	v6 =	vadd.f32 v7, v0;
	[tilespmem:s23+$0x20] =	vst v5  }
0x126: {  	v7 =	vld [tilespmem:s17+$0xFFFFFFE0];
	[tilespmem:s23+$0x10] =	vst v4  }
0x127: {  	v5 =	vld [tilespmem:s17+$0xFFFFFFD0];
	[tilespmem:s23+$0x0] =	vst v6  }
0x128: {  	v4 =	vld.idx.msk [tilespmem:v11+s2+$0x0], $0xffff  }
0x129: {  	v9 =	vld [tilespmem:s17+$0xFFFFFF80]  }
0x12a: {  	v6 =	vld [tilespmem:s17+$0xFFFFFFC0]  }
0x12b: {  	v10 =	vld [tilespmem:s17+$0xFFFFFF90]  }
0x12c: {  	v11 =	vld [tilespmem:s17+$0xFFFFFFA0]  }
0x12d: {  	v12 =	vld [tilespmem:s17+$0xFFFFFFB0];
	v4 =	vand.u32 $0x1, v4  }
0x12e: {  	vm0 =	veq.s32 v4, $0x0  }
0x12f: {  	v4 =	vsel vm0, v9, v6  }
0x130: {  	s20 =	sadd.s32 $0x503, s20;
	v5 =	vsel vm0, v10, v5;
	v4 =	vadd.f32 v4, v0  }
0x131: {  	v6 =	vsel vm0, v11, v7;
	v7 =	vmov s20;
	v5 =	vadd.f32 v5, v1  }
0x132: {  	v8 =	vsel vm0, v12, v8;
	v6 =	vadd.f32 v6, v2;
	[tilespmem:s17+$0xFFFFFF80] =	vst v4  }
0x133: {  	v9 =	vld [tilespmem:s17+$0x30];
	v4 =	vadd.f32 v8, v3;
	[tilespmem:s17+$0xFFFFFF90] =	vst v5  }
0x134: {  	v10 =	vld [tilespmem:s17+$0x20];
	[tilespmem:s17+$0xFFFFFFA0] =	vst v6  }
0x135: {  	v11 =	vld [tilespmem:s17+$0x10];
	[tilespmem:s17+$0xFFFFFFB0] =	vst v4  }
0x136: {  	v7 =	vld.idx.msk [tilespmem:v7+s2+$0x0], $0xffff  }
0x137: {  	v12 =	vld [tilespmem:s17+$0x0]  }
0x138: {  	v6 =	vld [tilespmem:s17+$0x70]  }
0x139: {  	v4 =	vld [tilespmem:s17+$0x60]  }
0x13a: {  	v5 =	vld [tilespmem:s17+$0x50]  }
0x13b: {  	v8 =	vld [tilespmem:s17+$0x40];
	v7 =	vand.u32 $0x1, v7  }
0x13c: {  	vm0 =	veq.s32 v7, $0x0  }
0x13d: {  	v6 =	vsel vm0, v9, v6  }
0x13e: {  	v4 =	vsel vm0, v10, v4;
	v6 =	vadd.f32 v6, v3  }
0x13f: {  	v5 =	vsel vm0, v11, v5;
	v4 =	vadd.f32 v4, v2  }
0x140: {  	v7 =	vsel vm0, v12, v8;
	v5 =	vadd.f32 v5, v1;
	[tilespmem:s17+$0x30] =	vst v6  }
0x141: {  	v6 =	vadd.f32 v7, v0;
	[tilespmem:s17+$0x20] =	vst v4  }
0x142: {  	[tilespmem:s17+$0x10] =	vst v5  }
0x143: {  	[tilespmem:s17+$0x0] =	vst v6  }
0x144: {  	[hbm4b:s8+s2] =	stream.linear.scatter [tilespmem:s21], [sflag:$0x2], $0x14000, $0x38;
	[tilespmem:$0x17280] =	vst v63  }
0x145: {  	_ =	swait.ge [sflag:s18], $0x14000  }
0x146: {  	s23 =	simm.s32 $0x780;
	[sflag:s18] =	ssyncset.done $0x0  }
0x147: {  	s24 =	simm.s32 $0x2080;
	v4 =	vmov s23;
	[sflag:s18] =	ssyncadd.s32 $0xFFFEC000  }
0x148: {  	v4 =	vand.u32 $0xFFFFFFFE, v4;
	[tilespmem:s21], [sflag:$0x1] =	stream.indirect.gather [hbm4b:s3+s19], $0x80, s24, s19, $0xb8;
	[tilespmem:$0x17280] =	vst v63  }
0x149: {  	v4 =	vbroadcast v4, $0x0;
	_ =	swait.ge [sflag:s22], $0x14000  }
0x14a: {  	[sflag:s22] =	ssyncset.done $0x0  }
0x14b: {  	s17 =	simm.s32 $0x3280;
	[sflag:s22] =	ssyncadd.s32 $0xFFFEC000  }
0x14c: {  	v5 =	vld [tilespmem:s17+$0xFFFFFFF0]  }
0x14d: {  	v6 =	vld [tilespmem:s17+$0xFFFFFFE0]  }
0x14e: {  	v7 =	vld [tilespmem:s17+$0xFFFFFFD0]  }
0x14f: {  	v4 =	vld.idx.msk [tilespmem:v4+s2+$0x0], $0xffff  }
0x150: {  	v8 =	vld [tilespmem:s17+$0xFFFFFFC0]  }
0x151: {  	v9 =	vld [tilespmem:s17+$0xFFFFFF80]  }
0x152: {  	v10 =	vld [tilespmem:s17+$0xFFFFFF90]  }
0x153: {  	v11 =	vld [tilespmem:s17+$0xFFFFFFA0]  }
0x154: {  	v12 =	vld [tilespmem:s17+$0xFFFFFFB0];
	v4 =	vand.u32 $0x1, v4  }
0x155: {  	vm0 =	veq.s32 v4, $0x0  }
0x156: {  	v4 =	vsel vm0, v9, v8  }
0x157: {  	s25 =	simm.s32 $0x781;
	v7 =	vsel vm0, v10, v7;
	v4 =	vadd.f32 v4, v0  }
0x158: {  	v6 =	vsel vm0, v11, v6;
	v8 =	vmov s25;
	v7 =	vadd.f32 v7, v1  }
0x159: {  	v5 =	vsel vm0, v12, v5;
	v6 =	vadd.f32 v6, v2;
	[tilespmem:s17+$0xFFFFFF80] =	vst v4  }
0x15a: {  	v11 =	vld [tilespmem:s17+$0x30];
	v5 =	vadd.f32 v5, v3;
	[tilespmem:s17+$0xFFFFFF90] =	vst v7  }
0x15b: {  	v9 =	vld [tilespmem:s17+$0x20];
	[tilespmem:s17+$0xFFFFFFA0] =	vst v6  }
0x15c: {  	v4 =	vld [tilespmem:s17+$0x50];
	[tilespmem:s17+$0xFFFFFFB0] =	vst v5  }
0x15d: {  	v10 =	vld.idx.msk [tilespmem:v8+s2+$0x0], $0xffff  }
0x15e: {  	v6 =	vld [tilespmem:s17+$0x70]  }
0x15f: {  	v7 =	vld [tilespmem:s17+$0x40]  }
0x160: {  	v8 =	vld [tilespmem:s17+$0x0]  }
0x161: {  	v5 =	vld [tilespmem:s17+$0x60]  }
0x162: {  	v13 =	vand.u32 $0x1, v10;
	v10 =	vld [tilespmem:s17+$0x10]  }
0x163: {  	s26 =	simm.s32 $0x782  }
0x164: {  	s20 =	simm.s32 $0x0;
	s23 =	simm.s32 $0x3280;
	s24 =	simm.s32 $0x2;
	v12 =	vmov s26;
	vm0 =	veq.s32 v13, $0x0  }
.LBB2_10:
0x165: {  	v12 =	vand.u32 $0xFFFFFFFE, v12;
	v7 =	vsel vm0, v8, v7;
	v6 =	vsel vm0, v11, v6;
	s17 =	sadd.s32 $0x100, s17;
	s25 =	smov.u32 s24;
	s24 =	sadd.s32 $0x2, s24  }
0x166: {  	p0 =	slt.u32 s24, $0x27E;
	v8 =	vbroadcast v12, $0x0;
	v5 =	vsel vm0, v9, v5;
	v6 =	vadd.f32 v6, v3  }
0x167: {  	v7 =	vadd.f32 v7, v0;
	v4 =	vsel vm0, v10, v4;
	v5 =	vadd.f32 v5, v2  }
0x168: {  	v9 =	vld [tilespmem:s17+$0xFFFFFFF0];
	v4 =	vadd.f32 v4, v1;
	[tilespmem:s23+$0x30] =	vst v6  }
0x169: {  	v6 =	vld [tilespmem:s17+$0xFFFFFFE0];
	[tilespmem:s23+$0x20] =	vst v5  }
0x16a: {  	v5 =	vld [tilespmem:s17+$0xFFFFFFD0];
	[tilespmem:s23+$0x10] =	vst v4  }
0x16b: {  	v4 =	vld [tilespmem:s17+$0xFFFFFFC0];
	[tilespmem:s23+$0x0] =	vst v7;
	s23 =	smov.u32 s17  }
0x16c: {  	v7 =	vld.idx.msk [tilespmem:v8+s2+$0x0], $0xffff  }
0x16d: {  	v8 =	vld [tilespmem:s17+$0xFFFFFF80]  }
0x16e: {  	v10 =	vld [tilespmem:s17+$0xFFFFFF90]  }
0x16f: {  	v11 =	vld [tilespmem:s17+$0xFFFFFFA0]  }
0x170: {  	v12 =	vld [tilespmem:s17+$0xFFFFFFB0];
	_ =	sdelay $0x1  }
0x171: {  	v7 =	vand.u32 $0x1, v7  }
0x172: {  	vm0 =	veq.s32 v7, $0x0  }
0x173: {  	v4 =	vsel vm0, v8, v4;
	v5 =	vsel vm0, v10, v5;
	v6 =	vsel vm0, v11, v6  }
0x174: {  	s26 =	sadd.s32 $0x783, s20;
	s20 =	smov.u32 s25;
	v4 =	vadd.f32 v4, v0;
	v5 =	vadd.f32 v5, v1;
	v7 =	vsel vm0, v12, v9  }
0x175: {  	v8 =	vmov s26;
	v6 =	vadd.f32 v6, v2;
	v7 =	vadd.f32 v7, v3  }
0x176: {  	[tilespmem:s17+$0xFFFFFF80] =	vst v4  }
0x177: {  	[tilespmem:s17+$0xFFFFFF90] =	vst v5;
	v4 =	vld [tilespmem:s17+$0x50]  }
0x178: {  	[tilespmem:s17+$0xFFFFFFA0] =	vst v6;
	v6 =	vld [tilespmem:s17+$0x70]  }
0x179: {  	[tilespmem:s17+$0xFFFFFFB0] =	vst v7;
	v5 =	vld [tilespmem:s17+$0x60]  }
0x17a: {  	v12 =	vld.idx.msk [tilespmem:v8+s2+$0x0], $0xffff  }
0x17b: {  	v7 =	vld [tilespmem:s17+$0x40]  }
0x17c: {  	v11 =	vld [tilespmem:s17+$0x30]  }
.Ltmp4:
0x17d: {  	v8 =	vld [tilespmem:s17+$0x0];
	(pc) =	sbr.rel @p0 .LBB2_10-.Ltmp4, $4  }
0x17e: {  	v9 =	vld [tilespmem:s17+$0x20]  }
0x17f: {  	v10 =	vld [tilespmem:s17+$0x10]  }
0x180: {  	s25 =	sadd.s32 $0x782, s20;
	v13 =	vand.u32 $0x1, v12  }
0x181: {  	v12 =	vmov s25;
	vm0 =	veq.s32 v13, $0x0  }
0x182: {  	v12 =	vand.u32 $0xFFFFFFFE, v12;
	v6 =	vsel vm0, v11, v6  }
0x183: {  	v11 =	vbroadcast v12, $0x0;
	v5 =	vsel vm0, v9, v5;
	v6 =	vadd.f32 v6, v3  }
0x184: {  	v4 =	vsel vm0, v10, v4;
	v5 =	vadd.f32 v5, v2  }
0x185: {  	s17 =	sadd.s32 $0x100, s17;
	v7 =	vsel vm0, v8, v7;
	v4 =	vadd.f32 v4, v1;
	[tilespmem:s23+$0x30] =	vst v6  }
0x186: {  	v8 =	vld [tilespmem:s17+$0xFFFFFFF0];
	v6 =	vadd.f32 v7, v0;
	[tilespmem:s23+$0x20] =	vst v5  }
0x187: {  	v7 =	vld [tilespmem:s17+$0xFFFFFFE0];
	[tilespmem:s23+$0x10] =	vst v4  }
0x188: {  	v5 =	vld [tilespmem:s17+$0xFFFFFFD0];
	[tilespmem:s23+$0x0] =	vst v6  }
0x189: {  	v4 =	vld.idx.msk [tilespmem:v11+s2+$0x0], $0xffff  }
0x18a: {  	v9 =	vld [tilespmem:s17+$0xFFFFFF80]  }
0x18b: {  	v6 =	vld [tilespmem:s17+$0xFFFFFFC0]  }
0x18c: {  	v10 =	vld [tilespmem:s17+$0xFFFFFF90]  }
0x18d: {  	v11 =	vld [tilespmem:s17+$0xFFFFFFA0]  }
0x18e: {  	v12 =	vld [tilespmem:s17+$0xFFFFFFB0];
	v4 =	vand.u32 $0x1, v4  }
0x18f: {  	vm0 =	veq.s32 v4, $0x0  }
0x190: {  	v4 =	vsel vm0, v9, v6  }
0x191: {  	s20 =	sadd.s32 $0x783, s20;
	v5 =	vsel vm0, v10, v5;
	v4 =	vadd.f32 v4, v0  }
0x192: {  	v6 =	vsel vm0, v11, v7;
	v7 =	vmov s20;
	v5 =	vadd.f32 v5, v1  }
0x193: {  	v8 =	vsel vm0, v12, v8;
	v6 =	vadd.f32 v6, v2;
	[tilespmem:s17+$0xFFFFFF80] =	vst v4  }
0x194: {  	v9 =	vld [tilespmem:s17+$0x30];
	v4 =	vadd.f32 v8, v3;
	[tilespmem:s17+$0xFFFFFF90] =	vst v5  }
0x195: {  	v10 =	vld [tilespmem:s17+$0x20];
	[tilespmem:s17+$0xFFFFFFA0] =	vst v6  }
0x196: {  	v11 =	vld [tilespmem:s17+$0x10];
	[tilespmem:s17+$0xFFFFFFB0] =	vst v4  }
0x197: {  	v7 =	vld.idx.msk [tilespmem:v7+s2+$0x0], $0xffff  }
0x198: {  	v12 =	vld [tilespmem:s17+$0x0]  }
0x199: {  	v6 =	vld [tilespmem:s17+$0x70]  }
0x19a: {  	v4 =	vld [tilespmem:s17+$0x60]  }
0x19b: {  	v5 =	vld [tilespmem:s17+$0x50]  }
0x19c: {  	v8 =	vld [tilespmem:s17+$0x40];
	v7 =	vand.u32 $0x1, v7  }
0x19d: {  	vm0 =	veq.s32 v7, $0x0  }
0x19e: {  	v6 =	vsel vm0, v9, v6  }
0x19f: {  	v4 =	vsel vm0, v10, v4;
	v6 =	vadd.f32 v6, v3  }
0x1a0: {  	v5 =	vsel vm0, v11, v5;
	v4 =	vadd.f32 v4, v2  }
0x1a1: {  	v7 =	vsel vm0, v12, v8;
	v5 =	vadd.f32 v5, v1;
	[tilespmem:s17+$0x30] =	vst v6  }
0x1a2: {  	v6 =	vadd.f32 v7, v0;
	[tilespmem:s17+$0x20] =	vst v4  }
0x1a3: {  	[tilespmem:s17+$0x10] =	vst v5  }
0x1a4: {  	[tilespmem:s17+$0x0] =	vst v6  }
0x1a5: {  	[hbm4b:s9+s2] =	stream.linear.scatter [tilespmem:s21], [sflag:$0x2], $0x14000, $0x38;
	[tilespmem:$0x17280] =	vst v63  }
0x1a6: {  	_ =	swait.ge [sflag:s18], $0x14000  }
0x1a7: {  	s23 =	simm.s32 $0xA00;
	[sflag:s18] =	ssyncset.done $0x0  }
0x1a8: {  	s24 =	simm.s32 $0x2300;
	v4 =	vmov s23;
	[sflag:s18] =	ssyncadd.s32 $0xFFFEC000  }
0x1a9: {  	v4 =	vand.u32 $0xFFFFFFFE, v4;
	[tilespmem:s21], [sflag:$0x1] =	stream.indirect.gather [hbm4b:s3+s19], $0x80, s24, s19, $0xb8;
	[tilespmem:$0x17280] =	vst v63  }
0x1aa: {  	v4 =	vbroadcast v4, $0x0;
	_ =	swait.ge [sflag:s22], $0x14000  }
0x1ab: {  	[sflag:s22] =	ssyncset.done $0x0  }
0x1ac: {  	s17 =	simm.s32 $0x3280;
	[sflag:s22] =	ssyncadd.s32 $0xFFFEC000  }
0x1ad: {  	v5 =	vld [tilespmem:s17+$0xFFFFFFF0]  }
0x1ae: {  	v6 =	vld [tilespmem:s17+$0xFFFFFFE0]  }
0x1af: {  	v7 =	vld [tilespmem:s17+$0xFFFFFFD0]  }
0x1b0: {  	v4 =	vld.idx.msk [tilespmem:v4+s2+$0x0], $0xffff  }
0x1b1: {  	v8 =	vld [tilespmem:s17+$0xFFFFFFC0]  }
0x1b2: {  	v9 =	vld [tilespmem:s17+$0xFFFFFF80]  }
0x1b3: {  	v10 =	vld [tilespmem:s17+$0xFFFFFF90]  }
0x1b4: {  	v11 =	vld [tilespmem:s17+$0xFFFFFFA0]  }
0x1b5: {  	v12 =	vld [tilespmem:s17+$0xFFFFFFB0];
	v4 =	vand.u32 $0x1, v4  }
0x1b6: {  	vm0 =	veq.s32 v4, $0x0  }
0x1b7: {  	v4 =	vsel vm0, v9, v8  }
0x1b8: {  	s25 =	simm.s32 $0xA01;
	v7 =	vsel vm0, v10, v7;
	v4 =	vadd.f32 v4, v0  }
0x1b9: {  	v6 =	vsel vm0, v11, v6;
	v8 =	vmov s25;
	v7 =	vadd.f32 v7, v1  }
0x1ba: {  	v5 =	vsel vm0, v12, v5;
	v6 =	vadd.f32 v6, v2;
	[tilespmem:s17+$0xFFFFFF80] =	vst v4  }
0x1bb: {  	v11 =	vld [tilespmem:s17+$0x30];
	v5 =	vadd.f32 v5, v3;
	[tilespmem:s17+$0xFFFFFF90] =	vst v7  }
0x1bc: {  	v9 =	vld [tilespmem:s17+$0x20];
	[tilespmem:s17+$0xFFFFFFA0] =	vst v6  }
0x1bd: {  	v4 =	vld [tilespmem:s17+$0x50];
	[tilespmem:s17+$0xFFFFFFB0] =	vst v5  }
0x1be: {  	v10 =	vld.idx.msk [tilespmem:v8+s2+$0x0], $0xffff  }
0x1bf: {  	v6 =	vld [tilespmem:s17+$0x70]  }
0x1c0: {  	v7 =	vld [tilespmem:s17+$0x40]  }
0x1c1: {  	v8 =	vld [tilespmem:s17+$0x0]  }
0x1c2: {  	v5 =	vld [tilespmem:s17+$0x60]  }
0x1c3: {  	v13 =	vand.u32 $0x1, v10;
	v10 =	vld [tilespmem:s17+$0x10]  }
0x1c4: {  	s26 =	simm.s32 $0xA02  }
0x1c5: {  	s20 =	simm.s32 $0x0;
	s23 =	simm.s32 $0x3280;
	s24 =	simm.s32 $0x2;
	v12 =	vmov s26;
	vm0 =	veq.s32 v13, $0x0  }
.LBB2_12:
0x1c6: {  	v12 =	vand.u32 $0xFFFFFFFE, v12;
	v7 =	vsel vm0, v8, v7;
	v6 =	vsel vm0, v11, v6;
	s17 =	sadd.s32 $0x100, s17;
	s25 =	smov.u32 s24;
	s24 =	sadd.s32 $0x2, s24  }
0x1c7: {  	p0 =	slt.u32 s24, $0x27E;
	v8 =	vbroadcast v12, $0x0;
	v5 =	vsel vm0, v9, v5;
	v6 =	vadd.f32 v6, v3  }
0x1c8: {  	v7 =	vadd.f32 v7, v0;
	v4 =	vsel vm0, v10, v4;
	v5 =	vadd.f32 v5, v2  }
0x1c9: {  	v9 =	vld [tilespmem:s17+$0xFFFFFFF0];
	v4 =	vadd.f32 v4, v1;
	[tilespmem:s23+$0x30] =	vst v6  }
0x1ca: {  	v6 =	vld [tilespmem:s17+$0xFFFFFFE0];
	[tilespmem:s23+$0x20] =	vst v5  }
0x1cb: {  	v5 =	vld [tilespmem:s17+$0xFFFFFFD0];
	[tilespmem:s23+$0x10] =	vst v4  }
0x1cc: {  	v4 =	vld [tilespmem:s17+$0xFFFFFFC0];
	[tilespmem:s23+$0x0] =	vst v7;
	s23 =	smov.u32 s17  }
0x1cd: {  	v7 =	vld.idx.msk [tilespmem:v8+s2+$0x0], $0xffff  }
0x1ce: {  	v8 =	vld [tilespmem:s17+$0xFFFFFF80]  }
0x1cf: {  	v10 =	vld [tilespmem:s17+$0xFFFFFF90]  }
0x1d0: {  	v11 =	vld [tilespmem:s17+$0xFFFFFFA0]  }
0x1d1: {  	v12 =	vld [tilespmem:s17+$0xFFFFFFB0];
	_ =	sdelay $0x1  }
0x1d2: {  	v7 =	vand.u32 $0x1, v7  }
0x1d3: {  	vm0 =	veq.s32 v7, $0x0  }
0x1d4: {  	v4 =	vsel vm0, v8, v4;
	v5 =	vsel vm0, v10, v5;
	v6 =	vsel vm0, v11, v6  }
0x1d5: {  	s26 =	sadd.s32 $0xA03, s20;
	s20 =	smov.u32 s25;
	v4 =	vadd.f32 v4, v0;
	v5 =	vadd.f32 v5, v1;
	v7 =	vsel vm0, v12, v9  }
0x1d6: {  	v8 =	vmov s26;
	v6 =	vadd.f32 v6, v2;
	v7 =	vadd.f32 v7, v3  }
0x1d7: {  	[tilespmem:s17+$0xFFFFFF80] =	vst v4  }
0x1d8: {  	[tilespmem:s17+$0xFFFFFF90] =	vst v5;
	v4 =	vld [tilespmem:s17+$0x50]  }
0x1d9: {  	[tilespmem:s17+$0xFFFFFFA0] =	vst v6;
	v6 =	vld [tilespmem:s17+$0x70]  }
0x1da: {  	[tilespmem:s17+$0xFFFFFFB0] =	vst v7;
	v5 =	vld [tilespmem:s17+$0x60]  }
0x1db: {  	v12 =	vld.idx.msk [tilespmem:v8+s2+$0x0], $0xffff  }
0x1dc: {  	v7 =	vld [tilespmem:s17+$0x40]  }
0x1dd: {  	v11 =	vld [tilespmem:s17+$0x30]  }
.Ltmp5:
0x1de: {  	v8 =	vld [tilespmem:s17+$0x0];
	(pc) =	sbr.rel @p0 .LBB2_12-.Ltmp5, $4  }
0x1df: {  	v9 =	vld [tilespmem:s17+$0x20]  }
0x1e0: {  	v10 =	vld [tilespmem:s17+$0x10]  }
0x1e1: {  	s25 =	sadd.s32 $0xA02, s20;
	v13 =	vand.u32 $0x1, v12  }
0x1e2: {  	v12 =	vmov s25;
	vm0 =	veq.s32 v13, $0x0  }
0x1e3: {  	v12 =	vand.u32 $0xFFFFFFFE, v12;
	v6 =	vsel vm0, v11, v6  }
0x1e4: {  	v11 =	vbroadcast v12, $0x0;
	v5 =	vsel vm0, v9, v5;
	v6 =	vadd.f32 v6, v3  }
0x1e5: {  	v4 =	vsel vm0, v10, v4;
	v5 =	vadd.f32 v5, v2  }
0x1e6: {  	s17 =	sadd.s32 $0x100, s17;
	v7 =	vsel vm0, v8, v7;
	v4 =	vadd.f32 v4, v1;
	[tilespmem:s23+$0x30] =	vst v6  }
0x1e7: {  	v8 =	vld [tilespmem:s17+$0xFFFFFFF0];
	v6 =	vadd.f32 v7, v0;
	[tilespmem:s23+$0x20] =	vst v5  }
0x1e8: {  	v7 =	vld [tilespmem:s17+$0xFFFFFFE0];
	[tilespmem:s23+$0x10] =	vst v4  }
0x1e9: {  	v5 =	vld [tilespmem:s17+$0xFFFFFFD0];
	[tilespmem:s23+$0x0] =	vst v6  }
0x1ea: {  	v4 =	vld.idx.msk [tilespmem:v11+s2+$0x0], $0xffff  }
0x1eb: {  	v9 =	vld [tilespmem:s17+$0xFFFFFF80]  }
0x1ec: {  	v6 =	vld [tilespmem:s17+$0xFFFFFFC0]  }
0x1ed: {  	v10 =	vld [tilespmem:s17+$0xFFFFFF90]  }
0x1ee: {  	v11 =	vld [tilespmem:s17+$0xFFFFFFA0]  }
0x1ef: {  	v12 =	vld [tilespmem:s17+$0xFFFFFFB0];
	v4 =	vand.u32 $0x1, v4  }
0x1f0: {  	vm0 =	veq.s32 v4, $0x0  }
0x1f1: {  	v4 =	vsel vm0, v9, v6  }
0x1f2: {  	s20 =	sadd.s32 $0xA03, s20;
	v5 =	vsel vm0, v10, v5;
	v4 =	vadd.f32 v4, v0  }
0x1f3: {  	v6 =	vsel vm0, v11, v7;
	v7 =	vmov s20;
	v5 =	vadd.f32 v5, v1  }
0x1f4: {  	v8 =	vsel vm0, v12, v8;
	v6 =	vadd.f32 v6, v2;
	[tilespmem:s17+$0xFFFFFF80] =	vst v4  }
0x1f5: {  	v9 =	vld [tilespmem:s17+$0x30];
	v4 =	vadd.f32 v8, v3;
	[tilespmem:s17+$0xFFFFFF90] =	vst v5  }
0x1f6: {  	v10 =	vld [tilespmem:s17+$0x20];
	[tilespmem:s17+$0xFFFFFFA0] =	vst v6  }
0x1f7: {  	v11 =	vld [tilespmem:s17+$0x10];
	[tilespmem:s17+$0xFFFFFFB0] =	vst v4  }
0x1f8: {  	v7 =	vld.idx.msk [tilespmem:v7+s2+$0x0], $0xffff  }
0x1f9: {  	v12 =	vld [tilespmem:s17+$0x0]  }
0x1fa: {  	v6 =	vld [tilespmem:s17+$0x70]  }
0x1fb: {  	v4 =	vld [tilespmem:s17+$0x60]  }
0x1fc: {  	v5 =	vld [tilespmem:s17+$0x50]  }
0x1fd: {  	v8 =	vld [tilespmem:s17+$0x40];
	v7 =	vand.u32 $0x1, v7  }
0x1fe: {  	vm0 =	veq.s32 v7, $0x0  }
0x1ff: {  	v6 =	vsel vm0, v9, v6  }
0x200: {  	v4 =	vsel vm0, v10, v4;
	v6 =	vadd.f32 v6, v3  }
0x201: {  	v5 =	vsel vm0, v11, v5;
	v4 =	vadd.f32 v4, v2  }
0x202: {  	v7 =	vsel vm0, v12, v8;
	v5 =	vadd.f32 v5, v1;
	[tilespmem:s17+$0x30] =	vst v6  }
0x203: {  	v6 =	vadd.f32 v7, v0;
	[tilespmem:s17+$0x20] =	vst v4  }
0x204: {  	[tilespmem:s17+$0x10] =	vst v5  }
0x205: {  	[tilespmem:s17+$0x0] =	vst v6  }
0x206: {  	[hbm4b:s10+s2] =	stream.linear.scatter [tilespmem:s21], [sflag:$0x2], $0x14000, $0x38;
	[tilespmem:$0x17280] =	vst v63  }
0x207: {  	_ =	swait.ge [sflag:s18], $0x14000  }
0x208: {  	s24 =	simm.s32 $0xC80;
	[sflag:s18] =	ssyncset.done $0x0  }
0x209: {  	v4 =	vmov s24;
	[sflag:s18] =	ssyncadd.s32 $0xFFFEC000  }
0x20a: {  	v4 =	vand.u32 $0xFFFFFFFE, v4;
	[tilespmem:s21], [sflag:$0x1] =	stream.indirect.gather [hbm4b:s3+s19], $0x80, s28, s19, $0xb8;
	[tilespmem:$0x17280] =	vst v63  }
0x20b: {  	v4 =	vbroadcast v4, $0x0;
	_ =	swait.ge [sflag:s22], $0x14000  }
0x20c: {  	[sflag:s22] =	ssyncset.done $0x0  }
0x20d: {  	s17 =	simm.s32 $0x3280;
	[sflag:s22] =	ssyncadd.s32 $0xFFFEC000  }
0x20e: {  	v5 =	vld [tilespmem:s17+$0xFFFFFFF0]  }
0x20f: {  	v6 =	vld [tilespmem:s17+$0xFFFFFFE0]  }
0x210: {  	v7 =	vld [tilespmem:s17+$0xFFFFFFD0]  }
0x211: {  	v4 =	vld.idx.msk [tilespmem:v4+s2+$0x0], $0xffff  }
0x212: {  	v8 =	vld [tilespmem:s17+$0xFFFFFFC0]  }
0x213: {  	v9 =	vld [tilespmem:s17+$0xFFFFFF80]  }
0x214: {  	v10 =	vld [tilespmem:s17+$0xFFFFFF90]  }
0x215: {  	v11 =	vld [tilespmem:s17+$0xFFFFFFA0]  }
0x216: {  	v12 =	vld [tilespmem:s17+$0xFFFFFFB0];
	v4 =	vand.u32 $0x1, v4  }
0x217: {  	vm0 =	veq.s32 v4, $0x0  }
0x218: {  	v4 =	vsel vm0, v9, v8  }
0x219: {  	s25 =	simm.s32 $0xC81;
	v7 =	vsel vm0, v10, v7;
	v4 =	vadd.f32 v4, v0  }
0x21a: {  	v6 =	vsel vm0, v11, v6;
	v8 =	vmov s25;
	v7 =	vadd.f32 v7, v1  }
0x21b: {  	v5 =	vsel vm0, v12, v5;
	v6 =	vadd.f32 v6, v2;
	[tilespmem:s17+$0xFFFFFF80] =	vst v4  }
0x21c: {  	v11 =	vld [tilespmem:s17+$0x30];
	v5 =	vadd.f32 v5, v3;
	[tilespmem:s17+$0xFFFFFF90] =	vst v7  }
0x21d: {  	v9 =	vld [tilespmem:s17+$0x20];
	[tilespmem:s17+$0xFFFFFFA0] =	vst v6  }
0x21e: {  	v4 =	vld [tilespmem:s17+$0x50];
	[tilespmem:s17+$0xFFFFFFB0] =	vst v5  }
0x21f: {  	v10 =	vld.idx.msk [tilespmem:v8+s2+$0x0], $0xffff  }
0x220: {  	v6 =	vld [tilespmem:s17+$0x70]  }
0x221: {  	v7 =	vld [tilespmem:s17+$0x40]  }
0x222: {  	v8 =	vld [tilespmem:s17+$0x0]  }
0x223: {  	v5 =	vld [tilespmem:s17+$0x60]  }
0x224: {  	v13 =	vand.u32 $0x1, v10;
	v10 =	vld [tilespmem:s17+$0x10]  }
0x225: {  	s26 =	simm.s32 $0xC82  }
0x226: {  	s23 =	simm.s32 $0x3280;
	s20 =	simm.s32 $0x0;
	s24 =	simm.s32 $0x2;
	v12 =	vmov s26;
	vm0 =	veq.s32 v13, $0x0  }
.LBB2_14:
0x227: {  	v12 =	vand.u32 $0xFFFFFFFE, v12;
	v7 =	vsel vm0, v8, v7;
	v6 =	vsel vm0, v11, v6;
	s17 =	sadd.s32 $0x100, s17;
	s25 =	smov.u32 s24;
	s24 =	sadd.s32 $0x2, s24  }
0x228: {  	p0 =	slt.u32 s24, $0x27E;
	v8 =	vbroadcast v12, $0x0;
	v5 =	vsel vm0, v9, v5;
	v6 =	vadd.f32 v6, v3  }
0x229: {  	v7 =	vadd.f32 v7, v0;
	v4 =	vsel vm0, v10, v4;
	v5 =	vadd.f32 v5, v2  }
0x22a: {  	v9 =	vld [tilespmem:s17+$0xFFFFFFF0];
	v4 =	vadd.f32 v4, v1;
	[tilespmem:s23+$0x30] =	vst v6  }
0x22b: {  	v6 =	vld [tilespmem:s17+$0xFFFFFFE0];
	[tilespmem:s23+$0x20] =	vst v5  }
0x22c: {  	v5 =	vld [tilespmem:s17+$0xFFFFFFD0];
	[tilespmem:s23+$0x10] =	vst v4  }
0x22d: {  	v4 =	vld [tilespmem:s17+$0xFFFFFFC0];
	[tilespmem:s23+$0x0] =	vst v7;
	s23 =	smov.u32 s17  }
0x22e: {  	v7 =	vld.idx.msk [tilespmem:v8+s2+$0x0], $0xffff  }
0x22f: {  	v8 =	vld [tilespmem:s17+$0xFFFFFF80]  }
0x230: {  	v10 =	vld [tilespmem:s17+$0xFFFFFF90]  }
0x231: {  	v11 =	vld [tilespmem:s17+$0xFFFFFFA0]  }
0x232: {  	v12 =	vld [tilespmem:s17+$0xFFFFFFB0];
	_ =	sdelay $0x1  }
0x233: {  	v7 =	vand.u32 $0x1, v7  }
0x234: {  	vm0 =	veq.s32 v7, $0x0  }
0x235: {  	v4 =	vsel vm0, v8, v4;
	v5 =	vsel vm0, v10, v5;
	v6 =	vsel vm0, v11, v6  }
0x236: {  	s26 =	sadd.s32 $0xC83, s20;
	s20 =	smov.u32 s25;
	v4 =	vadd.f32 v4, v0;
	v5 =	vadd.f32 v5, v1;
	v7 =	vsel vm0, v12, v9  }
0x237: {  	v8 =	vmov s26;
	v6 =	vadd.f32 v6, v2;
	v7 =	vadd.f32 v7, v3  }
0x238: {  	[tilespmem:s17+$0xFFFFFF80] =	vst v4  }
0x239: {  	[tilespmem:s17+$0xFFFFFF90] =	vst v5;
	v4 =	vld [tilespmem:s17+$0x50]  }
0x23a: {  	[tilespmem:s17+$0xFFFFFFA0] =	vst v6;
	v6 =	vld [tilespmem:s17+$0x70]  }
0x23b: {  	[tilespmem:s17+$0xFFFFFFB0] =	vst v7;
	v5 =	vld [tilespmem:s17+$0x60]  }
0x23c: {  	v12 =	vld.idx.msk [tilespmem:v8+s2+$0x0], $0xffff  }
0x23d: {  	v7 =	vld [tilespmem:s17+$0x40]  }
0x23e: {  	v11 =	vld [tilespmem:s17+$0x30]  }
.Ltmp6:
0x23f: {  	v8 =	vld [tilespmem:s17+$0x0];
	(pc) =	sbr.rel @p0 .LBB2_14-.Ltmp6, $4  }
0x240: {  	v9 =	vld [tilespmem:s17+$0x20]  }
0x241: {  	v10 =	vld [tilespmem:s17+$0x10]  }
0x242: {  	s25 =	sadd.s32 $0xC82, s20;
	v13 =	vand.u32 $0x1, v12  }
0x243: {  	v12 =	vmov s25;
	vm0 =	veq.s32 v13, $0x0  }
0x244: {  	v12 =	vand.u32 $0xFFFFFFFE, v12;
	v6 =	vsel vm0, v11, v6  }
0x245: {  	v11 =	vbroadcast v12, $0x0;
	v5 =	vsel vm0, v9, v5;
	v6 =	vadd.f32 v6, v3  }
0x246: {  	v4 =	vsel vm0, v10, v4;
	v5 =	vadd.f32 v5, v2  }
0x247: {  	s17 =	sadd.s32 $0x100, s17;
	v7 =	vsel vm0, v8, v7;
	v4 =	vadd.f32 v4, v1;
	[tilespmem:s23+$0x30] =	vst v6  }
0x248: {  	v8 =	vld [tilespmem:s17+$0xFFFFFFF0];
	v6 =	vadd.f32 v7, v0;
	[tilespmem:s23+$0x20] =	vst v5  }
0x249: {  	v7 =	vld [tilespmem:s17+$0xFFFFFFE0];
	[tilespmem:s23+$0x10] =	vst v4  }
0x24a: {  	v5 =	vld [tilespmem:s17+$0xFFFFFFD0];
	[tilespmem:s23+$0x0] =	vst v6  }
0x24b: {  	v4 =	vld.idx.msk [tilespmem:v11+s2+$0x0], $0xffff  }
0x24c: {  	v9 =	vld [tilespmem:s17+$0xFFFFFF80]  }
0x24d: {  	v6 =	vld [tilespmem:s17+$0xFFFFFFC0]  }
0x24e: {  	v10 =	vld [tilespmem:s17+$0xFFFFFF90]  }
0x24f: {  	v11 =	vld [tilespmem:s17+$0xFFFFFFA0]  }
0x250: {  	v12 =	vld [tilespmem:s17+$0xFFFFFFB0];
	v4 =	vand.u32 $0x1, v4  }
0x251: {  	vm0 =	veq.s32 v4, $0x0  }
0x252: {  	v4 =	vsel vm0, v9, v6  }
0x253: {  	s20 =	sadd.s32 $0xC83, s20;
	v5 =	vsel vm0, v10, v5;
	v4 =	vadd.f32 v4, v0  }
0x254: {  	v6 =	vsel vm0, v11, v7;
	v7 =	vmov s20;
	v5 =	vadd.f32 v5, v1  }
0x255: {  	v8 =	vsel vm0, v12, v8;
	v6 =	vadd.f32 v6, v2;
	[tilespmem:s17+$0xFFFFFF80] =	vst v4  }
0x256: {  	v9 =	vld [tilespmem:s17+$0x30];
	v4 =	vadd.f32 v8, v3;
	[tilespmem:s17+$0xFFFFFF90] =	vst v5  }
0x257: {  	v10 =	vld [tilespmem:s17+$0x20];
	[tilespmem:s17+$0xFFFFFFA0] =	vst v6  }
0x258: {  	v11 =	vld [tilespmem:s17+$0x10];
	[tilespmem:s17+$0xFFFFFFB0] =	vst v4  }
0x259: {  	v7 =	vld.idx.msk [tilespmem:v7+s2+$0x0], $0xffff  }
0x25a: {  	v12 =	vld [tilespmem:s17+$0x0]  }
0x25b: {  	v6 =	vld [tilespmem:s17+$0x70]  }
0x25c: {  	v4 =	vld [tilespmem:s17+$0x60]  }
0x25d: {  	v5 =	vld [tilespmem:s17+$0x50]  }
0x25e: {  	v8 =	vld [tilespmem:s17+$0x40];
	v7 =	vand.u32 $0x1, v7  }
0x25f: {  	vm0 =	veq.s32 v7, $0x0  }
0x260: {  	v6 =	vsel vm0, v9, v6  }
0x261: {  	v4 =	vsel vm0, v10, v4;
	v6 =	vadd.f32 v6, v3  }
0x262: {  	v5 =	vsel vm0, v11, v5;
	v4 =	vadd.f32 v4, v2  }
0x263: {  	v7 =	vsel vm0, v12, v8;
	v5 =	vadd.f32 v5, v1;
	[tilespmem:s17+$0x30] =	vst v6  }
0x264: {  	v6 =	vadd.f32 v7, v0;
	[tilespmem:s17+$0x20] =	vst v4  }
0x265: {  	[tilespmem:s17+$0x10] =	vst v5  }
0x266: {  	[tilespmem:s17+$0x0] =	vst v6  }
0x267: {  	[hbm4b:s11+s2] =	stream.linear.scatter [tilespmem:s21], [sflag:$0x2], $0x14000, $0x38;
	[tilespmem:$0x17280] =	vst v63  }
0x268: {  	_ =	swait.ge [sflag:s18], $0x14000  }
0x269: {  	s24 =	simm.s32 $0xF00;
	[sflag:s18] =	ssyncset.done $0x0  }
0x26a: {  	v4 =	vmov s24;
	[sflag:s18] =	ssyncadd.s32 $0xFFFEC000  }
0x26b: {  	v4 =	vand.u32 $0xFFFFFFFE, v4;
	[tilespmem:s21], [sflag:$0x1] =	stream.indirect.gather [hbm4b:s3+s19], $0x80, s29, s19, $0xb8;
	[tilespmem:$0x17280] =	vst v63  }
0x26c: {  	v4 =	vbroadcast v4, $0x0;
	_ =	swait.ge [sflag:s22], $0x14000  }
0x26d: {  	[sflag:s22] =	ssyncset.done $0x0  }
0x26e: {  	s17 =	simm.s32 $0x3280;
	[sflag:s22] =	ssyncadd.s32 $0xFFFEC000  }
0x26f: {  	v5 =	vld [tilespmem:s17+$0xFFFFFFF0]  }
0x270: {  	v6 =	vld [tilespmem:s17+$0xFFFFFFE0]  }
0x271: {  	v7 =	vld [tilespmem:s17+$0xFFFFFFD0]  }
0x272: {  	v4 =	vld.idx.msk [tilespmem:v4+s2+$0x0], $0xffff  }
0x273: {  	v8 =	vld [tilespmem:s17+$0xFFFFFFC0]  }
0x274: {  	v9 =	vld [tilespmem:s17+$0xFFFFFF80]  }
0x275: {  	v10 =	vld [tilespmem:s17+$0xFFFFFF90]  }
0x276: {  	v11 =	vld [tilespmem:s17+$0xFFFFFFA0]  }
0x277: {  	v12 =	vld [tilespmem:s17+$0xFFFFFFB0];
	v4 =	vand.u32 $0x1, v4  }
0x278: {  	vm0 =	veq.s32 v4, $0x0  }
0x279: {  	v4 =	vsel vm0, v9, v8  }
0x27a: {  	s25 =	simm.s32 $0xF01;
	v7 =	vsel vm0, v10, v7;
	v4 =	vadd.f32 v4, v0  }
0x27b: {  	v6 =	vsel vm0, v11, v6;
	v8 =	vmov s25;
	v7 =	vadd.f32 v7, v1  }
0x27c: {  	v5 =	vsel vm0, v12, v5;
	v6 =	vadd.f32 v6, v2;
	[tilespmem:s17+$0xFFFFFF80] =	vst v4  }
0x27d: {  	v11 =	vld [tilespmem:s17+$0x30];
	v5 =	vadd.f32 v5, v3;
	[tilespmem:s17+$0xFFFFFF90] =	vst v7  }
0x27e: {  	v9 =	vld [tilespmem:s17+$0x20];
	[tilespmem:s17+$0xFFFFFFA0] =	vst v6  }
0x27f: {  	v4 =	vld [tilespmem:s17+$0x50];
	[tilespmem:s17+$0xFFFFFFB0] =	vst v5  }
0x280: {  	v10 =	vld.idx.msk [tilespmem:v8+s2+$0x0], $0xffff  }
0x281: {  	v6 =	vld [tilespmem:s17+$0x70]  }
0x282: {  	v7 =	vld [tilespmem:s17+$0x40]  }
0x283: {  	v8 =	vld [tilespmem:s17+$0x0]  }
0x284: {  	v5 =	vld [tilespmem:s17+$0x60]  }
0x285: {  	v13 =	vand.u32 $0x1, v10;
	v10 =	vld [tilespmem:s17+$0x10]  }
0x286: {  	s26 =	simm.s32 $0xF02  }
0x287: {  	s23 =	simm.s32 $0x3280;
	s20 =	simm.s32 $0x0;
	s24 =	simm.s32 $0x2;
	v12 =	vmov s26;
	vm0 =	veq.s32 v13, $0x0  }
.LBB2_16:
0x288: {  	v12 =	vand.u32 $0xFFFFFFFE, v12;
	v7 =	vsel vm0, v8, v7;
	v6 =	vsel vm0, v11, v6;
	s17 =	sadd.s32 $0x100, s17;
	s25 =	smov.u32 s24;
	s24 =	sadd.s32 $0x2, s24  }
0x289: {  	p0 =	slt.u32 s24, $0x27E;
	v8 =	vbroadcast v12, $0x0;
	v5 =	vsel vm0, v9, v5;
	v6 =	vadd.f32 v6, v3  }
0x28a: {  	v7 =	vadd.f32 v7, v0;
	v4 =	vsel vm0, v10, v4;
	v5 =	vadd.f32 v5, v2  }
0x28b: {  	v9 =	vld [tilespmem:s17+$0xFFFFFFF0];
	v4 =	vadd.f32 v4, v1;
	[tilespmem:s23+$0x30] =	vst v6  }
0x28c: {  	v6 =	vld [tilespmem:s17+$0xFFFFFFE0];
	[tilespmem:s23+$0x20] =	vst v5  }
0x28d: {  	v5 =	vld [tilespmem:s17+$0xFFFFFFD0];
	[tilespmem:s23+$0x10] =	vst v4  }
0x28e: {  	v4 =	vld [tilespmem:s17+$0xFFFFFFC0];
	[tilespmem:s23+$0x0] =	vst v7;
	s23 =	smov.u32 s17  }
0x28f: {  	v7 =	vld.idx.msk [tilespmem:v8+s2+$0x0], $0xffff  }
0x290: {  	v8 =	vld [tilespmem:s17+$0xFFFFFF80]  }
0x291: {  	v10 =	vld [tilespmem:s17+$0xFFFFFF90]  }
0x292: {  	v11 =	vld [tilespmem:s17+$0xFFFFFFA0]  }
0x293: {  	v12 =	vld [tilespmem:s17+$0xFFFFFFB0];
	_ =	sdelay $0x1  }
0x294: {  	v7 =	vand.u32 $0x1, v7  }
0x295: {  	vm0 =	veq.s32 v7, $0x0  }
0x296: {  	v4 =	vsel vm0, v8, v4;
	v5 =	vsel vm0, v10, v5;
	v6 =	vsel vm0, v11, v6  }
0x297: {  	s26 =	sadd.s32 $0xF03, s20;
	s20 =	smov.u32 s25;
	v4 =	vadd.f32 v4, v0;
	v5 =	vadd.f32 v5, v1;
	v7 =	vsel vm0, v12, v9  }
0x298: {  	v8 =	vmov s26;
	v6 =	vadd.f32 v6, v2;
	v7 =	vadd.f32 v7, v3  }
0x299: {  	[tilespmem:s17+$0xFFFFFF80] =	vst v4  }
0x29a: {  	[tilespmem:s17+$0xFFFFFF90] =	vst v5;
	v4 =	vld [tilespmem:s17+$0x50]  }
0x29b: {  	[tilespmem:s17+$0xFFFFFFA0] =	vst v6;
	v6 =	vld [tilespmem:s17+$0x70]  }
0x29c: {  	[tilespmem:s17+$0xFFFFFFB0] =	vst v7;
	v5 =	vld [tilespmem:s17+$0x60]  }
0x29d: {  	v12 =	vld.idx.msk [tilespmem:v8+s2+$0x0], $0xffff  }
0x29e: {  	v7 =	vld [tilespmem:s17+$0x40]  }
0x29f: {  	v11 =	vld [tilespmem:s17+$0x30]  }
.Ltmp7:
0x2a0: {  	v8 =	vld [tilespmem:s17+$0x0];
	(pc) =	sbr.rel @p0 .LBB2_16-.Ltmp7, $4  }
0x2a1: {  	v9 =	vld [tilespmem:s17+$0x20]  }
0x2a2: {  	v10 =	vld [tilespmem:s17+$0x10]  }
0x2a3: {  	s25 =	sadd.s32 $0xF02, s20;
	v13 =	vand.u32 $0x1, v12  }
0x2a4: {  	v12 =	vmov s25;
	vm0 =	veq.s32 v13, $0x0  }
0x2a5: {  	v12 =	vand.u32 $0xFFFFFFFE, v12;
	v6 =	vsel vm0, v11, v6  }
0x2a6: {  	v11 =	vbroadcast v12, $0x0;
	v5 =	vsel vm0, v9, v5;
	v6 =	vadd.f32 v6, v3  }
0x2a7: {  	v4 =	vsel vm0, v10, v4;
	v5 =	vadd.f32 v5, v2  }
0x2a8: {  	s17 =	sadd.s32 $0x100, s17;
	v7 =	vsel vm0, v8, v7;
	v4 =	vadd.f32 v4, v1;
	[tilespmem:s23+$0x30] =	vst v6  }
0x2a9: {  	v8 =	vld [tilespmem:s17+$0xFFFFFFF0];
	v6 =	vadd.f32 v7, v0;
	[tilespmem:s23+$0x20] =	vst v5  }
0x2aa: {  	v7 =	vld [tilespmem:s17+$0xFFFFFFE0];
	[tilespmem:s23+$0x10] =	vst v4  }
0x2ab: {  	v5 =	vld [tilespmem:s17+$0xFFFFFFD0];
	[tilespmem:s23+$0x0] =	vst v6  }
0x2ac: {  	v4 =	vld.idx.msk [tilespmem:v11+s2+$0x0], $0xffff  }
0x2ad: {  	v9 =	vld [tilespmem:s17+$0xFFFFFF80]  }
0x2ae: {  	v6 =	vld [tilespmem:s17+$0xFFFFFFC0]  }
0x2af: {  	v10 =	vld [tilespmem:s17+$0xFFFFFF90]  }
0x2b0: {  	v11 =	vld [tilespmem:s17+$0xFFFFFFA0]  }
0x2b1: {  	v12 =	vld [tilespmem:s17+$0xFFFFFFB0];
	v4 =	vand.u32 $0x1, v4  }
0x2b2: {  	vm0 =	veq.s32 v4, $0x0  }
0x2b3: {  	v4 =	vsel vm0, v9, v6  }
0x2b4: {  	s20 =	sadd.s32 $0xF03, s20;
	v5 =	vsel vm0, v10, v5;
	v4 =	vadd.f32 v4, v0  }
0x2b5: {  	v6 =	vsel vm0, v11, v7;
	v7 =	vmov s20;
	v5 =	vadd.f32 v5, v1  }
0x2b6: {  	v8 =	vsel vm0, v12, v8;
	v6 =	vadd.f32 v6, v2;
	[tilespmem:s17+$0xFFFFFF80] =	vst v4  }
0x2b7: {  	v9 =	vld [tilespmem:s17+$0x30];
	v4 =	vadd.f32 v8, v3;
	[tilespmem:s17+$0xFFFFFF90] =	vst v5  }
0x2b8: {  	v10 =	vld [tilespmem:s17+$0x20];
	[tilespmem:s17+$0xFFFFFFA0] =	vst v6  }
0x2b9: {  	v11 =	vld [tilespmem:s17+$0x10];
	[tilespmem:s17+$0xFFFFFFB0] =	vst v4  }
0x2ba: {  	v7 =	vld.idx.msk [tilespmem:v7+s2+$0x0], $0xffff  }
0x2bb: {  	v12 =	vld [tilespmem:s17+$0x0]  }
0x2bc: {  	v6 =	vld [tilespmem:s17+$0x70]  }
0x2bd: {  	v4 =	vld [tilespmem:s17+$0x60]  }
0x2be: {  	v5 =	vld [tilespmem:s17+$0x50]  }
0x2bf: {  	v8 =	vld [tilespmem:s17+$0x40];
	v7 =	vand.u32 $0x1, v7  }
0x2c0: {  	vm0 =	veq.s32 v7, $0x0  }
0x2c1: {  	v6 =	vsel vm0, v9, v6  }
0x2c2: {  	v4 =	vsel vm0, v10, v4;
	v6 =	vadd.f32 v6, v3  }
0x2c3: {  	v5 =	vsel vm0, v11, v5;
	v4 =	vadd.f32 v4, v2  }
0x2c4: {  	v7 =	vsel vm0, v12, v8;
	v5 =	vadd.f32 v5, v1;
	[tilespmem:s17+$0x30] =	vst v6  }
0x2c5: {  	v6 =	vadd.f32 v7, v0;
	[tilespmem:s17+$0x20] =	vst v4  }
0x2c6: {  	[tilespmem:s17+$0x10] =	vst v5  }
0x2c7: {  	[tilespmem:s17+$0x0] =	vst v6  }
0x2c8: {  	[hbm4b:s12+s2] =	stream.linear.scatter [tilespmem:s21], [sflag:$0x2], $0x14000, $0x38;
	[tilespmem:$0x17280] =	vst v63  }
0x2c9: {  	_ =	swait.ge [sflag:s18], $0x14000  }
0x2ca: {  	s24 =	simm.s32 $0x1180;
	[sflag:s18] =	ssyncset.done $0x0  }
0x2cb: {  	v4 =	vmov s24;
	[sflag:s18] =	ssyncadd.s32 $0xFFFEC000  }
0x2cc: {  	v4 =	vand.u32 $0xFFFFFFFE, v4;
	[tilespmem:s21], [sflag:$0x1] =	stream.indirect.gather [hbm4b:s3+s19], $0x80, s30, s19, $0xb8;
	[tilespmem:$0x17280] =	vst v63  }
0x2cd: {  	v4 =	vbroadcast v4, $0x0;
	_ =	swait.ge [sflag:s22], $0x14000  }
0x2ce: {  	[sflag:s22] =	ssyncset.done $0x0  }
0x2cf: {  	s17 =	simm.s32 $0x3280;
	[sflag:s22] =	ssyncadd.s32 $0xFFFEC000  }
0x2d0: {  	v5 =	vld [tilespmem:s17+$0xFFFFFFF0]  }
0x2d1: {  	v6 =	vld [tilespmem:s17+$0xFFFFFFE0]  }
0x2d2: {  	v7 =	vld [tilespmem:s17+$0xFFFFFFD0]  }
0x2d3: {  	v4 =	vld.idx.msk [tilespmem:v4+s2+$0x0], $0xffff  }
0x2d4: {  	v8 =	vld [tilespmem:s17+$0xFFFFFFC0]  }
0x2d5: {  	v9 =	vld [tilespmem:s17+$0xFFFFFF80]  }
0x2d6: {  	v10 =	vld [tilespmem:s17+$0xFFFFFF90]  }
0x2d7: {  	v11 =	vld [tilespmem:s17+$0xFFFFFFA0]  }
0x2d8: {  	v12 =	vld [tilespmem:s17+$0xFFFFFFB0];
	v4 =	vand.u32 $0x1, v4  }
0x2d9: {  	vm0 =	veq.s32 v4, $0x0  }
0x2da: {  	v4 =	vsel vm0, v9, v8  }
0x2db: {  	s25 =	simm.s32 $0x1181;
	v7 =	vsel vm0, v10, v7;
	v4 =	vadd.f32 v4, v0  }
0x2dc: {  	v6 =	vsel vm0, v11, v6;
	v8 =	vmov s25;
	v7 =	vadd.f32 v7, v1  }
0x2dd: {  	v5 =	vsel vm0, v12, v5;
	v6 =	vadd.f32 v6, v2;
	[tilespmem:s17+$0xFFFFFF80] =	vst v4  }
0x2de: {  	v11 =	vld [tilespmem:s17+$0x30];
	v5 =	vadd.f32 v5, v3;
	[tilespmem:s17+$0xFFFFFF90] =	vst v7  }
0x2df: {  	v9 =	vld [tilespmem:s17+$0x20];
	[tilespmem:s17+$0xFFFFFFA0] =	vst v6  }
0x2e0: {  	v4 =	vld [tilespmem:s17+$0x50];
	[tilespmem:s17+$0xFFFFFFB0] =	vst v5  }
0x2e1: {  	v10 =	vld.idx.msk [tilespmem:v8+s2+$0x0], $0xffff  }
0x2e2: {  	v6 =	vld [tilespmem:s17+$0x70]  }
0x2e3: {  	v7 =	vld [tilespmem:s17+$0x40]  }
0x2e4: {  	v8 =	vld [tilespmem:s17+$0x0]  }
0x2e5: {  	v5 =	vld [tilespmem:s17+$0x60]  }
0x2e6: {  	v13 =	vand.u32 $0x1, v10;
	v10 =	vld [tilespmem:s17+$0x10]  }
0x2e7: {  	s26 =	simm.s32 $0x1182  }
0x2e8: {  	s23 =	simm.s32 $0x3280;
	s20 =	simm.s32 $0x0;
	s24 =	simm.s32 $0x2;
	v12 =	vmov s26;
	vm0 =	veq.s32 v13, $0x0  }
.LBB2_18:
0x2e9: {  	v12 =	vand.u32 $0xFFFFFFFE, v12;
	v7 =	vsel vm0, v8, v7;
	v6 =	vsel vm0, v11, v6;
	s17 =	sadd.s32 $0x100, s17;
	s25 =	smov.u32 s24;
	s24 =	sadd.s32 $0x2, s24  }
0x2ea: {  	p0 =	slt.u32 s24, $0x27E;
	v8 =	vbroadcast v12, $0x0;
	v5 =	vsel vm0, v9, v5;
	v6 =	vadd.f32 v6, v3  }
0x2eb: {  	v7 =	vadd.f32 v7, v0;
	v4 =	vsel vm0, v10, v4;
	v5 =	vadd.f32 v5, v2  }
0x2ec: {  	v9 =	vld [tilespmem:s17+$0xFFFFFFF0];
	v4 =	vadd.f32 v4, v1;
	[tilespmem:s23+$0x30] =	vst v6  }
0x2ed: {  	v6 =	vld [tilespmem:s17+$0xFFFFFFE0];
	[tilespmem:s23+$0x20] =	vst v5  }
0x2ee: {  	v5 =	vld [tilespmem:s17+$0xFFFFFFD0];
	[tilespmem:s23+$0x10] =	vst v4  }
0x2ef: {  	v4 =	vld [tilespmem:s17+$0xFFFFFFC0];
	[tilespmem:s23+$0x0] =	vst v7;
	s23 =	smov.u32 s17  }
0x2f0: {  	v7 =	vld.idx.msk [tilespmem:v8+s2+$0x0], $0xffff  }
0x2f1: {  	v8 =	vld [tilespmem:s17+$0xFFFFFF80]  }
0x2f2: {  	v10 =	vld [tilespmem:s17+$0xFFFFFF90]  }
0x2f3: {  	v11 =	vld [tilespmem:s17+$0xFFFFFFA0]  }
0x2f4: {  	v12 =	vld [tilespmem:s17+$0xFFFFFFB0];
	_ =	sdelay $0x1  }
0x2f5: {  	v7 =	vand.u32 $0x1, v7  }
0x2f6: {  	vm0 =	veq.s32 v7, $0x0  }
0x2f7: {  	v4 =	vsel vm0, v8, v4;
	v5 =	vsel vm0, v10, v5;
	v6 =	vsel vm0, v11, v6  }
0x2f8: {  	s26 =	sadd.s32 $0x1183, s20;
	s20 =	smov.u32 s25;
	v4 =	vadd.f32 v4, v0;
	v5 =	vadd.f32 v5, v1;
	v7 =	vsel vm0, v12, v9  }
0x2f9: {  	v8 =	vmov s26;
	v6 =	vadd.f32 v6, v2;
	v7 =	vadd.f32 v7, v3  }
0x2fa: {  	[tilespmem:s17+$0xFFFFFF80] =	vst v4  }
0x2fb: {  	[tilespmem:s17+$0xFFFFFF90] =	vst v5;
	v4 =	vld [tilespmem:s17+$0x50]  }
0x2fc: {  	[tilespmem:s17+$0xFFFFFFA0] =	vst v6;
	v6 =	vld [tilespmem:s17+$0x70]  }
0x2fd: {  	[tilespmem:s17+$0xFFFFFFB0] =	vst v7;
	v5 =	vld [tilespmem:s17+$0x60]  }
0x2fe: {  	v12 =	vld.idx.msk [tilespmem:v8+s2+$0x0], $0xffff  }
0x2ff: {  	v7 =	vld [tilespmem:s17+$0x40]  }
0x300: {  	v11 =	vld [tilespmem:s17+$0x30]  }
.Ltmp8:
0x301: {  	v8 =	vld [tilespmem:s17+$0x0];
	(pc) =	sbr.rel @p0 .LBB2_18-.Ltmp8, $4  }
0x302: {  	v9 =	vld [tilespmem:s17+$0x20]  }
0x303: {  	v10 =	vld [tilespmem:s17+$0x10]  }
0x304: {  	s25 =	sadd.s32 $0x1182, s20;
	v13 =	vand.u32 $0x1, v12  }
0x305: {  	v12 =	vmov s25;
	vm0 =	veq.s32 v13, $0x0  }
0x306: {  	v12 =	vand.u32 $0xFFFFFFFE, v12;
	v6 =	vsel vm0, v11, v6  }
0x307: {  	v11 =	vbroadcast v12, $0x0;
	v5 =	vsel vm0, v9, v5;
	v6 =	vadd.f32 v6, v3  }
0x308: {  	v4 =	vsel vm0, v10, v4;
	v5 =	vadd.f32 v5, v2  }
0x309: {  	s17 =	sadd.s32 $0x100, s17;
	v7 =	vsel vm0, v8, v7;
	v4 =	vadd.f32 v4, v1;
	[tilespmem:s23+$0x30] =	vst v6  }
0x30a: {  	v8 =	vld [tilespmem:s17+$0xFFFFFFF0];
	v6 =	vadd.f32 v7, v0;
	[tilespmem:s23+$0x20] =	vst v5  }
0x30b: {  	v7 =	vld [tilespmem:s17+$0xFFFFFFE0];
	[tilespmem:s23+$0x10] =	vst v4  }
0x30c: {  	v5 =	vld [tilespmem:s17+$0xFFFFFFD0];
	[tilespmem:s23+$0x0] =	vst v6  }
0x30d: {  	v4 =	vld.idx.msk [tilespmem:v11+s2+$0x0], $0xffff  }
0x30e: {  	v9 =	vld [tilespmem:s17+$0xFFFFFF80]  }
0x30f: {  	v6 =	vld [tilespmem:s17+$0xFFFFFFC0]  }
0x310: {  	v10 =	vld [tilespmem:s17+$0xFFFFFF90]  }
0x311: {  	v11 =	vld [tilespmem:s17+$0xFFFFFFA0]  }
0x312: {  	v12 =	vld [tilespmem:s17+$0xFFFFFFB0];
	v4 =	vand.u32 $0x1, v4  }
0x313: {  	vm0 =	veq.s32 v4, $0x0  }
0x314: {  	v4 =	vsel vm0, v9, v6  }
0x315: {  	s20 =	sadd.s32 $0x1183, s20;
	v5 =	vsel vm0, v10, v5;
	v4 =	vadd.f32 v4, v0  }
0x316: {  	v6 =	vsel vm0, v11, v7;
	v7 =	vmov s20;
	v5 =	vadd.f32 v5, v1  }
0x317: {  	v8 =	vsel vm0, v12, v8;
	v6 =	vadd.f32 v6, v2;
	[tilespmem:s17+$0xFFFFFF80] =	vst v4  }
0x318: {  	v9 =	vld [tilespmem:s17+$0x30];
	v4 =	vadd.f32 v8, v3;
	[tilespmem:s17+$0xFFFFFF90] =	vst v5  }
0x319: {  	v10 =	vld [tilespmem:s17+$0x20];
	[tilespmem:s17+$0xFFFFFFA0] =	vst v6  }
0x31a: {  	v11 =	vld [tilespmem:s17+$0x10];
	[tilespmem:s17+$0xFFFFFFB0] =	vst v4  }
0x31b: {  	v7 =	vld.idx.msk [tilespmem:v7+s2+$0x0], $0xffff  }
0x31c: {  	v12 =	vld [tilespmem:s17+$0x0]  }
0x31d: {  	v6 =	vld [tilespmem:s17+$0x70]  }
0x31e: {  	v4 =	vld [tilespmem:s17+$0x60]  }
0x31f: {  	v5 =	vld [tilespmem:s17+$0x50]  }
0x320: {  	v8 =	vld [tilespmem:s17+$0x40];
	v7 =	vand.u32 $0x1, v7  }
0x321: {  	vm0 =	veq.s32 v7, $0x0  }
0x322: {  	v6 =	vsel vm0, v9, v6  }
0x323: {  	v4 =	vsel vm0, v10, v4;
	v6 =	vadd.f32 v6, v3  }
0x324: {  	v5 =	vsel vm0, v11, v5;
	v4 =	vadd.f32 v4, v2  }
0x325: {  	v7 =	vsel vm0, v12, v8;
	v5 =	vadd.f32 v5, v1;
	[tilespmem:s17+$0x30] =	vst v6  }
0x326: {  	v6 =	vadd.f32 v7, v0;
	[tilespmem:s17+$0x20] =	vst v4  }
0x327: {  	[tilespmem:s17+$0x10] =	vst v5  }
0x328: {  	[tilespmem:s17+$0x0] =	vst v6  }
0x329: {  	[hbm4b:s13+s2] =	stream.linear.scatter [tilespmem:s21], [sflag:$0x2], $0x14000, $0x38;
	[tilespmem:$0x17280] =	vst v63  }
0x32a: {  	_ =	swait.ge [sflag:s18], $0x14000  }
0x32b: {  	s24 =	simm.s32 $0x1400;
	[sflag:s18] =	ssyncset.done $0x0  }
0x32c: {  	v4 =	vmov s24;
	[sflag:s18] =	ssyncadd.s32 $0xFFFEC000  }
0x32d: {  	v4 =	vand.u32 $0xFFFFFFFE, v4;
	[tilespmem:s21], [sflag:$0x1] =	stream.indirect.gather [hbm4b:s3+s19], $0x80, s31, s19, $0xb8;
	[tilespmem:$0x17280] =	vst v63  }
0x32e: {  	v4 =	vbroadcast v4, $0x0;
	_ =	swait.ge [sflag:s22], $0x14000  }
0x32f: {  	[sflag:s22] =	ssyncset.done $0x0  }
0x330: {  	s17 =	simm.s32 $0x3280;
	[sflag:s22] =	ssyncadd.s32 $0xFFFEC000  }
0x331: {  	v5 =	vld [tilespmem:s17+$0xFFFFFFF0]  }
0x332: {  	v6 =	vld [tilespmem:s17+$0xFFFFFFE0]  }
0x333: {  	v7 =	vld [tilespmem:s17+$0xFFFFFFD0]  }
0x334: {  	v4 =	vld.idx.msk [tilespmem:v4+s2+$0x0], $0xffff  }
0x335: {  	v8 =	vld [tilespmem:s17+$0xFFFFFFC0]  }
0x336: {  	v9 =	vld [tilespmem:s17+$0xFFFFFF80]  }
0x337: {  	v10 =	vld [tilespmem:s17+$0xFFFFFF90]  }
0x338: {  	v11 =	vld [tilespmem:s17+$0xFFFFFFA0]  }
0x339: {  	v12 =	vld [tilespmem:s17+$0xFFFFFFB0];
	v4 =	vand.u32 $0x1, v4  }
0x33a: {  	vm0 =	veq.s32 v4, $0x0  }
0x33b: {  	v4 =	vsel vm0, v9, v8  }
0x33c: {  	s25 =	simm.s32 $0x1401;
	v7 =	vsel vm0, v10, v7;
	v4 =	vadd.f32 v4, v0  }
0x33d: {  	v6 =	vsel vm0, v11, v6;
	v8 =	vmov s25;
	v7 =	vadd.f32 v7, v1  }
0x33e: {  	v5 =	vsel vm0, v12, v5;
	v6 =	vadd.f32 v6, v2;
	[tilespmem:s17+$0xFFFFFF80] =	vst v4  }
0x33f: {  	v11 =	vld [tilespmem:s17+$0x30];
	v5 =	vadd.f32 v5, v3;
	[tilespmem:s17+$0xFFFFFF90] =	vst v7  }
0x340: {  	v9 =	vld [tilespmem:s17+$0x20];
	[tilespmem:s17+$0xFFFFFFA0] =	vst v6  }
0x341: {  	v4 =	vld [tilespmem:s17+$0x50];
	[tilespmem:s17+$0xFFFFFFB0] =	vst v5  }
0x342: {  	v10 =	vld.idx.msk [tilespmem:v8+s2+$0x0], $0xffff  }
0x343: {  	v6 =	vld [tilespmem:s17+$0x70]  }
0x344: {  	v7 =	vld [tilespmem:s17+$0x40]  }
0x345: {  	v8 =	vld [tilespmem:s17+$0x0]  }
0x346: {  	v5 =	vld [tilespmem:s17+$0x60]  }
0x347: {  	v13 =	vand.u32 $0x1, v10;
	v10 =	vld [tilespmem:s17+$0x10]  }
0x348: {  	s26 =	simm.s32 $0x1402  }
0x349: {  	s23 =	simm.s32 $0x3280;
	s20 =	simm.s32 $0x0;
	s24 =	simm.s32 $0x2;
	v12 =	vmov s26;
	vm0 =	veq.s32 v13, $0x0  }
.LBB2_20:
0x34a: {  	v12 =	vand.u32 $0xFFFFFFFE, v12;
	v7 =	vsel vm0, v8, v7;
	v6 =	vsel vm0, v11, v6;
	s17 =	sadd.s32 $0x100, s17;
	s25 =	smov.u32 s24;
	s24 =	sadd.s32 $0x2, s24  }
0x34b: {  	p0 =	slt.u32 s24, $0x27E;
	v8 =	vbroadcast v12, $0x0;
	v5 =	vsel vm0, v9, v5;
	v6 =	vadd.f32 v6, v3  }
0x34c: {  	v7 =	vadd.f32 v7, v0;
	v4 =	vsel vm0, v10, v4;
	v5 =	vadd.f32 v5, v2  }
0x34d: {  	v9 =	vld [tilespmem:s17+$0xFFFFFFF0];
	v4 =	vadd.f32 v4, v1;
	[tilespmem:s23+$0x30] =	vst v6  }
0x34e: {  	v6 =	vld [tilespmem:s17+$0xFFFFFFE0];
	[tilespmem:s23+$0x20] =	vst v5  }
0x34f: {  	v5 =	vld [tilespmem:s17+$0xFFFFFFD0];
	[tilespmem:s23+$0x10] =	vst v4  }
0x350: {  	v4 =	vld [tilespmem:s17+$0xFFFFFFC0];
	[tilespmem:s23+$0x0] =	vst v7;
	s23 =	smov.u32 s17  }
0x351: {  	v7 =	vld.idx.msk [tilespmem:v8+s2+$0x0], $0xffff  }
0x352: {  	v8 =	vld [tilespmem:s17+$0xFFFFFF80]  }
0x353: {  	v10 =	vld [tilespmem:s17+$0xFFFFFF90]  }
0x354: {  	v11 =	vld [tilespmem:s17+$0xFFFFFFA0]  }
0x355: {  	v12 =	vld [tilespmem:s17+$0xFFFFFFB0];
	_ =	sdelay $0x1  }
0x356: {  	v7 =	vand.u32 $0x1, v7  }
0x357: {  	vm0 =	veq.s32 v7, $0x0  }
0x358: {  	v4 =	vsel vm0, v8, v4;
	v5 =	vsel vm0, v10, v5;
	v6 =	vsel vm0, v11, v6  }
0x359: {  	s26 =	sadd.s32 $0x1403, s20;
	s20 =	smov.u32 s25;
	v4 =	vadd.f32 v4, v0;
	v5 =	vadd.f32 v5, v1;
	v7 =	vsel vm0, v12, v9  }
0x35a: {  	v8 =	vmov s26;
	v6 =	vadd.f32 v6, v2;
	v7 =	vadd.f32 v7, v3  }
0x35b: {  	[tilespmem:s17+$0xFFFFFF80] =	vst v4  }
0x35c: {  	[tilespmem:s17+$0xFFFFFF90] =	vst v5;
	v4 =	vld [tilespmem:s17+$0x50]  }
0x35d: {  	[tilespmem:s17+$0xFFFFFFA0] =	vst v6;
	v6 =	vld [tilespmem:s17+$0x70]  }
0x35e: {  	[tilespmem:s17+$0xFFFFFFB0] =	vst v7;
	v5 =	vld [tilespmem:s17+$0x60]  }
0x35f: {  	v12 =	vld.idx.msk [tilespmem:v8+s2+$0x0], $0xffff  }
0x360: {  	v7 =	vld [tilespmem:s17+$0x40]  }
0x361: {  	v11 =	vld [tilespmem:s17+$0x30]  }
.Ltmp9:
0x362: {  	v8 =	vld [tilespmem:s17+$0x0];
	(pc) =	sbr.rel @p0 .LBB2_20-.Ltmp9, $4  }
0x363: {  	v9 =	vld [tilespmem:s17+$0x20]  }
0x364: {  	v10 =	vld [tilespmem:s17+$0x10]  }
0x365: {  	s25 =	sadd.s32 $0x1402, s20;
	v13 =	vand.u32 $0x1, v12  }
0x366: {  	v12 =	vmov s25;
	vm0 =	veq.s32 v13, $0x0  }
0x367: {  	v12 =	vand.u32 $0xFFFFFFFE, v12;
	v6 =	vsel vm0, v11, v6  }
0x368: {  	v11 =	vbroadcast v12, $0x0;
	v5 =	vsel vm0, v9, v5;
	v6 =	vadd.f32 v6, v3  }
0x369: {  	v4 =	vsel vm0, v10, v4;
	v5 =	vadd.f32 v5, v2  }
0x36a: {  	s17 =	sadd.s32 $0x100, s17;
	v7 =	vsel vm0, v8, v7;
	v4 =	vadd.f32 v4, v1;
	[tilespmem:s23+$0x30] =	vst v6  }
0x36b: {  	v8 =	vld [tilespmem:s17+$0xFFFFFFF0];
	v6 =	vadd.f32 v7, v0;
	[tilespmem:s23+$0x20] =	vst v5  }
0x36c: {  	v7 =	vld [tilespmem:s17+$0xFFFFFFE0];
	[tilespmem:s23+$0x10] =	vst v4  }
0x36d: {  	v5 =	vld [tilespmem:s17+$0xFFFFFFD0];
	[tilespmem:s23+$0x0] =	vst v6  }
0x36e: {  	v4 =	vld.idx.msk [tilespmem:v11+s2+$0x0], $0xffff  }
0x36f: {  	v9 =	vld [tilespmem:s17+$0xFFFFFF80]  }
0x370: {  	v6 =	vld [tilespmem:s17+$0xFFFFFFC0]  }
0x371: {  	v10 =	vld [tilespmem:s17+$0xFFFFFF90]  }
0x372: {  	v11 =	vld [tilespmem:s17+$0xFFFFFFA0]  }
0x373: {  	v12 =	vld [tilespmem:s17+$0xFFFFFFB0];
	v4 =	vand.u32 $0x1, v4  }
0x374: {  	vm0 =	veq.s32 v4, $0x0  }
0x375: {  	v4 =	vsel vm0, v9, v6  }
0x376: {  	s20 =	sadd.s32 $0x1403, s20;
	v5 =	vsel vm0, v10, v5;
	v4 =	vadd.f32 v4, v0  }
0x377: {  	v6 =	vsel vm0, v11, v7;
	v7 =	vmov s20;
	v5 =	vadd.f32 v5, v1  }
0x378: {  	v8 =	vsel vm0, v12, v8;
	v6 =	vadd.f32 v6, v2;
	[tilespmem:s17+$0xFFFFFF80] =	vst v4  }
0x379: {  	v9 =	vld [tilespmem:s17+$0x30];
	v4 =	vadd.f32 v8, v3;
	[tilespmem:s17+$0xFFFFFF90] =	vst v5  }
0x37a: {  	v10 =	vld [tilespmem:s17+$0x20];
	[tilespmem:s17+$0xFFFFFFA0] =	vst v6  }
0x37b: {  	v11 =	vld [tilespmem:s17+$0x10];
	[tilespmem:s17+$0xFFFFFFB0] =	vst v4  }
0x37c: {  	v7 =	vld.idx.msk [tilespmem:v7+s2+$0x0], $0xffff  }
0x37d: {  	v12 =	vld [tilespmem:s17+$0x0]  }
0x37e: {  	v6 =	vld [tilespmem:s17+$0x70]  }
0x37f: {  	v4 =	vld [tilespmem:s17+$0x60]  }
0x380: {  	v5 =	vld [tilespmem:s17+$0x50]  }
0x381: {  	v8 =	vld [tilespmem:s17+$0x40];
	v7 =	vand.u32 $0x1, v7  }
0x382: {  	vm0 =	veq.s32 v7, $0x0  }
0x383: {  	v6 =	vsel vm0, v9, v6  }
0x384: {  	v4 =	vsel vm0, v10, v4;
	v6 =	vadd.f32 v6, v3  }
0x385: {  	v5 =	vsel vm0, v11, v5;
	v4 =	vadd.f32 v4, v2  }
0x386: {  	v7 =	vsel vm0, v12, v8;
	v5 =	vadd.f32 v5, v1;
	[tilespmem:s17+$0x30] =	vst v6  }
0x387: {  	v6 =	vadd.f32 v7, v0;
	[tilespmem:s17+$0x20] =	vst v4  }
0x388: {  	[tilespmem:s17+$0x10] =	vst v5  }
0x389: {  	[tilespmem:s17+$0x0] =	vst v6  }
0x38a: {  	[hbm4b:s14+s2] =	stream.linear.scatter [tilespmem:s21], [sflag:$0x2], $0x14000, $0x38;
	[tilespmem:$0x17280] =	vst v63  }
0x38b: {  	_ =	swait.ge [sflag:s18], $0x14000  }
0x38c: {  	s24 =	simm.s32 $0x1680;
	[sflag:s18] =	ssyncset.done $0x0  }
0x38d: {  	v4 =	vmov s24;
	[sflag:s18] =	ssyncadd.s32 $0xFFFEC000  }
0x38e: {  	v4 =	vand.u32 $0xFFFFFFFE, v4;
	[tilespmem:s21], [sflag:$0x1] =	stream.indirect.gather [hbm4b:s3+s19], $0x80, s0, s19, $0xb8;
	[tilespmem:$0x17280] =	vst v63  }
0x38f: {  	v4 =	vbroadcast v4, $0x0;
	_ =	swait.ge [sflag:s22], $0x14000  }
0x390: {  	[sflag:s22] =	ssyncset.done $0x0  }
0x391: {  	s17 =	simm.s32 $0x3280;
	[sflag:s22] =	ssyncadd.s32 $0xFFFEC000  }
0x392: {  	v5 =	vld [tilespmem:s17+$0xFFFFFFF0]  }
0x393: {  	v6 =	vld [tilespmem:s17+$0xFFFFFFE0]  }
0x394: {  	v7 =	vld [tilespmem:s17+$0xFFFFFFD0]  }
0x395: {  	v4 =	vld.idx.msk [tilespmem:v4+s2+$0x0], $0xffff  }
0x396: {  	v8 =	vld [tilespmem:s17+$0xFFFFFFC0]  }
0x397: {  	v9 =	vld [tilespmem:s17+$0xFFFFFF80]  }
0x398: {  	v10 =	vld [tilespmem:s17+$0xFFFFFF90]  }
0x399: {  	v11 =	vld [tilespmem:s17+$0xFFFFFFA0]  }
0x39a: {  	v12 =	vld [tilespmem:s17+$0xFFFFFFB0];
	v4 =	vand.u32 $0x1, v4  }
0x39b: {  	vm0 =	veq.s32 v4, $0x0  }
0x39c: {  	v4 =	vsel vm0, v9, v8  }
0x39d: {  	s25 =	simm.s32 $0x1681;
	v7 =	vsel vm0, v10, v7;
	v4 =	vadd.f32 v4, v0  }
0x39e: {  	v6 =	vsel vm0, v11, v6;
	v8 =	vmov s25;
	v7 =	vadd.f32 v7, v1  }
0x39f: {  	v5 =	vsel vm0, v12, v5;
	v6 =	vadd.f32 v6, v2;
	[tilespmem:s17+$0xFFFFFF80] =	vst v4  }
0x3a0: {  	v11 =	vld [tilespmem:s17+$0x30];
	v5 =	vadd.f32 v5, v3;
	[tilespmem:s17+$0xFFFFFF90] =	vst v7  }
0x3a1: {  	v9 =	vld [tilespmem:s17+$0x20];
	[tilespmem:s17+$0xFFFFFFA0] =	vst v6  }
0x3a2: {  	v4 =	vld [tilespmem:s17+$0x50];
	[tilespmem:s17+$0xFFFFFFB0] =	vst v5  }
0x3a3: {  	v10 =	vld.idx.msk [tilespmem:v8+s2+$0x0], $0xffff  }
0x3a4: {  	v6 =	vld [tilespmem:s17+$0x70]  }
0x3a5: {  	v7 =	vld [tilespmem:s17+$0x40]  }
0x3a6: {  	v8 =	vld [tilespmem:s17+$0x0]  }
0x3a7: {  	v5 =	vld [tilespmem:s17+$0x60]  }
0x3a8: {  	v13 =	vand.u32 $0x1, v10;
	v10 =	vld [tilespmem:s17+$0x10]  }
0x3a9: {  	s26 =	simm.s32 $0x1682  }
0x3aa: {  	s23 =	simm.s32 $0x3280;
	s20 =	simm.s32 $0x0;
	s24 =	simm.s32 $0x2;
	v12 =	vmov s26;
	vm0 =	veq.s32 v13, $0x0  }
.LBB2_22:
0x3ab: {  	v12 =	vand.u32 $0xFFFFFFFE, v12;
	v7 =	vsel vm0, v8, v7;
	v6 =	vsel vm0, v11, v6;
	s17 =	sadd.s32 $0x100, s17;
	s25 =	smov.u32 s24;
	s24 =	sadd.s32 $0x2, s24  }
0x3ac: {  	p0 =	slt.u32 s24, $0x27E;
	v8 =	vbroadcast v12, $0x0;
	v5 =	vsel vm0, v9, v5;
	v6 =	vadd.f32 v6, v3  }
0x3ad: {  	v7 =	vadd.f32 v7, v0;
	v4 =	vsel vm0, v10, v4;
	v5 =	vadd.f32 v5, v2  }
0x3ae: {  	v9 =	vld [tilespmem:s17+$0xFFFFFFF0];
	v4 =	vadd.f32 v4, v1;
	[tilespmem:s23+$0x30] =	vst v6  }
0x3af: {  	v6 =	vld [tilespmem:s17+$0xFFFFFFE0];
	[tilespmem:s23+$0x20] =	vst v5  }
0x3b0: {  	v5 =	vld [tilespmem:s17+$0xFFFFFFD0];
	[tilespmem:s23+$0x10] =	vst v4  }
0x3b1: {  	v4 =	vld [tilespmem:s17+$0xFFFFFFC0];
	[tilespmem:s23+$0x0] =	vst v7;
	s23 =	smov.u32 s17  }
0x3b2: {  	v7 =	vld.idx.msk [tilespmem:v8+s2+$0x0], $0xffff  }
0x3b3: {  	v8 =	vld [tilespmem:s17+$0xFFFFFF80]  }
0x3b4: {  	v10 =	vld [tilespmem:s17+$0xFFFFFF90]  }
0x3b5: {  	v11 =	vld [tilespmem:s17+$0xFFFFFFA0]  }
0x3b6: {  	v12 =	vld [tilespmem:s17+$0xFFFFFFB0];
	_ =	sdelay $0x1  }
0x3b7: {  	v7 =	vand.u32 $0x1, v7  }
0x3b8: {  	vm0 =	veq.s32 v7, $0x0  }
0x3b9: {  	v4 =	vsel vm0, v8, v4;
	v5 =	vsel vm0, v10, v5;
	v6 =	vsel vm0, v11, v6  }
0x3ba: {  	s26 =	sadd.s32 $0x1683, s20;
	s20 =	smov.u32 s25;
	v4 =	vadd.f32 v4, v0;
	v5 =	vadd.f32 v5, v1;
	v7 =	vsel vm0, v12, v9  }
0x3bb: {  	v8 =	vmov s26;
	v6 =	vadd.f32 v6, v2;
	v7 =	vadd.f32 v7, v3  }
0x3bc: {  	[tilespmem:s17+$0xFFFFFF80] =	vst v4  }
0x3bd: {  	[tilespmem:s17+$0xFFFFFF90] =	vst v5;
	v4 =	vld [tilespmem:s17+$0x50]  }
0x3be: {  	[tilespmem:s17+$0xFFFFFFA0] =	vst v6;
	v6 =	vld [tilespmem:s17+$0x70]  }
0x3bf: {  	[tilespmem:s17+$0xFFFFFFB0] =	vst v7;
	v5 =	vld [tilespmem:s17+$0x60]  }
0x3c0: {  	v12 =	vld.idx.msk [tilespmem:v8+s2+$0x0], $0xffff  }
0x3c1: {  	v7 =	vld [tilespmem:s17+$0x40]  }
0x3c2: {  	v11 =	vld [tilespmem:s17+$0x30]  }
.Ltmp10:
0x3c3: {  	v8 =	vld [tilespmem:s17+$0x0];
	(pc) =	sbr.rel @p0 .LBB2_22-.Ltmp10, $4  }
0x3c4: {  	v9 =	vld [tilespmem:s17+$0x20]  }
0x3c5: {  	v10 =	vld [tilespmem:s17+$0x10]  }
0x3c6: {  	s25 =	sadd.s32 $0x1682, s20;
	v13 =	vand.u32 $0x1, v12  }
0x3c7: {  	v12 =	vmov s25;
	vm0 =	veq.s32 v13, $0x0  }
0x3c8: {  	v12 =	vand.u32 $0xFFFFFFFE, v12;
	v6 =	vsel vm0, v11, v6  }
0x3c9: {  	s17 =	sadd.s32 $0x100, s17;
	v7 =	vsel vm0, v8, v7;
	v38 =	vbroadcast v12, $0x0;
	v6 =	vadd.f32 v6, v3  }
0x3ca: {  	v5 =	vsel vm0, v9, v5;
	v39 =	vld [tilespmem:s17+$0xFFFFFFF0];
	v40 =	vadd.f32 v7, v0  }
0x3cb: {  	v41 =	vld [tilespmem:s17+$0xFFFFFFE0];
	v4 =	vsel vm0, v10, v4;
	v5 =	vadd.f32 v5, v2;
	[tilespmem:s23+$0x30] =	vst v6  }
0x3cc: {  	v42 =	vld [tilespmem:s17+$0xFFFFFFD0];
	v4 =	vadd.f32 v4, v1;
	[tilespmem:s23+$0x0] =	vst v40  }
0x3cd: {  	[tilespmem:s23+$0x20] =	vst v5  }
0x3ce: {  	[tilespmem:s23+$0x10] =	vst v4  }
0x3cf: {  	v4 =	vld.idx.msk [tilespmem:v38+s2+$0x0], $0xffff  }
0x3d0: {  	v43 =	vld [tilespmem:s17+$0xFFFFFFC0]  }
0x3d1: {  	v44 =	vld [tilespmem:s17+$0xFFFFFF80]  }
0x3d2: {  	v45 =	vld [tilespmem:s17+$0xFFFFFF90]  }
0x3d3: {  	v46 =	vld [tilespmem:s17+$0xFFFFFFA0]  }
0x3d4: {  	v47 =	vld [tilespmem:s17+$0xFFFFFFB0];
	v4 =	vand.u32 $0x1, v4  }
0x3d5: {  	vm14 =	veq.s32 v4, $0x0  }
0x3d6: {  	v4 =	vsel vm14, v44, v43  }
0x3d7: {  	s20 =	sadd.s32 $0x1683, s20;
	v5 =	vsel vm14, v45, v42;
	v4 =	vadd.f32 v4, v0  }
0x3d8: {  	v49 =	vmov s20;
	v48 =	vsel vm14, v46, v41;
	v5 =	vadd.f32 v5, v1  }
0x3d9: {  	v8 =	vsel vm14, v47, v39;
	v6 =	vadd.f32 v48, v2;
	[tilespmem:s17+$0xFFFFFF80] =	vst v4  }
0x3da: {  	v52 =	vld [tilespmem:s17+$0x70];
	v50 =	vadd.f32 v8, v3;
	[tilespmem:s17+$0xFFFFFF90] =	vst v5  }
0x3db: {  	v53 =	vld [tilespmem:s17+$0x60];
	[tilespmem:s17+$0xFFFFFFA0] =	vst v6  }
0x3dc: {  	v51 =	vld [tilespmem:s17+$0x50];
	[tilespmem:s17+$0xFFFFFFB0] =	vst v50  }
0x3dd: {  	v7 =	vld.idx.msk [tilespmem:v49+s2+$0x0], $0xffff  }
0x3de: {  	v54 =	vld [tilespmem:s17+$0x40]  }
0x3df: {  	v55 =	vld [tilespmem:s17+$0x30]  }
0x3e0: {  	v56 =	vld [tilespmem:s17+$0x20]  }
0x3e1: {  	v57 =	vld [tilespmem:s17+$0x10]  }
0x3e2: {  	v58 =	vld [tilespmem:s17+$0x0];
	v7 =	vand.u32 $0x1, v7  }
0x3e3: {  	vm15 =	veq.s32 v7, $0x0  }
0x3e4: {  	v6 =	vsel vm15, v55, v52  }
0x3e5: {  	v4 =	vsel vm15, v56, v53;
	v59 =	vadd.f32 v6, v3  }
0x3e6: {  	v5 =	vsel vm15, v57, v51;
	v60 =	vadd.f32 v4, v2  }
0x3e7: {  	v61 =	vsel vm15, v58, v54;
	v62 =	vadd.f32 v5, v1;
	[tilespmem:s17+$0x30] =	vst v59  }
0x3e8: {  	s1 =	sadd.s32 $0x1, s1;
	v63 =	vadd.f32 v61, v0;
	[tilespmem:s17+$0x20] =	vst v60  }
0x3e9: {  	p0 =	sne.s32 s1, s16;
	[tilespmem:s17+$0x10] =	vst v62  }
.Ltmp11:
0x3ea: {  	[tilespmem:s17+$0x0] =	vst v63;
	(pc) =	sbr.rel @p0 .LBB2_1-.Ltmp11, $4  }
0x3eb: {  	[hbm4b:s15+s2] =	stream.linear.scatter [tilespmem:s21], [sflag:$0x2], $0x14000, $0x38;
	[tilespmem:$0x17280] =	vst v63  }
0x3ec: {  	_ =	swait.ge [sflag:s18], $0x14000  }
0x3ed: {  	[sflag:s18] =	ssyncset.done $0x0  }
0x3ee: {  	[sflag:s18] =	ssyncadd.s32 $0xFFFEC000  }
0x3ef: {  	_ =	sfence.sel $0x180000  }
0x3f0: {  	[bflag:$0x0] =	sbarrier.arrive $0xFFFF  }
0x3f1: {  	_ =	strace $0x90000047  }
0x3f2: {  	s0 =	stileid.u32;
	[bflag:$0x2] =	sbarrier.arrive $0xFFFF  }
0x3f3: {  	p0 =	sne.s32 s0, $0x0;
	s0 =	rddreg [dreg:$0x2]  }
0x3f4: {  	s0 =	sadd.s32 @!p0 $0x100000, s0  }
0x3f5: {  	[sflag:s0] =	ssyncadd.tile.s32 @!p0 $0x1;
	_ =	shalt  }
.Lfunc_end2:
_tile_overlayer_lowered:
.L_overlay_start_2:
0x3f6: {  	(tag) =	ssettag $0x2  }
0x3f7: {  	s0 =	rddreg [dreg:$0x0];
	s2 =	stileid.u32  }
0x3f8: {  	s1 =	rddreg [dreg:$0x1];
	p0 =	sne.s32 s2, $0x0  }
0x3f9: {  	s3 =	rddreg [dreg:$0x2];
	[bflag:$0x3] =	sbarrier.arrive $0xFFFF;
	s2 =	simm.s32 @!p0 $0x1C02  }
0x3fa: {  	[timem:s3], [sflag:s2] =	dma.local @!p0 [hbm:s0], s1  }
0x3fb: {  	s0 =	simm.s32 @!p0 $0x2  }
0x3fc: {  	_ =	swait.ge @!p0 [sflag:s0], s1  }
0x3fd: {  	s1 =	ssub.s32 @!p0 $0x0, s1;
	[sflag:s0] =	ssyncset.done @!p0 $0x0  }
0x3fe: {  	[sflag:s0] =	ssyncadd.s32 @!p0 s1  }
0x3ff: {  	[bflag:$0x3] =	sbarrier.arrive $0xFFFF  }
0x400: {  	_ =	shalt  }

// kernel: sparse-core-data-format-call.cloned.1.call-start
scs
called_computation_lowered:
.L_overlay_start_0:
0x0: {  	s2 =	sld [smem:$0x3FD9]  }
0x1: {  	s3 =	sld [smem:$0x3FFE];
	_ =	sdelay $0x1  }
0x2: {  	s1 =	srdreg.scid  }
0x3: {  	s0 =	sand.u32 $0x1, s1  }
0x4: {  	s18 =	sshll.u32 s0, $0xA;
	s2 =	sadd.s32 s3, s2  }
0x5: {  	s2 =	sadd.s32 s2, s18  }
0x6: {  	[smem:$0x3FC6] =	sst s2  }
0x7: {  	_ = 	snop  }
0x8: {  	s2 =	sld [smem:$0x3FD0];
	(tm) =	ssettm $0x1  }
0x9: {  	s19 =	sld [smem:$0x3FFB];
	_ =	sdelay $0x3  }
0xa: {  	_ =	strace s19  }
0xb: {  	s3 =	sld [smem:$0x3FFC];
	_ =	sdelay $0x3  }
0xc: {  	_ =	strace s3  }
0xd: {  	s3 =	sld [smem:$0x3FFD];
	_ =	sdelay $0x3  }
0xe: {  	_ =	strace s3  }
0xf: {  	_ =	strace $0x8FFFFFFF  }
0x10: {  	s20 =	sld [smem:$0x3FDB];
	_ =	sdelay $0x1  }
0x11: {  	s4 =	simm.s32 $_scs_section_size  }
0x12: {  	s5 =	simm.s32 $_size__tile_overlayer_lowered;
	s6 =	simm.s32 $_tile_overlayer_lowered  }
0x13: {  	s23 =	simm.s32 $0x1BFF;
	s22 =	sshll.u32 s6, $0x1;
	s3 =	sadd.s32 s4, s20  }
0x14: {  	s7 =	simm.s32 $0x0;
	s21 =	sshll.u32 s5, $0x1;
	s5 =	sadd.s32 s22, s3  }
0x15: {  	[timem:s7], [sflag:s23] =	dma.local [hbm:s5], s21  }
0x16: {  	_ =	swait.ge [sflag:s23], s21  }
0x17: {  	s4 =	ssub.s32 $0x0, s21;
	[sflag:s23] =	ssyncset.done $0x0  }
0x18: {  	[sflag:s23] =	ssyncadd.s32 s4;
	_ =	sdelay $0x1  }
0x19: {  	s24 =	simm.s32 $0x1B8B  }
0x1a: {  	_ =	swait.ge [sflag:s24], $0x1  }
0x1b: {  	[sflag:s24] =	ssyncset.done $0x0  }
0x1c: {  	s26 =	simm.s32 $0x1B8E;
	s25 =	sld [smem:$0x3FFE];
	[sflag:s24] =	ssyncadd.s32 $0xFFFFFFFF  }
0x1d: {  	s27 =	simm.s32 $execute0_lowered;
	[smem:$0x3FD2] =	sst s26  }
0x1e: {  	s5 =	sshll.u32 s27, $0x1;
	_ =	strace $0x80000049;
	[dreg:$0x1] =	wrdreg $0xFFFFFFFF  }
0x1f: {  	s28 =	simm.s32 $_size_execute0_lowered;
	s3 =	sadd.s32 s3, s5;
	[dreg:$0x0] =	wrdreg $0x0  }
0x20: {  	s5 =	sshll.u32 s28, $0x1;
	[dreg:$0x2] =	wrdreg s3  }
0x21: {  	[dreg:$0x3] =	wrdreg s5  }
0x22: {  	[dreg:$0x4] =	wrdreg $0xC0  }
0x23: {  	_ =	task [dreg:s7], $0x5FFFF  }
0x24: {  	[dreg:$0x1] =	wrdreg $0xFFFFFFFF  }
0x25: {  	[dreg:$0x0] =	wrdreg $0x60  }
0x26: {  	[dreg:$0x2] =	wrdreg s25  }
0x27: {  	[dreg:$0x3] =	wrdreg s2  }
0x28: {  	[dreg:$0x4] =	wrdreg $0x9  }
0x29: {  	_ =	task.clear_ibuf [dreg:s7], $0x5FFFF;
	_ =	strace $0x90000049  }
0x2a: {  	s29 =	simm.s32 $0x9;
	_ =	strace $0x8000004B  }
0x2b: {  	_ =	swait.ge [sflag:s29], $0x1  }
0x2c: {  	[sflag:s29] =	ssyncadd.s32 $0xFFFFFFFF  }
0x2d: {  	_ =	strace $0x9000004B  }
0x2e: {  	_ =	sfence  }
0x2f: {  	s30 =	sld [smem:$0x0];
	_ =	sdelay $0x2  }
0x30: {  	s31 =	sshll.u32 s1, $0xD;
	s1 =	sshrl.u32 s1, $0x2  }
0x31: {  	s3 =	sand.u32 $0x4000, s31;
	s1 =	sadd.s32 s1, s30  }
0x32: {  	s0 =	sor.u32 s3, s0;
	s1 =	sshll.u32 s1, $0x11  }
0x33: {  	s0 =	sor.u32 s1, s0  }
0x34: {  	s0 =	sadd.s32 $0x8F2B, s0  }
0x35: {  	[sflag:s0] =	ssyncadd.remote.s32 $0x1  }
0x36: {  	_ =	sfence.sel $0xFFFF  }
0x37: {  	[dreg:$0x0] =	wrdreg $0xFFFFFFFF;
	(pc) =	sbr.abs _section_cstart, $3  }
0x38: {  	[dreg:$0x1] =	wrdreg $0xFFFFFFFF  }
0x39: {  	_ =	task.clear_ibuf [dreg:s7], $0x2FFFF;
	_ =	strace $0x9FFFFFFF  }
0x3a: {  	(tm) =	ssettm $0x7FFFFFFF  }
0x3b: {  	_ =	shalt  }
tec
execute0_lowered:
.L_overlay_start_1:
0x0: {  	(tag) =	ssettag $0x1  }
0x1: {  	s0 =	stileid.u32;
	s6 =	rddreg [dreg:$0x0]  }
0x2: {  	s2 =	rddreg [dreg:$0x1];
	s5 =	srdreg.scid  }
0x3: {  	s31 =	simm.s32 $0x2;
	s13 =	simm.s32 $0x0;
	s1 =	sshll.u32 s0, $0x7  }
0x4: {  	s14 =	simm.s32 $0x0;
	s12 =	simm.s32 $0x0;
	s3 =	sand.u32 $0x380, s1  }
0x5: {  	s5 =	sshll.u32 s5, $0x4;
	s6 =	sadd.s32 $0xC00, s6;
	s4 =	ssub.s32 $0x400, s3  }
0x6: {  	s1 =	rddreg [dreg:$0x2];
	_ =	strace $0x8000004A;
	s7 =	sand.u32 $0x380, s4  }
0x7: {  	s5 =	sand.u32 $0x10, s5;
	p0 =	sne.s32 s7, $0x0;
	s7 =	simm.s32 $0x1  }
.Ltmp0:
0x8: {  	s8 =	sshrl.u32 s4, $0xA;
	s7 =	simm.s32 @!p0 $0x0;
	(pc) =	sbr.rel .LBB1_1-.Ltmp0, $4  }
0x9: {  	s9 =	sor.u32 s0, s5;
	s4 =	simm.s32 $0x1;
	s30 =	sadd.s32 s7, s8  }
0xa: {  	s11 =	smov.u32 s3;
	[sflag:s4] =	ssyncpa.u1 $0x0;
	s5 =	smul.u32 $0x32, s30  }
0xb: {  	[sflag:s31] =	ssyncpa.u1 $0x0;
	p0 =	por $0x0, $0x0;
	s7 =	sshrl.u32 s9, $0x3  }
0xc: {  	s9 =	simm.s32 $0x2000;
	s10 =	smov.u32 s7;
	s8 =	sor.u32 $0x1, s5  }
.LBB1_4:
0xd: {  	s17 =	sand.u32 $0x1F80, s14;
	s13 =	sshll.u32 s13, $0xD  }
0xe: {  	[tilespmem:s16+$0x810 ss:$0x81] =	vst.msk $0xffff, v2;
	s18 =	sshrl.u32 s14, $0x3;
	s31 =	sand.u32 $0x7, s14;
	s17 =	sadd.s32 s2, s17  }
0xf: {  	[tilespmem:s16+$0x1020 ss:$0x81] =	vst.msk $0xffff, v0;
	s18 =	sand.u32 $0xF, s18;
	s14 =	sshll.u32 s31, $0x12;
	s13 =	sadd.s32 s13, s17  }
0x10: {  	[tilespmem:s16+$0x0 ss:$0x81] =	vst.msk $0xffff, v1;
	s14 =	sor.u32 $0x400, s14;
	s13 =	sadd.s32 s18, s13  }
0x11: {  	[hbm4b:s13+s14] =	stream.strided.scatter [tilespmem:s15], [sflag:$0x2], $0x2000, s9, s14, $0x20;
	[tilespmem:$0x8080] =	vst v63  }
.LBB1_5:
0x12: {  	s15 =	sadd.s32 $0x4, s10  }
0x13: {  	s13 =	sadd.s32 $0x400, s11;
	s17 =	smov.u32 s11;
	p2 =	sgt.s32 s15, $0xC7  }
0x14: {  	s17 =	smov.u32 @p2 s13  }
0x15: {  	s15 =	smov.u32 @p2 s7;
	p2 =	sgt.s32 s17, $0x3FF  }
0x16: {  	s17 =	smov.u32 @p2 s3;
	p2 =	sne.s32 s12, s8  }
.Ltmp1:
0x17: {  	p1 =	slt.u32 s12, $0x2;
	(pc) =	sbr.rel @!p2 .LBB1_6-.Ltmp1, $4  }
0x18: {  	s16 =	simm.s32 @!p1 $0x2  }
0x19: {  	s14 =	smov.u32 s11;
	p0 =	por !p0, !p0;
	_ =	swait.ge @!p1 [sflag:s16], $0x2000  }
0x1a: {  	s13 =	smov.u32 s10;
	[sflag:s16] =	ssyncset.done @!p1 $0x0;
	s10 =	smov.u32 s15  }
0x1b: {  	s12 =	sadd.s32 $0x1, s12;
	[sflag:s16] =	ssyncadd.s32 @!p1 $0xFFFFE000;
	s11 =	smov.u32 s17  }
.LBB1_1:
0x1c: {  	p1 =	sge.u32 s12, s5  }
0x1d: {  	s15 =	sand.u32 @!p1 $0x1FFFFFF, s10  }
0x1e: {  	s16 =	smulhi.u32 @!p1 $0x147AE15, s15;
	_ =	sdelay $0x1  }
0x1f: {  	s16 =	smul.u32 @!p1 $0xC8, s16  }
0x20: {  	s17 =	sxor.u32 @!p1 $0xFFFFFFFF, s12;
	s18 =	smul.u32 @!p1 $0xC80, s11  }
0x21: {  	s31 =	sadd.s32 $0xFFFFFFFF, s12;
	s17 =	sshll.u32 @!p1 s17, $0xD;
	s15 =	ssub.s32 @!p1 s15, s16  }
0x22: {  	s16 =	sand.u32 @!p1 $0x2000, s17;
	s17 =	sadd.s32 @!p1 s6, s18;
	s15 =	sshll.u32 @!p1 s15, $0x4  }
0x23: {  	s18 =	simm.s32 @!p1 $0x6400;
	s15 =	sadd.s32 @!p1 s15, s17;
	s17 =	simm.s32 @!p1 $0x40  }
0x24: {  	[tilespmem:s16], [sflag:$0x1] =	stream.strided.gather @!p1 [hbm4b:s15+s17], $0x2000, s18, s17, $0x38;
	[tilespmem:$0x8080] =	vst v63  }
0x25: {  	p1 =	sge.u32 s31, s5  }
.Ltmp2:
0x26: {  	_ = 	snop;
	(pc) =	sbr.rel @p1 .LBB1_5-.Ltmp2, $1  }
0x27: {  	_ =	sdelay $0x3  }
0x28: {  	s15 =	simm.s32 $0x1  }
0x29: {  	_ =	swait.ge [sflag:s4], $0x2000;
	s15 =	simm.s32 @!p0 $0x0  }
0x2a: {  	[sflag:s4] =	ssyncset.done $0x0;
	s16 =	sshll.u32 s15, $0xD  }
0x2b: {  	[sflag:s4] =	ssyncadd.s32 $0xFFFFE000;
	s19 =	sor.u32 $0x20, s16  }
0x2c: {  	s15 =	smul.u32 $0x8100, s15;
	v3 =	vld [tilespmem:s19+$0x10]  }
0x2d: {  	s30 =	sand.u32 $0x1, s12;
	v2 =	vld [tilespmem:s19+$0xFFFFFFF0]  }
0x2e: {  	s16 =	smul.u32 $0x8100, s30;
	s15 =	sshrl.u32 s15, $0x2;
	v0 =	vld [tilespmem:s19+$0x0]  }
0x2f: {  	v1 =	vld [tilespmem:s19+$0xFFFFFFE0];
	s17 =	sor.u32 $0x4000, s15  }
0x30: {  	s31 =	sshrl.u32 s16, $0x2;
	s16 =	sadd.s32 $0x0, s17  }
0x31: {  	s18 =	simm.s32 $0x4;
	s19 =	sadd.s32 $0x40, s19;
	s15 =	sor.u32 $0x4000, s31;
	[tilespmem:s16+$0x1830 ss:$0x81] =	vst.msk $0xffff, v3  }
.LBB1_3:
0x32: {  	v3 =	vld [tilespmem:s19+$0x10];
	p1 =	sne.s32 s18, $0x1FC;
	[tilespmem:s16+$0x810 ss:$0x81] =	vst.msk $0xffff, v2;
	s20 =	smov.u32 s18;
	s18 =	sadd.s32 $0x4, s18  }
.Ltmp3:
0x33: {  	v2 =	vld [tilespmem:s19+$0xFFFFFFF0];
	[tilespmem:s16+$0x1020 ss:$0x81] =	vst.msk $0xffff, v0;
	(pc) =	sbr.rel @p1 .LBB1_3-.Ltmp3, $4  }
0x34: {  	v0 =	vld [tilespmem:s19+$0x0];
	[tilespmem:s16+$0x0 ss:$0x81] =	vst.msk $0xffff, v1  }
0x35: {  	s16 =	sshra.s32 s20, $0x2;
	v1 =	vld [tilespmem:s19+$0xFFFFFFE0]  }
0x36: {  	s16 =	sadd.s32 s16, s17  }
0x37: {  	s19 =	sadd.s32 $0x40, s19;
	[tilespmem:s16+$0x1830 ss:$0x81] =	vst.msk $0xffff, v3  }
.Ltmp4:
0x38: {  	_ = 	snop;
	(pc) =	sbr.rel .LBB1_4-.Ltmp4, $1  }
0x39: {  	_ =	sdelay $0x3  }
.LBB1_6:
0x3a: {  	_ =	sfence.sel $0x180000  }
0x3b: {  	s2 =	simm.s32 $0x1;
	[bflag:$0x0] =	sbarrier.arrive $0xFFFF  }
0x3c: {  	s31 =	simm.s32 $0x2;
	[sflag:s2] =	ssyncpa.u1 $0x1  }
0x3d: {  	[sflag:s31] =	ssyncpa.u1 $0x1  }
0x3e: {  	p0 =	sne.s32 s0, $0x0;
	_ =	strace $0x9000004A  }
0x3f: {  	s0 =	sadd.s32 @!p0 $0x100000, s1;
	[bflag:$0x2] =	sbarrier.arrive $0xFFFF  }
0x40: {  	[sflag:s0] =	ssyncadd.tile.s32 @!p0 $0x1;
	_ =	shalt  }
.Lfunc_end1:
_tile_overlayer_lowered:
.L_overlay_start_2:
0x41: {  	(tag) =	ssettag $0x2  }
0x42: {  	s0 =	rddreg [dreg:$0x0];
	s2 =	stileid.u32  }
0x43: {  	s1 =	rddreg [dreg:$0x1];
	p0 =	sne.s32 s2, $0x0  }
0x44: {  	s3 =	rddreg [dreg:$0x2];
	[bflag:$0x3] =	sbarrier.arrive $0xFFFF;
	s2 =	simm.s32 @!p0 $0x1C01  }
0x45: {  	[timem:s3], [sflag:s2] =	dma.local @!p0 [hbm:s0], s1  }
0x46: {  	s0 =	simm.s32 @!p0 $0x1  }
0x47: {  	_ =	swait.ge @!p0 [sflag:s0], s1  }
0x48: {  	s1 =	ssub.s32 @!p0 $0x0, s1;
	[sflag:s0] =	ssyncset.done @!p0 $0x0  }
0x49: {  	[sflag:s0] =	ssyncadd.s32 @!p0 s1  }
0x4a: {  	[bflag:$0x3] =	sbarrier.arrive $0xFFFF  }
0x4b: {  	_ =	shalt  }

</sc_bundles>
